<compile_context>
chip_gen: v7x
topology: tpu7x:2x2x1
jax: 0.10.2.dev20260603
libtpu: 0.0.44.dev20260713+nightly
codegen_flags: <defaults>
</compile_context>

<pallas_src>
import functools

import jax
import jax.numpy as jnp
from jax import lax
from jax.experimental import pallas as pl
from jax.experimental.pallas import tpu as pltpu
from jax.experimental.pallas import tpu_sc as plsc

N = 10000
E = 320000
D_IN = 128
D_HID = 128
D_LAT = 64

NC = 2
NS = 16
NW = NC * NS

N_PAD = 10240
ROWS_PER_TILE = N_PAD // NS
EPT = 10240
E_PAD = EPT * NW

_MESH = plsc.VectorSubcoreMesh(core_axis_name="c", subcore_axis_name="s")
_SC_PARAMS = pltpu.CompilerParams(
    needs_layout_passes=False, use_tc_tiling_on_sc=False
)


@functools.partial(
    pl.kernel,
    mesh=_MESH,
    out_type=jax.ShapeDtypeStruct((NC, N_PAD), jnp.float32),
    scratch_types=[
        pltpu.VMEM((EPT,), jnp.int32),
        pltpu.VMEM((N_PAD,), jnp.float32),
        pltpu.VMEM((ROWS_PER_TILE,), jnp.float32),
        pltpu.VMEM((ROWS_PER_TILE,), jnp.float32),
        pltpu.VMEM_SHARED((NS, N_PAD), jnp.float32),
    ],
    compiler_params=_SC_PARAMS,
)
def _deg_kernel(dst_hbm, out_hbm, dst_v, hist_v, tmp_v, acc_v, spart):
    c = lax.axis_index("c")
    s = lax.axis_index("s")
    wid = s * NC + c
    zeros16 = jnp.zeros((16,), jnp.float32)
    ones16 = jnp.ones((16,), jnp.float32)

    def zero_hist(i, carry):
        hist_v[pl.ds(i * 16, 16)] = zeros16
        return carry

    lax.fori_loop(0, N_PAD // 16, zero_hist, 0)

    pltpu.sync_copy(dst_hbm.at[pl.ds(wid * EPT, EPT)], dst_v)

    def count(i, carry):
        idx = dst_v[pl.ds(i * 16, 16)]
        plsc.addupdate_scatter(hist_v, [idx], ones16)
        return carry

    lax.fori_loop(0, EPT // 16, count, 0)

    pltpu.sync_copy(hist_v, spart.at[s])
    plsc.subcore_barrier()

    col = s * ROWS_PER_TILE

    def zero_acc(i, carry):
        acc_v[pl.ds(i * 16, 16)] = zeros16
        return carry

    lax.fori_loop(0, ROWS_PER_TILE // 16, zero_acc, 0)

    for j in range(NS):
        pltpu.sync_copy(spart.at[j, pl.ds(col, ROWS_PER_TILE)], tmp_v)

        def add(i, carry):
            acc_v[pl.ds(i * 16, 16)] = (
                acc_v[pl.ds(i * 16, 16)] + tmp_v[pl.ds(i * 16, 16)]
            )
            return carry

        lax.fori_loop(0, ROWS_PER_TILE // 16, add, 0)

    pltpu.sync_copy(acc_v, out_hbm.at[c, pl.ds(col, ROWS_PER_TILE)])


def _make_edge_agg(d, chunk, nch0, nch1, nb):
    assert nch0 % nb == 0 and nch1 % nb == 0

    @functools.partial(
        pl.kernel,
        mesh=_MESH,
        out_type=jax.ShapeDtypeStruct((NC, N_PAD, d), jnp.float32),
        scratch_types=[
            pltpu.VMEM((nch0, chunk), jnp.int32),
            pltpu.VMEM((nch0, chunk), jnp.int32),
            pltpu.VMEM((nb * chunk, d), jnp.float32),
            pltpu.VMEM_SHARED((N_PAD, d), jnp.float32),
            [pltpu.SemaphoreType.DMA] * nb,
            [pltpu.SemaphoreType.DMA] * nb,
        ],
        compiler_params=_SC_PARAMS,
    )
    def edge_agg(g_hbm, src_hbm, dst_hbm, out_hbm,
                 sidx, didx, rows_all, acc, gsem, ssem):
        rows = [rows_all.at[pl.ds(b * chunk, chunk)] for b in range(nb)]
        c = lax.axis_index("c")
        s = lax.axis_index("s")
        row0 = s * ROWS_PER_TILE
        nch_here = jnp.where(c == 0, nch0, nch1)
        nsup = jnp.where(c == 0, nch0 // nb, nch1 // nb)

        pltpu.sync_copy(src_hbm.at[c, s], sidx)
        pltpu.sync_copy(dst_hbm.at[c, s], didx)

        zeros16 = jnp.zeros((16,), jnp.float32)

        def zrow(r, carry):
            for k in range(d // 16):
                rows_all[r, pl.ds(k * 16, 16)] = zeros16
            return carry

        lax.fori_loop(0, chunk, zrow, 0)
        for j in range(ROWS_PER_TILE // chunk):
            pltpu.sync_copy(rows[0], acc.at[pl.ds(row0 + j * chunk, chunk)])

        plsc.subcore_barrier()

        for b in range(nb):
            pltpu.async_copy(g_hbm.at[sidx.at[b]], rows[b], gsem[b])

        def sup(i, carry):
            cc0 = i * nb
            for b in range(nb):
                pltpu.make_async_copy(
                    g_hbm.at[sidx.at[cc0 + b]], rows[b], gsem[b]
                ).wait()
                pltpu.make_async_copy(
                    rows[b], acc.at[didx.at[cc0 + b]], ssem[b]
                ).start(add=True)
            for b in range(nb):
                pltpu.make_async_copy(
                    rows[b], acc.at[didx.at[cc0 + b]], ssem[b]
                ).wait()

                @pl.when(cc0 + b + nb < nch_here)
                def _():
                    pltpu.async_copy(
                        g_hbm.at[sidx.at[cc0 + b + nb]], rows[b], gsem[b]
                    )

            return carry

        lax.fori_loop(0, nsup, sup, 0)

        plsc.subcore_barrier()
        pltpu.sync_copy(
            acc.at[pl.ds(row0, ROWS_PER_TILE)],
            out_hbm.at[c, pl.ds(row0, ROWS_PER_TILE)],
        )

    return edge_agg


def _make_edge_agg_staged(d, chunk, nch0, nch1, nb):
    assert nch0 % nb == 0 and nch1 % nb == 0

    @functools.partial(
        pl.kernel,
        mesh=_MESH,
        out_type=jax.ShapeDtypeStruct((NC, N_PAD, d), jnp.bfloat16),
        scratch_types=[
            pltpu.VMEM((nch0, chunk), jnp.int32),
            pltpu.VMEM((nch0, chunk), jnp.int32),
            pltpu.VMEM((nb * chunk, d), jnp.bfloat16),
            pltpu.VMEM_SHARED((N_PAD, d), jnp.bfloat16),
            pltpu.VMEM_SHARED((N_PAD, d), jnp.bfloat16),
            [pltpu.SemaphoreType.DMA] * nb,
            [pltpu.SemaphoreType.DMA] * nb,
        ],
        compiler_params=_SC_PARAMS,
    )
    def edge_agg(g_hbm, z_hbm, src_hbm, dst_hbm, out_hbm,
                 sidx, didx, rows_all, gbuf, acc, gsem, ssem):
        rows = [rows_all.at[pl.ds(b * chunk, chunk)] for b in range(nb)]
        c = lax.axis_index("c")
        s = lax.axis_index("s")
        row0 = s * ROWS_PER_TILE
        nch_here = jnp.where(c == 0, nch0, nch1)
        nsup = jnp.where(c == 0, nch0 // nb, nch1 // nb)

        pltpu.sync_copy(src_hbm.at[c, s], sidx)
        pltpu.sync_copy(dst_hbm.at[c, s], didx)

        pltpu.sync_copy(
            g_hbm.at[pl.ds(row0, ROWS_PER_TILE)],
            gbuf.at[pl.ds(row0, ROWS_PER_TILE)],
        )
        pltpu.sync_copy(z_hbm, acc.at[pl.ds(row0, ROWS_PER_TILE)])

        plsc.subcore_barrier()

        for b in range(nb):
            pltpu.async_copy(gbuf.at[sidx.at[b]], rows[b], gsem[b])

        def sup(i, carry):
            cc0 = i * nb
            for b in range(nb):
                pltpu.make_async_copy(
                    gbuf.at[sidx.at[cc0 + b]], rows[b], gsem[b]
                ).wait()
                pltpu.make_async_copy(
                    rows[b], acc.at[didx.at[cc0 + b]], ssem[b]
                ).start(add=True)
            for b in range(nb):
                pltpu.make_async_copy(
                    rows[b], acc.at[didx.at[cc0 + b]], ssem[b]
                ).wait()

                @pl.when(cc0 + b + nb < nch_here)
                def _():
                    pltpu.async_copy(
                        gbuf.at[sidx.at[cc0 + b + nb]], rows[b], gsem[b]
                    )

            return carry

        lax.fori_loop(0, nsup, sup, 0)

        plsc.subcore_barrier()
        pltpu.sync_copy(
            acc.at[pl.ds(row0, ROWS_PER_TILE)],
            out_hbm.at[c, pl.ds(row0, ROWS_PER_TILE)],
        )

    return edge_agg


_HID_SPLIT = (64, 160, 160)
_LAT_SPLIT = (128, 80, 80)
_edge_agg_hid = _make_edge_agg_staged(D_HID, *_HID_SPLIT, nb=2)
_edge_agg_lat = _make_edge_agg_staged(D_LAT, *_LAT_SPLIT, nb=4)


def _split_edges(flat, chunk, nch0, nch1):
    e0 = NS * nch0 * chunk
    p0 = flat[:e0].reshape(NS, nch0, chunk)
    p1 = flat[e0:].reshape(NS, nch1, chunk)
    p1 = jnp.pad(p1, ((0, 0), (0, nch0 - nch1), (0, 0)), constant_values=N)
    return jnp.stack([p0, p1])


_BLK = 1024
_GRID = N_PAD // _BLK


def _scale_mm_body(hist_ref, x_ref, w_ref, g_ref, gbf_ref, dinv_ref):
    deg = hist_ref[:, 0:1] + hist_ref[:, 1:2] + 1.0
    dinv = lax.rsqrt(deg)
    dinv_ref[...] = dinv
    g = jnp.dot(
        x_ref[...] * dinv, w_ref[...], preferred_element_type=jnp.float32
    )
    g_ref[...] = g
    gbf_ref[...] = g.astype(jnp.bfloat16)


def _scale_mm(hist_t, xp, W1):
    return pl.pallas_call(
        _scale_mm_body,
        grid=(_GRID,),
        in_specs=[
            pl.BlockSpec((_BLK, NC), lambda i: (i, 0)),
            pl.BlockSpec((_BLK, D_IN), lambda i: (i, 0)),
            pl.BlockSpec((D_IN, D_HID), lambda i: (0, 0)),
        ],
        out_specs=[
            pl.BlockSpec((_BLK, D_HID), lambda i: (i, 0)),
            pl.BlockSpec((_BLK, D_HID), lambda i: (i, 0)),
            pl.BlockSpec((_BLK, 1), lambda i: (i, 0)),
        ],
        out_shape=[
            jax.ShapeDtypeStruct((N_PAD, D_HID), jnp.float32),
            jax.ShapeDtypeStruct((N_PAD, D_HID), jnp.bfloat16),
            jax.ShapeDtypeStruct((N_PAD, 1), jnp.float32),
        ],
    )(hist_t, xp, W1)


def _mid_body(sa_ref, sb_ref, g_ref, dinv_ref, b_ref, w_ref, out_ref, obf_ref):
    dinv = dinv_ref[...]
    s = sa_ref[...].astype(jnp.float32) + sb_ref[...].astype(jnp.float32)
    z = (s + g_ref[...]) * dinv + b_ref[...]
    z = jnp.maximum(z, 0.0)
    g2 = jnp.dot(z, w_ref[...], preferred_element_type=jnp.float32) * dinv
    out_ref[...] = g2
    obf_ref[...] = g2.astype(jnp.bfloat16)


def _mid_layer(sa, sb, g1, dinv, b1, W2):
    return pl.pallas_call(
        _mid_body,
        grid=(_GRID,),
        in_specs=[
            pl.BlockSpec((_BLK, D_HID), lambda i: (i, 0)),
            pl.BlockSpec((_BLK, D_HID), lambda i: (i, 0)),
            pl.BlockSpec((_BLK, D_HID), lambda i: (i, 0)),
            pl.BlockSpec((_BLK, 1), lambda i: (i, 0)),
            pl.BlockSpec((1, D_HID), lambda i: (0, 0)),
            pl.BlockSpec((D_HID, D_LAT), lambda i: (0, 0)),
        ],
        out_specs=[
            pl.BlockSpec((_BLK, D_LAT), lambda i: (i, 0)),
            pl.BlockSpec((_BLK, D_LAT), lambda i: (i, 0)),
        ],
        out_shape=[
            jax.ShapeDtypeStruct((N_PAD, D_LAT), jnp.float32),
            jax.ShapeDtypeStruct((N_PAD, D_LAT), jnp.bfloat16),
        ],
    )(sa, sb, g1, dinv, b1, W2)


def _final_body(sa_ref, sb_ref, g_ref, dinv_ref, b_ref, out_ref):
    s = sa_ref[...].astype(jnp.float32) + sb_ref[...].astype(jnp.float32)
    out_ref[...] = (s + g_ref[...]) * dinv_ref[...] + b_ref[...]


def _final_layer(sa, sb, g2, dinv, b2):
    return pl.pallas_call(
        _final_body,
        grid=(_GRID,),
        in_specs=[
            pl.BlockSpec((_BLK, D_LAT), lambda i: (i, 0)),
            pl.BlockSpec((_BLK, D_LAT), lambda i: (i, 0)),
            pl.BlockSpec((_BLK, D_LAT), lambda i: (i, 0)),
            pl.BlockSpec((_BLK, 1), lambda i: (i, 0)),
            pl.BlockSpec((1, D_LAT), lambda i: (0, 0)),
        ],
        out_specs=pl.BlockSpec((_BLK, D_LAT), lambda i: (i, 0)),
        out_shape=jax.ShapeDtypeStruct((N_PAD, D_LAT), jnp.float32),
    )(sa, sb, g2, dinv, b2)


def kernel(x, edge_index, W1, b1, W2, b2):
    src = edge_index[0]
    dst = edge_index[1]
    pad = jnp.full((E_PAD - E,), N, dtype=jnp.int32)
    srcp = jnp.concatenate([src, pad])
    dstp = jnp.concatenate([dst, pad])
    src_h = _split_edges(srcp, *_HID_SPLIT)
    dst_h = _split_edges(dstp, *_HID_SPLIT)
    src_l = _split_edges(srcp, *_LAT_SPLIT)
    dst_l = _split_edges(dstp, *_LAT_SPLIT)
    xp = jnp.pad(x, ((0, N_PAD - N), (0, 0)))

    zhid = jnp.zeros((ROWS_PER_TILE, D_HID), jnp.bfloat16)
    zlat = jnp.zeros((ROWS_PER_TILE, D_LAT), jnp.bfloat16)

    hist = _deg_kernel(dstp)
    g1, g1bf, dinv = _scale_mm(hist.T, xp, W1)
    s1 = _edge_agg_hid(g1bf, zhid, src_h, dst_h)
    g2, g2bf = _mid_layer(s1[0], s1[1], g1, dinv, b1.reshape(1, D_HID), W2)
    s2 = _edge_agg_lat(g2bf, zlat, src_l, dst_l)
    out = _final_layer(s2[0], s2[1], g2, dinv, b2.reshape(1, D_LAT))
    return out[:N]

# --- scband reference (transcript-rebuilt; emitter-appended) ---
"""Pipeline reference for scband-graph-encoder-82703890252459 (READ-ONLY COPY).

The authoritative reference and input builder live on the scoring server;
editing this copy changes nothing except your own understanding.
"""

import jax, jax.numpy as jnp
import numpy as np

N = 10000
E = 320000
D_IN = 128
D_HID = 128
D_LAT = 64


def gcn_conv(x, edge_index, W, b):
    # Faithful GCNConv (PyG default): add self-loops, symmetric normalization
    n = x.shape[0]
    loop = jnp.arange(n, dtype=edge_index.dtype)
    src = jnp.concatenate([edge_index[0], loop])
    dst = jnp.concatenate([edge_index[1], loop])
    ones = jnp.ones(src.shape[0], dtype=x.dtype)
    deg = jax.ops.segment_sum(ones, dst, num_segments=n)
    deg_inv_sqrt = jnp.where(deg > 0, 1.0 / jnp.sqrt(deg), 0.0)
    norm = deg_inv_sqrt[src] * deg_inv_sqrt[dst]
    h = x @ W
    msg = h[src] * norm[:, None]
    out = jax.ops.segment_sum(msg, dst, num_segments=n)
    return out + b


def setup_inputs(seed: int = 0) -> dict:
    key = jax.random.key(seed)
    ks = jax.random.split(key, 6)
    x = jax.random.normal(ks[0], (N, D_IN), dtype=jnp.float32)
    edge_index = jax.random.randint(ks[1], (2, E), 0, N, dtype=jnp.int32)
    # Glorot-initialized weights like GCNConv, zero bias
    W1 = jax.random.normal(ks[2], (D_IN, D_HID), dtype=jnp.float32) * (1.0 / np.sqrt(D_IN))
    b1 = jnp.zeros((D_HID,), dtype=jnp.float32)
    W2 = jax.random.normal(ks[3], (D_HID, D_LAT), dtype=jnp.float32) * (1.0 / np.sqrt(D_HID))
    b2 = jnp.zeros((D_LAT,), dtype=jnp.float32)
    return {"x": x, "edge_index": edge_index, "W1": W1, "b1": b1, "W2": W2, "b2": b2}


def reference(x, edge_index, W1, b1, W2, b2):
    h = jax.nn.relu(gcn_conv(x, edge_index, W1, b1))
    out = gcn_conv(h, edge_index, W2, b2)
    return out

if __name__ == "__main__":
    import jax
    _d = setup_inputs()
    print(jax.jit(kernel)(*tuple(_d.values())))

</pallas_src>

<mosaic_0001>
#map = affine_map<(d0, d1) -> (0, 0)>
#map1 = affine_map<(d0, d1) -> (0, 0, 0, 0)>
#map2 = affine_map<(d0, d1) -> (0, 0, 0)>
module attributes {stable_mosaic.version = 14 : i64} {
  func.func @edge_agg(%arg0: i32, %arg1: i32, %arg2: memref<10240x64xbf16, #tpu.memory_space<hbm>>, %arg3: memref<640x64xbf16, #tpu.memory_space<hbm>>, %arg4: memref<2x16x80x128xi32, #tpu.memory_space<hbm>>, %arg5: memref<2x16x80x128xi32, #tpu.memory_space<hbm>>, %arg6: memref<2x10240x64xbf16, #tpu.memory_space<hbm>>, %arg7: memref<80x128xi32, #tpu.memory_space<vmem>>, %arg8: memref<80x128xi32, #tpu.memory_space<vmem>>, %arg9: memref<512x64xbf16, #tpu.memory_space<vmem>>, %arg10: memref<10240x64xbf16, #tpu.memory_space<vmem_shared>>, %arg11: memref<10240x64xbf16, #tpu.memory_space<vmem_shared>>, %arg12: memref<!tpu.dma_semaphore, #tpu.memory_space<semaphore_mem>>, %arg13: memref<!tpu.dma_semaphore, #tpu.memory_space<semaphore_mem>>, %arg14: memref<!tpu.dma_semaphore, #tpu.memory_space<semaphore_mem>>, %arg15: memref<!tpu.dma_semaphore, #tpu.memory_space<semaphore_mem>>, %arg16: memref<!tpu.dma_semaphore, #tpu.memory_space<semaphore_mem>>, %arg17: memref<!tpu.dma_semaphore, #tpu.memory_space<semaphore_mem>>, %arg18: memref<!tpu.dma_semaphore, #tpu.memory_space<semaphore_mem>>, %arg19: memref<!tpu.dma_semaphore, #tpu.memory_space<semaphore_mem>>) attributes {dimension_semantics = [#tpu.dimension_semantics<core_parallel>, #tpu.dimension_semantics<subcore_parallel>], iteration_bounds = array<i64: 2, 16>, scalar_prefetch = 0 : i64, scratch_operands = 13 : i64, tpu.core_type = #tpu.core_type<sc_vector_subcore>, window_params = [{transform_indices = #map}, {transform_indices = #map}, {transform_indices = #map1}, {transform_indices = #map1}, {transform_indices = #map2}]} {
    %mul3A = arith.constant 640 : i32
    %mul3A_0 = arith.muli %arg1, %mul3A : i32
    %eq3A = arith.constant 0 : i32
    %eq3A_1 = arith.cmpi eq, %arg0, %eq3A : i32
    %jit3A = arith.constant 80 : i32
    %jit3A_2 = arith.constant 80 : i32
    %select_n3A = arith.select %eq3A_1, %jit3A, %jit3A_2 : i32
    %eq3A_3 = arith.constant 0 : i32
    %eq3A_4 = arith.cmpi eq, %arg0, %eq3A_3 : i32
    %jit3A_5 = arith.constant 20 : i32
    %jit3A_6 = arith.constant 20 : i32
    %select_n3A_7 = arith.select %eq3A_4, %jit3A_5, %jit3A_6 : i32
    "tpu.region"() ({
      %run_scoped3A = tpu.sem_alloc : memref<!tpu.dma_semaphore, #tpu.memory_space<semaphore_mem>>
      %dma_start3A_57 = arith.constant 0 : i32
      %dma_start3A_58 = arith.constant 0 : i32
      %dma_start3A_59 = tpu.memref_slice %arg4[%arg0, %arg1, %dma_start3A_57, %dma_start3A_58] : memref<2x16x80x128xi32, #tpu.memory_space<hbm>> -> memref<1x1x80x128xi32, #tpu.memory_space<hbm>>
      %dma_start3A_60 = tpu.memref_squeeze %dma_start3A_59 : memref<1x1x80x128xi32, #tpu.memory_space<hbm>> -> memref<80x128xi32, #tpu.memory_space<hbm>>
      %dma_start3A_61 = arith.constant 0 : i32
      %dma_start3A_62 = arith.constant 0 : i32
      %dma_start3A_63 = tpu.memref_slice %arg4[%arg0, %arg1, %dma_start3A_61, %dma_start3A_62] : memref<2x16x80x128xi32, #tpu.memory_space<hbm>> -> memref<1x1x80x128xi32, #tpu.memory_space<hbm>>
      %dma_start3A_64 = tpu.memref_squeeze %dma_start3A_63 : memref<1x1x80x128xi32, #tpu.memory_space<hbm>> -> memref<80x128xi32, #tpu.memory_space<hbm>>
      tpu.enqueue_dma source(%dma_start3A_64 : memref<80x128xi32, #tpu.memory_space<hbm>>) target(%arg7 : memref<80x128xi32, #tpu.memory_space<vmem>>) target_semaphore(%run_scoped3A : memref<!tpu.dma_semaphore, #tpu.memory_space<semaphore_mem>>)
      %dma_wait3A = arith.constant 0 : i32
      %dma_wait3A_65 = arith.constant 0 : i32
      %dma_wait3A_66 = tpu.memref_slice %arg4[%arg0, %arg1, %dma_wait3A, %dma_wait3A_65] : memref<2x16x80x128xi32, #tpu.memory_space<hbm>> -> memref<1x1x80x128xi32, #tpu.memory_space<hbm>>
      %dma_wait3A_67 = tpu.memref_squeeze %dma_wait3A_66 : memref<1x1x80x128xi32, #tpu.memory_space<hbm>> -> memref<80x128xi32, #tpu.memory_space<hbm>>
      %dma_wait3A_68 = arith.constant 0 : i32
      %dma_wait3A_69 = arith.constant 0 : i32
      %dma_wait3A_70 = tpu.memref_slice %arg4[%arg0, %arg1, %dma_wait3A_68, %dma_wait3A_69] : memref<2x16x80x128xi32, #tpu.memory_space<hbm>> -> memref<1x1x80x128xi32, #tpu.memory_space<hbm>>
      %dma_wait3A_71 = tpu.memref_squeeze %dma_wait3A_70 : memref<1x1x80x128xi32, #tpu.memory_space<hbm>> -> memref<80x128xi32, #tpu.memory_space<hbm>>
      tpu.wait_dma2 semaphore(%run_scoped3A : memref<!tpu.dma_semaphore, #tpu.memory_space<semaphore_mem>>) src(%dma_wait3A_71 : memref<80x128xi32, #tpu.memory_space<hbm>>) dst(%arg7 : memref<80x128xi32, #tpu.memory_space<vmem>>)
      tpu.yield
    }) : () -> ()
    "tpu.region"() ({
      %run_scoped3A = tpu.sem_alloc : memref<!tpu.dma_semaphore, #tpu.memory_space<semaphore_mem>>
      %dma_start3A_57 = arith.constant 0 : i32
      %dma_start3A_58 = arith.constant 0 : i32
      %dma_start3A_59 = tpu.memref_slice %arg5[%arg0, %arg1, %dma_start3A_57, %dma_start3A_58] : memref<2x16x80x128xi32, #tpu.memory_space<hbm>> -> memref<1x1x80x128xi32, #tpu.memory_space<hbm>>
      %dma_start3A_60 = tpu.memref_squeeze %dma_start3A_59 : memref<1x1x80x128xi32, #tpu.memory_space<hbm>> -> memref<80x128xi32, #tpu.memory_space<hbm>>
      %dma_start3A_61 = arith.constant 0 : i32
      %dma_start3A_62 = arith.constant 0 : i32
      %dma_start3A_63 = tpu.memref_slice %arg5[%arg0, %arg1, %dma_start3A_61, %dma_start3A_62] : memref<2x16x80x128xi32, #tpu.memory_space<hbm>> -> memref<1x1x80x128xi32, #tpu.memory_space<hbm>>
      %dma_start3A_64 = tpu.memref_squeeze %dma_start3A_63 : memref<1x1x80x128xi32, #tpu.memory_space<hbm>> -> memref<80x128xi32, #tpu.memory_space<hbm>>
      tpu.enqueue_dma source(%dma_start3A_64 : memref<80x128xi32, #tpu.memory_space<hbm>>) target(%arg8 : memref<80x128xi32, #tpu.memory_space<vmem>>) target_semaphore(%run_scoped3A : memref<!tpu.dma_semaphore, #tpu.memory_space<semaphore_mem>>)
      %dma_wait3A = arith.constant 0 : i32
      %dma_wait3A_65 = arith.constant 0 : i32
      %dma_wait3A_66 = tpu.memref_slice %arg5[%arg0, %arg1, %dma_wait3A, %dma_wait3A_65] : memref<2x16x80x128xi32, #tpu.memory_space<hbm>> -> memref<1x1x80x128xi32, #tpu.memory_space<hbm>>
      %dma_wait3A_67 = tpu.memref_squeeze %dma_wait3A_66 : memref<1x1x80x128xi32, #tpu.memory_space<hbm>> -> memref<80x128xi32, #tpu.memory_space<hbm>>
      %dma_wait3A_68 = arith.constant 0 : i32
      %dma_wait3A_69 = arith.constant 0 : i32
      %dma_wait3A_70 = tpu.memref_slice %arg5[%arg0, %arg1, %dma_wait3A_68, %dma_wait3A_69] : memref<2x16x80x128xi32, #tpu.memory_space<hbm>> -> memref<1x1x80x128xi32, #tpu.memory_space<hbm>>
      %dma_wait3A_71 = tpu.memref_squeeze %dma_wait3A_70 : memref<1x1x80x128xi32, #tpu.memory_space<hbm>> -> memref<80x128xi32, #tpu.memory_space<hbm>>
      tpu.wait_dma2 semaphore(%run_scoped3A : memref<!tpu.dma_semaphore, #tpu.memory_space<semaphore_mem>>) src(%dma_wait3A_71 : memref<80x128xi32, #tpu.memory_space<hbm>>) dst(%arg8 : memref<80x128xi32, #tpu.memory_space<vmem>>)
      tpu.yield
    }) : () -> ()
    "tpu.region"() ({
      %run_scoped3A = tpu.sem_alloc : memref<!tpu.dma_semaphore, #tpu.memory_space<semaphore_mem>>
      %dma_start3A_57 = arith.constant 0 : i32
      %dma_start3A_58 = tpu.memref_slice %arg10[%mul3A_0, %dma_start3A_57] : memref<10240x64xbf16, #tpu.memory_space<vmem_shared>> -> memref<640x64xbf16, #tpu.memory_space<vmem_shared>>
      %dma_start3A_59 = arith.constant 0 : i32
      %dma_start3A_60 = tpu.memref_slice %arg2[%mul3A_0, %dma_start3A_59] : memref<10240x64xbf16, #tpu.memory_space<hbm>> -> memref<640x64xbf16, #tpu.memory_space<hbm>>
      tpu.enqueue_dma source(%dma_start3A_60 : memref<640x64xbf16, #tpu.memory_space<hbm>>) target(%dma_start3A_58 : memref<640x64xbf16, #tpu.memory_space<vmem_shared>>) target_semaphore(%run_scoped3A : memref<!tpu.dma_semaphore, #tpu.memory_space<semaphore_mem>>)
      %dma_wait3A = arith.constant 0 : i32
      %dma_wait3A_61 = tpu.memref_slice %arg10[%mul3A_0, %dma_wait3A] : memref<10240x64xbf16, #tpu.memory_space<vmem_shared>> -> memref<640x64xbf16, #tpu.memory_space<vmem_shared>>
      %dma_wait3A_62 = arith.constant 0 : i32
      %dma_wait3A_63 = tpu.memref_slice %arg2[%mul3A_0, %dma_wait3A_62] : memref<10240x64xbf16, #tpu.memory_space<hbm>> -> memref<640x64xbf16, #tpu.memory_space<hbm>>
      tpu.wait_dma2 semaphore(%run_scoped3A : memref<!tpu.dma_semaphore, #tpu.memory_space<semaphore_mem>>) src(%dma_wait3A_63 : memref<640x64xbf16, #tpu.memory_space<hbm>>) dst(%dma_wait3A_61 : memref<640x64xbf16, #tpu.memory_space<vmem_shared>>)
      tpu.yield
    }) : () -> ()
    "tpu.region"() ({
      %run_scoped3A = tpu.sem_alloc : memref<!tpu.dma_semaphore, #tpu.memory_space<semaphore_mem>>
      %dma_start3A_57 = arith.constant 0 : i32
      %dma_start3A_58 = tpu.memref_slice %arg11[%mul3A_0, %dma_start3A_57] : memref<10240x64xbf16, #tpu.memory_space<vmem_shared>> -> memref<640x64xbf16, #tpu.memory_space<vmem_shared>>
      tpu.enqueue_dma source(%arg3 : memref<640x64xbf16, #tpu.memory_space<hbm>>) target(%dma_start3A_58 : memref<640x64xbf16, #tpu.memory_space<vmem_shared>>) target_semaphore(%run_scoped3A : memref<!tpu.dma_semaphore, #tpu.memory_space<semaphore_mem>>)
      %dma_wait3A = arith.constant 0 : i32
      %dma_wait3A_59 = tpu.memref_slice %arg11[%mul3A_0, %dma_wait3A] : memref<10240x64xbf16, #tpu.memory_space<vmem_shared>> -> memref<640x64xbf16, #tpu.memory_space<vmem_shared>>
      tpu.wait_dma2 semaphore(%run_scoped3A : memref<!tpu.dma_semaphore, #tpu.memory_space<semaphore_mem>>) src(%arg3 : memref<640x64xbf16, #tpu.memory_space<hbm>>) dst(%dma_wait3A_59 : memref<640x64xbf16, #tpu.memory_space<vmem_shared>>)
      tpu.yield
    }) : () -> ()
    %barrier3A = arith.constant 0 : index
    tpu.barrier barrier_id(%barrier3A)
    %dma_start3A = arith.constant 0 : i32
    %dma_start3A_8 = arith.constant 0 : i32
    %dma_start3A_9 = arith.constant 0 : i32
    %dma_start3A_10 = tpu.memref_slice %arg9[%dma_start3A_8, %dma_start3A_9] : memref<512x64xbf16, #tpu.memory_space<vmem>> -> memref<128x64xbf16, #tpu.memory_space<vmem>>
    %dma_start3A_11 = arith.constant 0 : i32
    %dma_start3A_12 = tpu.memref_slice %arg7[%dma_start3A, %dma_start3A_11] : memref<80x128xi32, #tpu.memory_space<vmem>> -> memref<1x128xi32, #tpu.memory_space<vmem>>
    %dma_start3A_13 = tpu.memref_squeeze %dma_start3A_12 : memref<1x128xi32, #tpu.memory_space<vmem>> -> memref<128xi32, #tpu.memory_space<vmem>>
    %dma_start3A_14 = arith.constant 0 : i32
    %dma_start3A_15 = arith.constant 0 : i32
    %dma_start3A_16 = tpu.memref_slice %arg10[%dma_start3A_14, %dma_start3A_15] : memref<10240x64xbf16, #tpu.memory_space<vmem_shared>> -> memref<10240x64xbf16, #tpu.memory_space<vmem_shared>>
    tpu.enqueue_indirect_dma source(%dma_start3A_16 : memref<10240x64xbf16, #tpu.memory_space<vmem_shared>>) target(%dma_start3A_10 : memref<128x64xbf16, #tpu.memory_space<vmem>>) offsets(%dma_start3A_13 : memref<128xi32, #tpu.memory_space<vmem>>) semaphore(%arg12 : memref<!tpu.dma_semaphore, #tpu.memory_space<semaphore_mem>>)
    %dma_start3A_17 = arith.constant 1 : i32
    %dma_start3A_18 = arith.constant 128 : i32
    %dma_start3A_19 = arith.constant 0 : i32
    %dma_start3A_20 = tpu.memref_slice %arg9[%dma_start3A_18, %dma_start3A_19] : memref<512x64xbf16, #tpu.memory_space<vmem>> -> memref<128x64xbf16, #tpu.memory_space<vmem>>
    %dma_start3A_21 = arith.constant 0 : i32
    %dma_start3A_22 = tpu.memref_slice %arg7[%dma_start3A_17, %dma_start3A_21] : memref<80x128xi32, #tpu.memory_space<vmem>> -> memref<1x128xi32, #tpu.memory_space<vmem>>
    %dma_start3A_23 = tpu.memref_squeeze %dma_start3A_22 : memref<1x128xi32, #tpu.memory_space<vmem>> -> memref<128xi32, #tpu.memory_space<vmem>>
    %dma_start3A_24 = arith.constant 0 : i32
    %dma_start3A_25 = arith.constant 0 : i32
    %dma_start3A_26 = tpu.memref_slice %arg10[%dma_start3A_24, %dma_start3A_25] : memref<10240x64xbf16, #tpu.memory_space<vmem_shared>> -> memref<10240x64xbf16, #tpu.memory_space<vmem_shared>>
    tpu.enqueue_indirect_dma source(%dma_start3A_26 : memref<10240x64xbf16, #tpu.memory_space<vmem_shared>>) target(%dma_start3A_20 : memref<128x64xbf16, #tpu.memory_space<vmem>>) offsets(%dma_start3A_23 : memref<128xi32, #tpu.memory_space<vmem>>) semaphore(%arg13 : memref<!tpu.dma_semaphore, #tpu.memory_space<semaphore_mem>>)
    %dma_start3A_27 = arith.constant 2 : i32
    %dma_start3A_28 = arith.constant 256 : i32
    %dma_start3A_29 = arith.constant 0 : i32
    %dma_start3A_30 = tpu.memref_slice %arg9[%dma_start3A_28, %dma_start3A_29] : memref<512x64xbf16, #tpu.memory_space<vmem>> -> memref<128x64xbf16, #tpu.memory_space<vmem>>
    %dma_start3A_31 = arith.constant 0 : i32
    %dma_start3A_32 = tpu.memref_slice %arg7[%dma_start3A_27, %dma_start3A_31] : memref<80x128xi32, #tpu.memory_space<vmem>> -> memref<1x128xi32, #tpu.memory_space<vmem>>
    %dma_start3A_33 = tpu.memref_squeeze %dma_start3A_32 : memref<1x128xi32, #tpu.memory_space<vmem>> -> memref<128xi32, #tpu.memory_space<vmem>>
    %dma_start3A_34 = arith.constant 0 : i32
    %dma_start3A_35 = arith.constant 0 : i32
    %dma_start3A_36 = tpu.memref_slice %arg10[%dma_start3A_34, %dma_start3A_35] : memref<10240x64xbf16, #tpu.memory_space<vmem_shared>> -> memref<10240x64xbf16, #tpu.memory_space<vmem_shared>>
    tpu.enqueue_indirect_dma source(%dma_start3A_36 : memref<10240x64xbf16, #tpu.memory_space<vmem_shared>>) target(%dma_start3A_30 : memref<128x64xbf16, #tpu.memory_space<vmem>>) offsets(%dma_start3A_33 : memref<128xi32, #tpu.memory_space<vmem>>) semaphore(%arg14 : memref<!tpu.dma_semaphore, #tpu.memory_space<semaphore_mem>>)
    %dma_start3A_37 = arith.constant 3 : i32
    %dma_start3A_38 = arith.constant 384 : i32
    %dma_start3A_39 = arith.constant 0 : i32
    %dma_start3A_40 = tpu.memref_slice %arg9[%dma_start3A_38, %dma_start3A_39] : memref<512x64xbf16, #tpu.memory_space<vmem>> -> memref<128x64xbf16, #tpu.memory_space<vmem>>
    %dma_start3A_41 = arith.constant 0 : i32
    %dma_start3A_42 = tpu.memref_slice %arg7[%dma_start3A_37, %dma_start3A_41] : memref<80x128xi32, #tpu.memory_space<vmem>> -> memref<1x128xi32, #tpu.memory_space<vmem>>
    %dma_start3A_43 = tpu.memref_squeeze %dma_start3A_42 : memref<1x128xi32, #tpu.memory_space<vmem>> -> memref<128xi32, #tpu.memory_space<vmem>>
    %dma_start3A_44 = arith.constant 0 : i32
    %dma_start3A_45 = arith.constant 0 : i32
    %dma_start3A_46 = tpu.memref_slice %arg10[%dma_start3A_44, %dma_start3A_45] : memref<10240x64xbf16, #tpu.memory_space<vmem_shared>> -> memref<10240x64xbf16, #tpu.memory_space<vmem_shared>>
    tpu.enqueue_indirect_dma source(%dma_start3A_46 : memref<10240x64xbf16, #tpu.memory_space<vmem_shared>>) target(%dma_start3A_40 : memref<128x64xbf16, #tpu.memory_space<vmem>>) offsets(%dma_start3A_43 : memref<128xi32, #tpu.memory_space<vmem>>) semaphore(%arg15 : memref<!tpu.dma_semaphore, #tpu.memory_space<semaphore_mem>>)
    %while3A = arith.constant 0 : i32
    %while3A_47 = arith.constant 0 : i32
    %while3A_48 = arith.subi %select_n3A_7, %while3A_47 : i32
    %while3A_49 = arith.addi %while3A_47, %while3A_48 : i32
    %while3A_50 = arith.constant 1 : i32
    %while3A_51 = arith.divsi %while3A_48, %while3A_50 : i32
    %while3A_52 = arith.muli %while3A_51, %while3A_50 : i32
    %while3A_53 = arith.addi %while3A_47, %while3A_52 : i32
    %while3A_54 = arith.constant 1 : i32
    scf.for %while3A_57 = %while3A_47 to %while3A_53 step %while3A_54  : i32 {
      %mul3A_58 = arith.constant 4 : i32
      %mul3A_59 = arith.muli %while3A_57, %mul3A_58 : i32
      %add3A = arith.constant 0 : i32
      %add3A_60 = arith.addi %mul3A_59, %add3A : i32
      %dma_wait3A = arith.constant 0 : i32
      %dma_wait3A_61 = arith.constant 0 : i32
      %dma_wait3A_62 = tpu.memref_slice %arg9[%dma_wait3A, %dma_wait3A_61] : memref<512x64xbf16, #tpu.memory_space<vmem>> -> memref<128x64xbf16, #tpu.memory_space<vmem>>
      %dma_wait3A_63 = arith.constant 0 : i32
      %dma_wait3A_64 = tpu.memref_slice %arg7[%add3A_60, %dma_wait3A_63] : memref<80x128xi32, #tpu.memory_space<vmem>> -> memref<1x128xi32, #tpu.memory_space<vmem>>
      %dma_wait3A_65 = tpu.memref_squeeze %dma_wait3A_64 : memref<1x128xi32, #tpu.memory_space<vmem>> -> memref<128xi32, #tpu.memory_space<vmem>>
      %dma_wait3A_66 = arith.constant 0 : i32
      %dma_wait3A_67 = arith.constant 0 : i32
      %dma_wait3A_68 = tpu.memref_slice %arg10[%dma_wait3A_66, %dma_wait3A_67] : memref<10240x64xbf16, #tpu.memory_space<vmem_shared>> -> memref<10240x64xbf16, #tpu.memory_space<vmem_shared>>
      tpu.wait_indirect_dma semaphore(%arg12 : memref<!tpu.dma_semaphore, #tpu.memory_space<semaphore_mem>>) src(%dma_wait3A_68 : memref<10240x64xbf16, #tpu.memory_space<vmem_shared>>) dst(%dma_wait3A_62 : memref<128x64xbf16, #tpu.memory_space<vmem>>)
      %add3A_69 = arith.constant 0 : i32
      %add3A_70 = arith.addi %mul3A_59, %add3A_69 : i32
      %dma_start3A_71 = arith.constant 0 : i32
      %dma_start3A_72 = arith.constant 0 : i32
      %dma_start3A_73 = tpu.memref_slice %arg9[%dma_start3A_71, %dma_start3A_72] : memref<512x64xbf16, #tpu.memory_space<vmem>> -> memref<128x64xbf16, #tpu.memory_space<vmem>>
      %dma_start3A_74 = arith.constant 0 : i32
      %dma_start3A_75 = tpu.memref_slice %arg8[%add3A_70, %dma_start3A_74] : memref<80x128xi32, #tpu.memory_space<vmem>> -> memref<1x128xi32, #tpu.memory_space<vmem>>
      %dma_start3A_76 = tpu.memref_squeeze %dma_start3A_75 : memref<1x128xi32, #tpu.memory_space<vmem>> -> memref<128xi32, #tpu.memory_space<vmem>>
      %dma_start3A_77 = arith.constant 0 : i32
      %dma_start3A_78 = arith.constant 0 : i32
      %dma_start3A_79 = tpu.memref_slice %arg11[%dma_start3A_77, %dma_start3A_78] : memref<10240x64xbf16, #tpu.memory_space<vmem_shared>> -> memref<10240x64xbf16, #tpu.memory_space<vmem_shared>>
      tpu.enqueue_indirect_dma source(%dma_start3A_73 : memref<128x64xbf16, #tpu.memory_space<vmem>>) target(%dma_start3A_79 : memref<10240x64xbf16, #tpu.memory_space<vmem_shared>>) offsets(%dma_start3A_76 : memref<128xi32, #tpu.memory_space<vmem>>) semaphore(%arg16 : memref<!tpu.dma_semaphore, #tpu.memory_space<semaphore_mem>>) {add = true}
      %add3A_80 = arith.constant 1 : i32
      %add3A_81 = arith.addi %mul3A_59, %add3A_80 : i32
      %dma_wait3A_82 = arith.constant 128 : i32
      %dma_wait3A_83 = arith.constant 0 : i32
      %dma_wait3A_84 = tpu.memref_slice %arg9[%dma_wait3A_82, %dma_wait3A_83] : memref<512x64xbf16, #tpu.memory_space<vmem>> -> memref<128x64xbf16, #tpu.memory_space<vmem>>
      %dma_wait3A_85 = arith.constant 0 : i32
      %dma_wait3A_86 = tpu.memref_slice %arg7[%add3A_81, %dma_wait3A_85] : memref<80x128xi32, #tpu.memory_space<vmem>> -> memref<1x128xi32, #tpu.memory_space<vmem>>
      %dma_wait3A_87 = tpu.memref_squeeze %dma_wait3A_86 : memref<1x128xi32, #tpu.memory_space<vmem>> -> memref<128xi32, #tpu.memory_space<vmem>>
      %dma_wait3A_88 = arith.constant 0 : i32
      %dma_wait3A_89 = arith.constant 0 : i32
      %dma_wait3A_90 = tpu.memref_slice %arg10[%dma_wait3A_88, %dma_wait3A_89] : memref<10240x64xbf16, #tpu.memory_space<vmem_shared>> -> memref<10240x64xbf16, #tpu.memory_space<vmem_shared>>
      tpu.wait_indirect_dma semaphore(%arg13 : memref<!tpu.dma_semaphore, #tpu.memory_space<semaphore_mem>>) src(%dma_wait3A_90 : memref<10240x64xbf16, #tpu.memory_space<vmem_shared>>) dst(%dma_wait3A_84 : memref<128x64xbf16, #tpu.memory_space<vmem>>)
      %add3A_91 = arith.constant 1 : i32
      %add3A_92 = arith.addi %mul3A_59, %add3A_91 : i32
      %dma_start3A_93 = arith.constant 128 : i32
      %dma_start3A_94 = arith.constant 0 : i32
      %dma_start3A_95 = tpu.memref_slice %arg9[%dma_start3A_93, %dma_start3A_94] : memref<512x64xbf16, #tpu.memory_space<vmem>> -> memref<128x64xbf16, #tpu.memory_space<vmem>>
      %dma_start3A_96 = arith.constant 0 : i32
      %dma_start3A_97 = tpu.memref_slice %arg8[%add3A_92, %dma_start3A_96] : memref<80x128xi32, #tpu.memory_space<vmem>> -> memref<1x128xi32, #tpu.memory_space<vmem>>
      %dma_start3A_98 = tpu.memref_squeeze %dma_start3A_97 : memref<1x128xi32, #tpu.memory_space<vmem>> -> memref<128xi32, #tpu.memory_space<vmem>>
      %dma_start3A_99 = arith.constant 0 : i32
      %dma_start3A_100 = arith.constant 0 : i32
      %dma_start3A_101 = tpu.memref_slice %arg11[%dma_start3A_99, %dma_start3A_100] : memref<10240x64xbf16, #tpu.memory_space<vmem_shared>> -> memref<10240x64xbf16, #tpu.memory_space<vmem_shared>>
      tpu.enqueue_indirect_dma source(%dma_start3A_95 : memref<128x64xbf16, #tpu.memory_space<vmem>>) target(%dma_start3A_101 : memref<10240x64xbf16, #tpu.memory_space<vmem_shared>>) offsets(%dma_start3A_98 : memref<128xi32, #tpu.memory_space<vmem>>) semaphore(%arg17 : memref<!tpu.dma_semaphore, #tpu.memory_space<semaphore_mem>>) {add = true}
      %add3A_102 = arith.constant 2 : i32
      %add3A_103 = arith.addi %mul3A_59, %add3A_102 : i32
      %dma_wait3A_104 = arith.constant 256 : i32
      %dma_wait3A_105 = arith.constant 0 : i32
      %dma_wait3A_106 = tpu.memref_slice %arg9[%dma_wait3A_104, %dma_wait3A_105] : memref<512x64xbf16, #tpu.memory_space<vmem>> -> memref<128x64xbf16, #tpu.memory_space<vmem>>
      %dma_wait3A_107 = arith.constant 0 : i32
      %dma_wait3A_108 = tpu.memref_slice %arg7[%add3A_103, %dma_wait3A_107] : memref<80x128xi32, #tpu.memory_space<vmem>> -> memref<1x128xi32, #tpu.memory_space<vmem>>
      %dma_wait3A_109 = tpu.memref_squeeze %dma_wait3A_108 : memref<1x128xi32, #tpu.memory_space<vmem>> -> memref<128xi32, #tpu.memory_space<vmem>>
      %dma_wait3A_110 = arith.constant 0 : i32
      %dma_wait3A_111 = arith.constant 0 : i32
      %dma_wait3A_112 = tpu.memref_slice %arg10[%dma_wait3A_110, %dma_wait3A_111] : memref<10240x64xbf16, #tpu.memory_space<vmem_shared>> -> memref<10240x64xbf16, #tpu.memory_space<vmem_shared>>
      tpu.wait_indirect_dma semaphore(%arg14 : memref<!tpu.dma_semaphore, #tpu.memory_space<semaphore_mem>>) src(%dma_wait3A_112 : memref<10240x64xbf16, #tpu.memory_space<vmem_shared>>) dst(%dma_wait3A_106 : memref<128x64xbf16, #tpu.memory_space<vmem>>)
      %add3A_113 = arith.constant 2 : i32
      %add3A_114 = arith.addi %mul3A_59, %add3A_113 : i32
      %dma_start3A_115 = arith.constant 256 : i32
      %dma_start3A_116 = arith.constant 0 : i32
      %dma_start3A_117 = tpu.memref_slice %arg9[%dma_start3A_115, %dma_start3A_116] : memref<512x64xbf16, #tpu.memory_space<vmem>> -> memref<128x64xbf16, #tpu.memory_space<vmem>>
      %dma_start3A_118 = arith.constant 0 : i32
      %dma_start3A_119 = tpu.memref_slice %arg8[%add3A_114, %dma_start3A_118] : memref<80x128xi32, #tpu.memory_space<vmem>> -> memref<1x128xi32, #tpu.memory_space<vmem>>
      %dma_start3A_120 = tpu.memref_squeeze %dma_start3A_119 : memref<1x128xi32, #tpu.memory_space<vmem>> -> memref<128xi32, #tpu.memory_space<vmem>>
      %dma_start3A_121 = arith.constant 0 : i32
      %dma_start3A_122 = arith.constant 0 : i32
      %dma_start3A_123 = tpu.memref_slice %arg11[%dma_start3A_121, %dma_start3A_122] : memref<10240x64xbf16, #tpu.memory_space<vmem_shared>> -> memref<10240x64xbf16, #tpu.memory_space<vmem_shared>>
      tpu.enqueue_indirect_dma source(%dma_start3A_117 : memref<128x64xbf16, #tpu.memory_space<vmem>>) target(%dma_start3A_123 : memref<10240x64xbf16, #tpu.memory_space<vmem_shared>>) offsets(%dma_start3A_120 : memref<128xi32, #tpu.memory_space<vmem>>) semaphore(%arg18 : memref<!tpu.dma_semaphore, #tpu.memory_space<semaphore_mem>>) {add = true}
      %add3A_124 = arith.constant 3 : i32
      %add3A_125 = arith.addi %mul3A_59, %add3A_124 : i32
      %dma_wait3A_126 = arith.constant 384 : i32
      %dma_wait3A_127 = arith.constant 0 : i32
      %dma_wait3A_128 = tpu.memref_slice %arg9[%dma_wait3A_126, %dma_wait3A_127] : memref<512x64xbf16, #tpu.memory_space<vmem>> -> memref<128x64xbf16, #tpu.memory_space<vmem>>
      %dma_wait3A_129 = arith.constant 0 : i32
      %dma_wait3A_130 = tpu.memref_slice %arg7[%add3A_125, %dma_wait3A_129] : memref<80x128xi32, #tpu.memory_space<vmem>> -> memref<1x128xi32, #tpu.memory_space<vmem>>
      %dma_wait3A_131 = tpu.memref_squeeze %dma_wait3A_130 : memref<1x128xi32, #tpu.memory_space<vmem>> -> memref<128xi32, #tpu.memory_space<vmem>>
      %dma_wait3A_132 = arith.constant 0 : i32
      %dma_wait3A_133 = arith.constant 0 : i32
      %dma_wait3A_134 = tpu.memref_slice %arg10[%dma_wait3A_132, %dma_wait3A_133] : memref<10240x64xbf16, #tpu.memory_space<vmem_shared>> -> memref<10240x64xbf16, #tpu.memory_space<vmem_shared>>
      tpu.wait_indirect_dma semaphore(%arg15 : memref<!tpu.dma_semaphore, #tpu.memory_space<semaphore_mem>>) src(%dma_wait3A_134 : memref<10240x64xbf16, #tpu.memory_space<vmem_shared>>) dst(%dma_wait3A_128 : memref<128x64xbf16, #tpu.memory_space<vmem>>)
      %add3A_135 = arith.constant 3 : i32
      %add3A_136 = arith.addi %mul3A_59, %add3A_135 : i32
      %dma_start3A_137 = arith.constant 384 : i32
      %dma_start3A_138 = arith.constant 0 : i32
      %dma_start3A_139 = tpu.memref_slice %arg9[%dma_start3A_137, %dma_start3A_138] : memref<512x64xbf16, #tpu.memory_space<vmem>> -> memref<128x64xbf16, #tpu.memory_space<vmem>>
      %dma_start3A_140 = arith.constant 0 : i32
      %dma_start3A_141 = tpu.memref_slice %arg8[%add3A_136, %dma_start3A_140] : memref<80x128xi32, #tpu.memory_space<vmem>> -> memref<1x128xi32, #tpu.memory_space<vmem>>
      %dma_start3A_142 = tpu.memref_squeeze %dma_start3A_141 : memref<1x128xi32, #tpu.memory_space<vmem>> -> memref<128xi32, #tpu.memory_space<vmem>>
      %dma_start3A_143 = arith.constant 0 : i32
      %dma_start3A_144 = arith.constant 0 : i32
      %dma_start3A_145 = tpu.memref_slice %arg11[%dma_start3A_143, %dma_start3A_144] : memref<10240x64xbf16, #tpu.memory_space<vmem_shared>> -> memref<10240x64xbf16, #tpu.memory_space<vmem_shared>>
      tpu.enqueue_indirect_dma source(%dma_start3A_139 : memref<128x64xbf16, #tpu.memory_space<vmem>>) target(%dma_start3A_145 : memref<10240x64xbf16, #tpu.memory_space<vmem_shared>>) offsets(%dma_start3A_142 : memref<128xi32, #tpu.memory_space<vmem>>) semaphore(%arg19 : memref<!tpu.dma_semaphore, #tpu.memory_space<semaphore_mem>>) {add = true}
      %add3A_146 = arith.constant 0 : i32
      %add3A_147 = arith.addi %mul3A_59, %add3A_146 : i32
      %dma_wait3A_148 = arith.constant 0 : i32
      %dma_wait3A_149 = arith.constant 0 : i32
      %dma_wait3A_150 = tpu.memref_slice %arg9[%dma_wait3A_148, %dma_wait3A_149] : memref<512x64xbf16, #tpu.memory_space<vmem>> -> memref<128x64xbf16, #tpu.memory_space<vmem>>
      %dma_wait3A_151 = arith.constant 0 : i32
      %dma_wait3A_152 = tpu.memref_slice %arg8[%add3A_147, %dma_wait3A_151] : memref<80x128xi32, #tpu.memory_space<vmem>> -> memref<1x128xi32, #tpu.memory_space<vmem>>
      %dma_wait3A_153 = tpu.memref_squeeze %dma_wait3A_152 : memref<1x128xi32, #tpu.memory_space<vmem>> -> memref<128xi32, #tpu.memory_space<vmem>>
      %dma_wait3A_154 = arith.constant 0 : i32
      %dma_wait3A_155 = arith.constant 0 : i32
      %dma_wait3A_156 = tpu.memref_slice %arg11[%dma_wait3A_154, %dma_wait3A_155] : memref<10240x64xbf16, #tpu.memory_space<vmem_shared>> -> memref<10240x64xbf16, #tpu.memory_space<vmem_shared>>
      tpu.wait_indirect_dma semaphore(%arg16 : memref<!tpu.dma_semaphore, #tpu.memory_space<semaphore_mem>>) src(%dma_wait3A_150 : memref<128x64xbf16, #tpu.memory_space<vmem>>) dst(%dma_wait3A_156 : memref<10240x64xbf16, #tpu.memory_space<vmem_shared>>)
      %add3A_157 = arith.constant 0 : i32
      %add3A_158 = arith.addi %mul3A_59, %add3A_157 : i32
      %add3A_159 = arith.constant 4 : i32
      %add3A_160 = arith.addi %add3A_158, %add3A_159 : i32
      %lt3A = arith.cmpi slt, %add3A_160, %select_n3A : i32
      %convert_element_type3A = arith.extui %lt3A : i1 to i32
      %cond3A = arith.constant 0 : i32
      %cond3A_161 = arith.cmpi ne, %convert_element_type3A, %cond3A : i32
      scf.if %cond3A_161 {
        %add3A_219 = arith.constant 0 : i32
        %add3A_220 = arith.addi %mul3A_59, %add3A_219 : i32
        %add3A_221 = arith.constant 4 : i32
        %add3A_222 = arith.addi %add3A_220, %add3A_221 : i32
        %dma_start3A_223 = arith.constant 0 : i32
        %dma_start3A_224 = arith.constant 0 : i32
        %dma_start3A_225 = tpu.memref_slice %arg9[%dma_start3A_223, %dma_start3A_224] : memref<512x64xbf16, #tpu.memory_space<vmem>> -> memref<128x64xbf16, #tpu.memory_space<vmem>>
        %dma_start3A_226 = arith.constant 0 : i32
        %dma_start3A_227 = tpu.memref_slice %arg7[%add3A_222, %dma_start3A_226] : memref<80x128xi32, #tpu.memory_space<vmem>> -> memref<1x128xi32, #tpu.memory_space<vmem>>
        %dma_start3A_228 = tpu.memref_squeeze %dma_start3A_227 : memref<1x128xi32, #tpu.memory_space<vmem>> -> memref<128xi32, #tpu.memory_space<vmem>>
        %dma_start3A_229 = arith.constant 0 : i32
        %dma_start3A_230 = arith.constant 0 : i32
        %dma_start3A_231 = tpu.memref_slice %arg10[%dma_start3A_229, %dma_start3A_230] : memref<10240x64xbf16, #tpu.memory_space<vmem_shared>> -> memref<10240x64xbf16, #tpu.memory_space<vmem_shared>>
        tpu.enqueue_indirect_dma source(%dma_start3A_231 : memref<10240x64xbf16, #tpu.memory_space<vmem_shared>>) target(%dma_start3A_225 : memref<128x64xbf16, #tpu.memory_space<vmem>>) offsets(%dma_start3A_228 : memref<128xi32, #tpu.memory_space<vmem>>) semaphore(%arg12 : memref<!tpu.dma_semaphore, #tpu.memory_space<semaphore_mem>>)
      } else {
      }
      %add3A_162 = arith.constant 1 : i32
      %add3A_163 = arith.addi %mul3A_59, %add3A_162 : i32
      %dma_wait3A_164 = arith.constant 128 : i32
      %dma_wait3A_165 = arith.constant 0 : i32
      %dma_wait3A_166 = tpu.memref_slice %arg9[%dma_wait3A_164, %dma_wait3A_165] : memref<512x64xbf16, #tpu.memory_space<vmem>> -> memref<128x64xbf16, #tpu.memory_space<vmem>>
      %dma_wait3A_167 = arith.constant 0 : i32
      %dma_wait3A_168 = tpu.memref_slice %arg8[%add3A_163, %dma_wait3A_167] : memref<80x128xi32, #tpu.memory_space<vmem>> -> memref<1x128xi32, #tpu.memory_space<vmem>>
      %dma_wait3A_169 = tpu.memref_squeeze %dma_wait3A_168 : memref<1x128xi32, #tpu.memory_space<vmem>> -> memref<128xi32, #tpu.memory_space<vmem>>
      %dma_wait3A_170 = arith.constant 0 : i32
      %dma_wait3A_171 = arith.constant 0 : i32
      %dma_wait3A_172 = tpu.memref_slice %arg11[%dma_wait3A_170, %dma_wait3A_171] : memref<10240x64xbf16, #tpu.memory_space<vmem_shared>> -> memref<10240x64xbf16, #tpu.memory_space<vmem_shared>>
      tpu.wait_indirect_dma semaphore(%arg17 : memref<!tpu.dma_semaphore, #tpu.memory_space<semaphore_mem>>) src(%dma_wait3A_166 : memref<128x64xbf16, #tpu.memory_space<vmem>>) dst(%dma_wait3A_172 : memref<10240x64xbf16, #tpu.memory_space<vmem_shared>>)
      %add3A_173 = arith.constant 1 : i32
      %add3A_174 = arith.addi %mul3A_59, %add3A_173 : i32
      %add3A_175 = arith.constant 4 : i32
      %add3A_176 = arith.addi %add3A_174, %add3A_175 : i32
      %lt3A_177 = arith.cmpi slt, %add3A_176, %select_n3A : i32
      %convert_element_type3A_178 = arith.extui %lt3A_177 : i1 to i32
      %cond3A_179 = arith.constant 0 : i32
      %cond3A_180 = arith.cmpi ne, %convert_element_type3A_178, %cond3A_179 : i32
      scf.if %cond3A_180 {
        %add3A_219 = arith.constant 1 : i32
        %add3A_220 = arith.addi %mul3A_59, %add3A_219 : i32
        %add3A_221 = arith.constant 4 : i32
        %add3A_222 = arith.addi %add3A_220, %add3A_221 : i32
        %dma_start3A_223 = arith.constant 128 : i32
        %dma_start3A_224 = arith.constant 0 : i32
        %dma_start3A_225 = tpu.memref_slice %arg9[%dma_start3A_223, %dma_start3A_224] : memref<512x64xbf16, #tpu.memory_space<vmem>> -> memref<128x64xbf16, #tpu.memory_space<vmem>>
        %dma_start3A_226 = arith.constant 0 : i32
        %dma_start3A_227 = tpu.memref_slice %arg7[%add3A_222, %dma_start3A_226] : memref<80x128xi32, #tpu.memory_space<vmem>> -> memref<1x128xi32, #tpu.memory_space<vmem>>
        %dma_start3A_228 = tpu.memref_squeeze %dma_start3A_227 : memref<1x128xi32, #tpu.memory_space<vmem>> -> memref<128xi32, #tpu.memory_space<vmem>>
        %dma_start3A_229 = arith.constant 0 : i32
        %dma_start3A_230 = arith.constant 0 : i32
        %dma_start3A_231 = tpu.memref_slice %arg10[%dma_start3A_229, %dma_start3A_230] : memref<10240x64xbf16, #tpu.memory_space<vmem_shared>> -> memref<10240x64xbf16, #tpu.memory_space<vmem_shared>>
        tpu.enqueue_indirect_dma source(%dma_start3A_231 : memref<10240x64xbf16, #tpu.memory_space<vmem_shared>>) target(%dma_start3A_225 : memref<128x64xbf16, #tpu.memory_space<vmem>>) offsets(%dma_start3A_228 : memref<128xi32, #tpu.memory_space<vmem>>) semaphore(%arg13 : memref<!tpu.dma_semaphore, #tpu.memory_space<semaphore_mem>>)
      } else {
      }
      %add3A_181 = arith.constant 2 : i32
      %add3A_182 = arith.addi %mul3A_59, %add3A_181 : i32
      %dma_wait3A_183 = arith.constant 256 : i32
      %dma_wait3A_184 = arith.constant 0 : i32
      %dma_wait3A_185 = tpu.memref_slice %arg9[%dma_wait3A_183, %dma_wait3A_184] : memref<512x64xbf16, #tpu.memory_space<vmem>> -> memref<128x64xbf16, #tpu.memory_space<vmem>>
      %dma_wait3A_186 = arith.constant 0 : i32
      %dma_wait3A_187 = tpu.memref_slice %arg8[%add3A_182, %dma_wait3A_186] : memref<80x128xi32, #tpu.memory_space<vmem>> -> memref<1x128xi32, #tpu.memory_space<vmem>>
      %dma_wait3A_188 = tpu.memref_squeeze %dma_wait3A_187 : memref<1x128xi32, #tpu.memory_space<vmem>> -> memref<128xi32, #tpu.memory_space<vmem>>
      %dma_wait3A_189 = arith.constant 0 : i32
      %dma_wait3A_190 = arith.constant 0 : i32
      %dma_wait3A_191 = tpu.memref_slice %arg11[%dma_wait3A_189, %dma_wait3A_190] : memref<10240x64xbf16, #tpu.memory_space<vmem_shared>> -> memref<10240x64xbf16, #tpu.memory_space<vmem_shared>>
      tpu.wait_indirect_dma semaphore(%arg18 : memref<!tpu.dma_semaphore, #tpu.memory_space<semaphore_mem>>) src(%dma_wait3A_185 : memref<128x64xbf16, #tpu.memory_space<vmem>>) dst(%dma_wait3A_191 : memref<10240x64xbf16, #tpu.memory_space<vmem_shared>>)
      %add3A_192 = arith.constant 2 : i32
      %add3A_193 = arith.addi %mul3A_59, %add3A_192 : i32
      %add3A_194 = arith.constant 4 : i32
      %add3A_195 = arith.addi %add3A_193, %add3A_194 : i32
      %lt3A_196 = arith.cmpi slt, %add3A_195, %select_n3A : i32
      %convert_element_type3A_197 = arith.extui %lt3A_196 : i1 to i32
      %cond3A_198 = arith.constant 0 : i32
      %cond3A_199 = arith.cmpi ne, %convert_element_type3A_197, %cond3A_198 : i32
      scf.if %cond3A_199 {
        %add3A_219 = arith.constant 2 : i32
        %add3A_220 = arith.addi %mul3A_59, %add3A_219 : i32
        %add3A_221 = arith.constant 4 : i32
        %add3A_222 = arith.addi %add3A_220, %add3A_221 : i32
        %dma_start3A_223 = arith.constant 256 : i32
        %dma_start3A_224 = arith.constant 0 : i32
        %dma_start3A_225 = tpu.memref_slice %arg9[%dma_start3A_223, %dma_start3A_224] : memref<512x64xbf16, #tpu.memory_space<vmem>> -> memref<128x64xbf16, #tpu.memory_space<vmem>>
        %dma_start3A_226 = arith.constant 0 : i32
        %dma_start3A_227 = tpu.memref_slice %arg7[%add3A_222, %dma_start3A_226] : memref<80x128xi32, #tpu.memory_space<vmem>> -> memref<1x128xi32, #tpu.memory_space<vmem>>
        %dma_start3A_228 = tpu.memref_squeeze %dma_start3A_227 : memref<1x128xi32, #tpu.memory_space<vmem>> -> memref<128xi32, #tpu.memory_space<vmem>>
        %dma_start3A_229 = arith.constant 0 : i32
        %dma_start3A_230 = arith.constant 0 : i32
        %dma_start3A_231 = tpu.memref_slice %arg10[%dma_start3A_229, %dma_start3A_230] : memref<10240x64xbf16, #tpu.memory_space<vmem_shared>> -> memref<10240x64xbf16, #tpu.memory_space<vmem_shared>>
        tpu.enqueue_indirect_dma source(%dma_start3A_231 : memref<10240x64xbf16, #tpu.memory_space<vmem_shared>>) target(%dma_start3A_225 : memref<128x64xbf16, #tpu.memory_space<vmem>>) offsets(%dma_start3A_228 : memref<128xi32, #tpu.memory_space<vmem>>) semaphore(%arg14 : memref<!tpu.dma_semaphore, #tpu.memory_space<semaphore_mem>>)
      } else {
      }
      %add3A_200 = arith.constant 3 : i32
      %add3A_201 = arith.addi %mul3A_59, %add3A_200 : i32
      %dma_wait3A_202 = arith.constant 384 : i32
      %dma_wait3A_203 = arith.constant 0 : i32
      %dma_wait3A_204 = tpu.memref_slice %arg9[%dma_wait3A_202, %dma_wait3A_203] : memref<512x64xbf16, #tpu.memory_space<vmem>> -> memref<128x64xbf16, #tpu.memory_space<vmem>>
      %dma_wait3A_205 = arith.constant 0 : i32
      %dma_wait3A_206 = tpu.memref_slice %arg8[%add3A_201, %dma_wait3A_205] : memref<80x128xi32, #tpu.memory_space<vmem>> -> memref<1x128xi32, #tpu.memory_space<vmem>>
      %dma_wait3A_207 = tpu.memref_squeeze %dma_wait3A_206 : memref<1x128xi32, #tpu.memory_space<vmem>> -> memref<128xi32, #tpu.memory_space<vmem>>
      %dma_wait3A_208 = arith.constant 0 : i32
      %dma_wait3A_209 = arith.constant 0 : i32
      %dma_wait3A_210 = tpu.memref_slice %arg11[%dma_wait3A_208, %dma_wait3A_209] : memref<10240x64xbf16, #tpu.memory_space<vmem_shared>> -> memref<10240x64xbf16, #tpu.memory_space<vmem_shared>>
      tpu.wait_indirect_dma semaphore(%arg19 : memref<!tpu.dma_semaphore, #tpu.memory_space<semaphore_mem>>) src(%dma_wait3A_204 : memref<128x64xbf16, #tpu.memory_space<vmem>>) dst(%dma_wait3A_210 : memref<10240x64xbf16, #tpu.memory_space<vmem_shared>>)
      %add3A_211 = arith.constant 3 : i32
      %add3A_212 = arith.addi %mul3A_59, %add3A_211 : i32
      %add3A_213 = arith.constant 4 : i32
      %add3A_214 = arith.addi %add3A_212, %add3A_213 : i32
      %lt3A_215 = arith.cmpi slt, %add3A_214, %select_n3A : i32
      %convert_element_type3A_216 = arith.extui %lt3A_215 : i1 to i32
      %cond3A_217 = arith.constant 0 : i32
      %cond3A_218 = arith.cmpi ne, %convert_element_type3A_216, %cond3A_217 : i32
      scf.if %cond3A_218 {
        %add3A_219 = arith.constant 3 : i32
        %add3A_220 = arith.addi %mul3A_59, %add3A_219 : i32
        %add3A_221 = arith.constant 4 : i32
        %add3A_222 = arith.addi %add3A_220, %add3A_221 : i32
        %dma_start3A_223 = arith.constant 384 : i32
        %dma_start3A_224 = arith.constant 0 : i32
        %dma_start3A_225 = tpu.memref_slice %arg9[%dma_start3A_223, %dma_start3A_224] : memref<512x64xbf16, #tpu.memory_space<vmem>> -> memref<128x64xbf16, #tpu.memory_space<vmem>>
        %dma_start3A_226 = arith.constant 0 : i32
        %dma_start3A_227 = tpu.memref_slice %arg7[%add3A_222, %dma_start3A_226] : memref<80x128xi32, #tpu.memory_space<vmem>> -> memref<1x128xi32, #tpu.memory_space<vmem>>
        %dma_start3A_228 = tpu.memref_squeeze %dma_start3A_227 : memref<1x128xi32, #tpu.memory_space<vmem>> -> memref<128xi32, #tpu.memory_space<vmem>>
        %dma_start3A_229 = arith.constant 0 : i32
        %dma_start3A_230 = arith.constant 0 : i32
        %dma_start3A_231 = tpu.memref_slice %arg10[%dma_start3A_229, %dma_start3A_230] : memref<10240x64xbf16, #tpu.memory_space<vmem_shared>> -> memref<10240x64xbf16, #tpu.memory_space<vmem_shared>>
        tpu.enqueue_indirect_dma source(%dma_start3A_231 : memref<10240x64xbf16, #tpu.memory_space<vmem_shared>>) target(%dma_start3A_225 : memref<128x64xbf16, #tpu.memory_space<vmem>>) offsets(%dma_start3A_228 : memref<128xi32, #tpu.memory_space<vmem>>) semaphore(%arg15 : memref<!tpu.dma_semaphore, #tpu.memory_space<semaphore_mem>>)
      } else {
      }
    }
    %while3A_55 = arith.constant 1 : i32
    scf.for %while3A_57 = %while3A_53 to %while3A_49 step %while3A_55  : i32 {
      %mul3A_58 = arith.constant 4 : i32
      %mul3A_59 = arith.muli %while3A_57, %mul3A_58 : i32
      %add3A = arith.constant 0 : i32
      %add3A_60 = arith.addi %mul3A_59, %add3A : i32
      %dma_wait3A = arith.constant 0 : i32
      %dma_wait3A_61 = arith.constant 0 : i32
      %dma_wait3A_62 = tpu.memref_slice %arg9[%dma_wait3A, %dma_wait3A_61] : memref<512x64xbf16, #tpu.memory_space<vmem>> -> memref<128x64xbf16, #tpu.memory_space<vmem>>
      %dma_wait3A_63 = arith.constant 0 : i32
      %dma_wait3A_64 = tpu.memref_slice %arg7[%add3A_60, %dma_wait3A_63] : memref<80x128xi32, #tpu.memory_space<vmem>> -> memref<1x128xi32, #tpu.memory_space<vmem>>
      %dma_wait3A_65 = tpu.memref_squeeze %dma_wait3A_64 : memref<1x128xi32, #tpu.memory_space<vmem>> -> memref<128xi32, #tpu.memory_space<vmem>>
      %dma_wait3A_66 = arith.constant 0 : i32
      %dma_wait3A_67 = arith.constant 0 : i32
      %dma_wait3A_68 = tpu.memref_slice %arg10[%dma_wait3A_66, %dma_wait3A_67] : memref<10240x64xbf16, #tpu.memory_space<vmem_shared>> -> memref<10240x64xbf16, #tpu.memory_space<vmem_shared>>
      tpu.wait_indirect_dma semaphore(%arg12 : memref<!tpu.dma_semaphore, #tpu.memory_space<semaphore_mem>>) src(%dma_wait3A_68 : memref<10240x64xbf16, #tpu.memory_space<vmem_shared>>) dst(%dma_wait3A_62 : memref<128x64xbf16, #tpu.memory_space<vmem>>)
      %add3A_69 = arith.constant 0 : i32
      %add3A_70 = arith.addi %mul3A_59, %add3A_69 : i32
      %dma_start3A_71 = arith.constant 0 : i32
      %dma_start3A_72 = arith.constant 0 : i32
      %dma_start3A_73 = tpu.memref_slice %arg9[%dma_start3A_71, %dma_start3A_72] : memref<512x64xbf16, #tpu.memory_space<vmem>> -> memref<128x64xbf16, #tpu.memory_space<vmem>>
      %dma_start3A_74 = arith.constant 0 : i32
      %dma_start3A_75 = tpu.memref_slice %arg8[%add3A_70, %dma_start3A_74] : memref<80x128xi32, #tpu.memory_space<vmem>> -> memref<1x128xi32, #tpu.memory_space<vmem>>
      %dma_start3A_76 = tpu.memref_squeeze %dma_start3A_75 : memref<1x128xi32, #tpu.memory_space<vmem>> -> memref<128xi32, #tpu.memory_space<vmem>>
      %dma_start3A_77 = arith.constant 0 : i32
      %dma_start3A_78 = arith.constant 0 : i32
      %dma_start3A_79 = tpu.memref_slice %arg11[%dma_start3A_77, %dma_start3A_78] : memref<10240x64xbf16, #tpu.memory_space<vmem_shared>> -> memref<10240x64xbf16, #tpu.memory_space<vmem_shared>>
      tpu.enqueue_indirect_dma source(%dma_start3A_73 : memref<128x64xbf16, #tpu.memory_space<vmem>>) target(%dma_start3A_79 : memref<10240x64xbf16, #tpu.memory_space<vmem_shared>>) offsets(%dma_start3A_76 : memref<128xi32, #tpu.memory_space<vmem>>) semaphore(%arg16 : memref<!tpu.dma_semaphore, #tpu.memory_space<semaphore_mem>>) {add = true}
      %add3A_80 = arith.constant 1 : i32
      %add3A_81 = arith.addi %mul3A_59, %add3A_80 : i32
      %dma_wait3A_82 = arith.constant 128 : i32
      %dma_wait3A_83 = arith.constant 0 : i32
      %dma_wait3A_84 = tpu.memref_slice %arg9[%dma_wait3A_82, %dma_wait3A_83] : memref<512x64xbf16, #tpu.memory_space<vmem>> -> memref<128x64xbf16, #tpu.memory_space<vmem>>
      %dma_wait3A_85 = arith.constant 0 : i32
      %dma_wait3A_86 = tpu.memref_slice %arg7[%add3A_81, %dma_wait3A_85] : memref<80x128xi32, #tpu.memory_space<vmem>> -> memref<1x128xi32, #tpu.memory_space<vmem>>
      %dma_wait3A_87 = tpu.memref_squeeze %dma_wait3A_86 : memref<1x128xi32, #tpu.memory_space<vmem>> -> memref<128xi32, #tpu.memory_space<vmem>>
      %dma_wait3A_88 = arith.constant 0 : i32
      %dma_wait3A_89 = arith.constant 0 : i32
      %dma_wait3A_90 = tpu.memref_slice %arg10[%dma_wait3A_88, %dma_wait3A_89] : memref<10240x64xbf16, #tpu.memory_space<vmem_shared>> -> memref<10240x64xbf16, #tpu.memory_space<vmem_shared>>
      tpu.wait_indirect_dma semaphore(%arg13 : memref<!tpu.dma_semaphore, #tpu.memory_space<semaphore_mem>>) src(%dma_wait3A_90 : memref<10240x64xbf16, #tpu.memory_space<vmem_shared>>) dst(%dma_wait3A_84 : memref<128x64xbf16, #tpu.memory_space<vmem>>)
      %add3A_91 = arith.constant 1 : i32
      %add3A_92 = arith.addi %mul3A_59, %add3A_91 : i32
      %dma_start3A_93 = arith.constant 128 : i32
      %dma_start3A_94 = arith.constant 0 : i32
      %dma_start3A_95 = tpu.memref_slice %arg9[%dma_start3A_93, %dma_start3A_94] : memref<512x64xbf16, #tpu.memory_space<vmem>> -> memref<128x64xbf16, #tpu.memory_space<vmem>>
      %dma_start3A_96 = arith.constant 0 : i32
      %dma_start3A_97 = tpu.memref_slice %arg8[%add3A_92, %dma_start3A_96] : memref<80x128xi32, #tpu.memory_space<vmem>> -> memref<1x128xi32, #tpu.memory_space<vmem>>
      %dma_start3A_98 = tpu.memref_squeeze %dma_start3A_97 : memref<1x128xi32, #tpu.memory_space<vmem>> -> memref<128xi32, #tpu.memory_space<vmem>>
      %dma_start3A_99 = arith.constant 0 : i32
      %dma_start3A_100 = arith.constant 0 : i32
      %dma_start3A_101 = tpu.memref_slice %arg11[%dma_start3A_99, %dma_start3A_100] : memref<10240x64xbf16, #tpu.memory_space<vmem_shared>> -> memref<10240x64xbf16, #tpu.memory_space<vmem_shared>>
      tpu.enqueue_indirect_dma source(%dma_start3A_95 : memref<128x64xbf16, #tpu.memory_space<vmem>>) target(%dma_start3A_101 : memref<10240x64xbf16, #tpu.memory_space<vmem_shared>>) offsets(%dma_start3A_98 : memref<128xi32, #tpu.memory_space<vmem>>) semaphore(%arg17 : memref<!tpu.dma_semaphore, #tpu.memory_space<semaphore_mem>>) {add = true}
      %add3A_102 = arith.constant 2 : i32
      %add3A_103 = arith.addi %mul3A_59, %add3A_102 : i32
      %dma_wait3A_104 = arith.constant 256 : i32
      %dma_wait3A_105 = arith.constant 0 : i32
      %dma_wait3A_106 = tpu.memref_slice %arg9[%dma_wait3A_104, %dma_wait3A_105] : memref<512x64xbf16, #tpu.memory_space<vmem>> -> memref<128x64xbf16, #tpu.memory_space<vmem>>
      %dma_wait3A_107 = arith.constant 0 : i32
      %dma_wait3A_108 = tpu.memref_slice %arg7[%add3A_103, %dma_wait3A_107] : memref<80x128xi32, #tpu.memory_space<vmem>> -> memref<1x128xi32, #tpu.memory_space<vmem>>
      %dma_wait3A_109 = tpu.memref_squeeze %dma_wait3A_108 : memref<1x128xi32, #tpu.memory_space<vmem>> -> memref<128xi32, #tpu.memory_space<vmem>>
      %dma_wait3A_110 = arith.constant 0 : i32
      %dma_wait3A_111 = arith.constant 0 : i32
      %dma_wait3A_112 = tpu.memref_slice %arg10[%dma_wait3A_110, %dma_wait3A_111] : memref<10240x64xbf16, #tpu.memory_space<vmem_shared>> -> memref<10240x64xbf16, #tpu.memory_space<vmem_shared>>
      tpu.wait_indirect_dma semaphore(%arg14 : memref<!tpu.dma_semaphore, #tpu.memory_space<semaphore_mem>>) src(%dma_wait3A_112 : memref<10240x64xbf16, #tpu.memory_space<vmem_shared>>) dst(%dma_wait3A_106 : memref<128x64xbf16, #tpu.memory_space<vmem>>)
      %add3A_113 = arith.constant 2 : i32
      %add3A_114 = arith.addi %mul3A_59, %add3A_113 : i32
      %dma_start3A_115 = arith.constant 256 : i32
      %dma_start3A_116 = arith.constant 0 : i32
      %dma_start3A_117 = tpu.memref_slice %arg9[%dma_start3A_115, %dma_start3A_116] : memref<512x64xbf16, #tpu.memory_space<vmem>> -> memref<128x64xbf16, #tpu.memory_space<vmem>>
      %dma_start3A_118 = arith.constant 0 : i32
      %dma_start3A_119 = tpu.memref_slice %arg8[%add3A_114, %dma_start3A_118] : memref<80x128xi32, #tpu.memory_space<vmem>> -> memref<1x128xi32, #tpu.memory_space<vmem>>
      %dma_start3A_120 = tpu.memref_squeeze %dma_start3A_119 : memref<1x128xi32, #tpu.memory_space<vmem>> -> memref<128xi32, #tpu.memory_space<vmem>>
      %dma_start3A_121 = arith.constant 0 : i32
      %dma_start3A_122 = arith.constant 0 : i32
      %dma_start3A_123 = tpu.memref_slice %arg11[%dma_start3A_121, %dma_start3A_122] : memref<10240x64xbf16, #tpu.memory_space<vmem_shared>> -> memref<10240x64xbf16, #tpu.memory_space<vmem_shared>>
      tpu.enqueue_indirect_dma source(%dma_start3A_117 : memref<128x64xbf16, #tpu.memory_space<vmem>>) target(%dma_start3A_123 : memref<10240x64xbf16, #tpu.memory_space<vmem_shared>>) offsets(%dma_start3A_120 : memref<128xi32, #tpu.memory_space<vmem>>) semaphore(%arg18 : memref<!tpu.dma_semaphore, #tpu.memory_space<semaphore_mem>>) {add = true}
      %add3A_124 = arith.constant 3 : i32
      %add3A_125 = arith.addi %mul3A_59, %add3A_124 : i32
      %dma_wait3A_126 = arith.constant 384 : i32
      %dma_wait3A_127 = arith.constant 0 : i32
      %dma_wait3A_128 = tpu.memref_slice %arg9[%dma_wait3A_126, %dma_wait3A_127] : memref<512x64xbf16, #tpu.memory_space<vmem>> -> memref<128x64xbf16, #tpu.memory_space<vmem>>
      %dma_wait3A_129 = arith.constant 0 : i32
      %dma_wait3A_130 = tpu.memref_slice %arg7[%add3A_125, %dma_wait3A_129] : memref<80x128xi32, #tpu.memory_space<vmem>> -> memref<1x128xi32, #tpu.memory_space<vmem>>
      %dma_wait3A_131 = tpu.memref_squeeze %dma_wait3A_130 : memref<1x128xi32, #tpu.memory_space<vmem>> -> memref<128xi32, #tpu.memory_space<vmem>>
      %dma_wait3A_132 = arith.constant 0 : i32
      %dma_wait3A_133 = arith.constant 0 : i32
      %dma_wait3A_134 = tpu.memref_slice %arg10[%dma_wait3A_132, %dma_wait3A_133] : memref<10240x64xbf16, #tpu.memory_space<vmem_shared>> -> memref<10240x64xbf16, #tpu.memory_space<vmem_shared>>
      tpu.wait_indirect_dma semaphore(%arg15 : memref<!tpu.dma_semaphore, #tpu.memory_space<semaphore_mem>>) src(%dma_wait3A_134 : memref<10240x64xbf16, #tpu.memory_space<vmem_shared>>) dst(%dma_wait3A_128 : memref<128x64xbf16, #tpu.memory_space<vmem>>)
      %add3A_135 = arith.constant 3 : i32
      %add3A_136 = arith.addi %mul3A_59, %add3A_135 : i32
      %dma_start3A_137 = arith.constant 384 : i32
      %dma_start3A_138 = arith.constant 0 : i32
      %dma_start3A_139 = tpu.memref_slice %arg9[%dma_start3A_137, %dma_start3A_138] : memref<512x64xbf16, #tpu.memory_space<vmem>> -> memref<128x64xbf16, #tpu.memory_space<vmem>>
      %dma_start3A_140 = arith.constant 0 : i32
      %dma_start3A_141 = tpu.memref_slice %arg8[%add3A_136, %dma_start3A_140] : memref<80x128xi32, #tpu.memory_space<vmem>> -> memref<1x128xi32, #tpu.memory_space<vmem>>
      %dma_start3A_142 = tpu.memref_squeeze %dma_start3A_141 : memref<1x128xi32, #tpu.memory_space<vmem>> -> memref<128xi32, #tpu.memory_space<vmem>>
      %dma_start3A_143 = arith.constant 0 : i32
      %dma_start3A_144 = arith.constant 0 : i32
      %dma_start3A_145 = tpu.memref_slice %arg11[%dma_start3A_143, %dma_start3A_144] : memref<10240x64xbf16, #tpu.memory_space<vmem_shared>> -> memref<10240x64xbf16, #tpu.memory_space<vmem_shared>>
      tpu.enqueue_indirect_dma source(%dma_start3A_139 : memref<128x64xbf16, #tpu.memory_space<vmem>>) target(%dma_start3A_145 : memref<10240x64xbf16, #tpu.memory_space<vmem_shared>>) offsets(%dma_start3A_142 : memref<128xi32, #tpu.memory_space<vmem>>) semaphore(%arg19 : memref<!tpu.dma_semaphore, #tpu.memory_space<semaphore_mem>>) {add = true}
      %add3A_146 = arith.constant 0 : i32
      %add3A_147 = arith.addi %mul3A_59, %add3A_146 : i32
      %dma_wait3A_148 = arith.constant 0 : i32
      %dma_wait3A_149 = arith.constant 0 : i32
      %dma_wait3A_150 = tpu.memref_slice %arg9[%dma_wait3A_148, %dma_wait3A_149] : memref<512x64xbf16, #tpu.memory_space<vmem>> -> memref<128x64xbf16, #tpu.memory_space<vmem>>
      %dma_wait3A_151 = arith.constant 0 : i32
      %dma_wait3A_152 = tpu.memref_slice %arg8[%add3A_147, %dma_wait3A_151] : memref<80x128xi32, #tpu.memory_space<vmem>> -> memref<1x128xi32, #tpu.memory_space<vmem>>
      %dma_wait3A_153 = tpu.memref_squeeze %dma_wait3A_152 : memref<1x128xi32, #tpu.memory_space<vmem>> -> memref<128xi32, #tpu.memory_space<vmem>>
      %dma_wait3A_154 = arith.constant 0 : i32
      %dma_wait3A_155 = arith.constant 0 : i32
      %dma_wait3A_156 = tpu.memref_slice %arg11[%dma_wait3A_154, %dma_wait3A_155] : memref<10240x64xbf16, #tpu.memory_space<vmem_shared>> -> memref<10240x64xbf16, #tpu.memory_space<vmem_shared>>
      tpu.wait_indirect_dma semaphore(%arg16 : memref<!tpu.dma_semaphore, #tpu.memory_space<semaphore_mem>>) src(%dma_wait3A_150 : memref<128x64xbf16, #tpu.memory_space<vmem>>) dst(%dma_wait3A_156 : memref<10240x64xbf16, #tpu.memory_space<vmem_shared>>)
      %add3A_157 = arith.constant 0 : i32
      %add3A_158 = arith.addi %mul3A_59, %add3A_157 : i32
      %add3A_159 = arith.constant 4 : i32
      %add3A_160 = arith.addi %add3A_158, %add3A_159 : i32
      %lt3A = arith.cmpi slt, %add3A_160, %select_n3A : i32
      %convert_element_type3A = arith.extui %lt3A : i1 to i32
      %cond3A = arith.constant 0 : i32
      %cond3A_161 = arith.cmpi ne, %convert_element_type3A, %cond3A : i32
      scf.if %cond3A_161 {
        %add3A_219 = arith.constant 0 : i32
        %add3A_220 = arith.addi %mul3A_59, %add3A_219 : i32
        %add3A_221 = arith.constant 4 : i32
        %add3A_222 = arith.addi %add3A_220, %add3A_221 : i32
        %dma_start3A_223 = arith.constant 0 : i32
        %dma_start3A_224 = arith.constant 0 : i32
        %dma_start3A_225 = tpu.memref_slice %arg9[%dma_start3A_223, %dma_start3A_224] : memref<512x64xbf16, #tpu.memory_space<vmem>> -> memref<128x64xbf16, #tpu.memory_space<vmem>>
        %dma_start3A_226 = arith.constant 0 : i32
        %dma_start3A_227 = tpu.memref_slice %arg7[%add3A_222, %dma_start3A_226] : memref<80x128xi32, #tpu.memory_space<vmem>> -> memref<1x128xi32, #tpu.memory_space<vmem>>
        %dma_start3A_228 = tpu.memref_squeeze %dma_start3A_227 : memref<1x128xi32, #tpu.memory_space<vmem>> -> memref<128xi32, #tpu.memory_space<vmem>>
        %dma_start3A_229 = arith.constant 0 : i32
        %dma_start3A_230 = arith.constant 0 : i32
        %dma_start3A_231 = tpu.memref_slice %arg10[%dma_start3A_229, %dma_start3A_230] : memref<10240x64xbf16, #tpu.memory_space<vmem_shared>> -> memref<10240x64xbf16, #tpu.memory_space<vmem_shared>>
        tpu.enqueue_indirect_dma source(%dma_start3A_231 : memref<10240x64xbf16, #tpu.memory_space<vmem_shared>>) target(%dma_start3A_225 : memref<128x64xbf16, #tpu.memory_space<vmem>>) offsets(%dma_start3A_228 : memref<128xi32, #tpu.memory_space<vmem>>) semaphore(%arg12 : memref<!tpu.dma_semaphore, #tpu.memory_space<semaphore_mem>>)
      } else {
      }
      %add3A_162 = arith.constant 1 : i32
      %add3A_163 = arith.addi %mul3A_59, %add3A_162 : i32
      %dma_wait3A_164 = arith.constant 128 : i32
      %dma_wait3A_165 = arith.constant 0 : i32
      %dma_wait3A_166 = tpu.memref_slice %arg9[%dma_wait3A_164, %dma_wait3A_165] : memref<512x64xbf16, #tpu.memory_space<vmem>> -> memref<128x64xbf16, #tpu.memory_space<vmem>>
      %dma_wait3A_167 = arith.constant 0 : i32
      %dma_wait3A_168 = tpu.memref_slice %arg8[%add3A_163, %dma_wait3A_167] : memref<80x128xi32, #tpu.memory_space<vmem>> -> memref<1x128xi32, #tpu.memory_space<vmem>>
      %dma_wait3A_169 = tpu.memref_squeeze %dma_wait3A_168 : memref<1x128xi32, #tpu.memory_space<vmem>> -> memref<128xi32, #tpu.memory_space<vmem>>
      %dma_wait3A_170 = arith.constant 0 : i32
      %dma_wait3A_171 = arith.constant 0 : i32
      %dma_wait3A_172 = tpu.memref_slice %arg11[%dma_wait3A_170, %dma_wait3A_171] : memref<10240x64xbf16, #tpu.memory_space<vmem_shared>> -> memref<10240x64xbf16, #tpu.memory_space<vmem_shared>>
      tpu.wait_indirect_dma semaphore(%arg17 : memref<!tpu.dma_semaphore, #tpu.memory_space<semaphore_mem>>) src(%dma_wait3A_166 : memref<128x64xbf16, #tpu.memory_space<vmem>>) dst(%dma_wait3A_172 : memref<10240x64xbf16, #tpu.memory_space<vmem_shared>>)
      %add3A_173 = arith.constant 1 : i32
      %add3A_174 = arith.addi %mul3A_59, %add3A_173 : i32
      %add3A_175 = arith.constant 4 : i32
      %add3A_176 = arith.addi %add3A_174, %add3A_175 : i32
      %lt3A_177 = arith.cmpi slt, %add3A_176, %select_n3A : i32
      %convert_element_type3A_178 = arith.extui %lt3A_177 : i1 to i32
      %cond3A_179 = arith.constant 0 : i32
      %cond3A_180 = arith.cmpi ne, %convert_element_type3A_178, %cond3A_179 : i32
      scf.if %cond3A_180 {
        %add3A_219 = arith.constant 1 : i32
        %add3A_220 = arith.addi %mul3A_59, %add3A_219 : i32
        %add3A_221 = arith.constant 4 : i32
        %add3A_222 = arith.addi %add3A_220, %add3A_221 : i32
        %dma_start3A_223 = arith.constant 128 : i32
        %dma_start3A_224 = arith.constant 0 : i32
        %dma_start3A_225 = tpu.memref_slice %arg9[%dma_start3A_223, %dma_start3A_224] : memref<512x64xbf16, #tpu.memory_space<vmem>> -> memref<128x64xbf16, #tpu.memory_space<vmem>>
        %dma_start3A_226 = arith.constant 0 : i32
        %dma_start3A_227 = tpu.memref_slice %arg7[%add3A_222, %dma_start3A_226] : memref<80x128xi32, #tpu.memory_space<vmem>> -> memref<1x128xi32, #tpu.memory_space<vmem>>
        %dma_start3A_228 = tpu.memref_squeeze %dma_start3A_227 : memref<1x128xi32, #tpu.memory_space<vmem>> -> memref<128xi32, #tpu.memory_space<vmem>>
        %dma_start3A_229 = arith.constant 0 : i32
        %dma_start3A_230 = arith.constant 0 : i32
        %dma_start3A_231 = tpu.memref_slice %arg10[%dma_start3A_229, %dma_start3A_230] : memref<10240x64xbf16, #tpu.memory_space<vmem_shared>> -> memref<10240x64xbf16, #tpu.memory_space<vmem_shared>>
        tpu.enqueue_indirect_dma source(%dma_start3A_231 : memref<10240x64xbf16, #tpu.memory_space<vmem_shared>>) target(%dma_start3A_225 : memref<128x64xbf16, #tpu.memory_space<vmem>>) offsets(%dma_start3A_228 : memref<128xi32, #tpu.memory_space<vmem>>) semaphore(%arg13 : memref<!tpu.dma_semaphore, #tpu.memory_space<semaphore_mem>>)
      } else {
      }
      %add3A_181 = arith.constant 2 : i32
      %add3A_182 = arith.addi %mul3A_59, %add3A_181 : i32
      %dma_wait3A_183 = arith.constant 256 : i32
      %dma_wait3A_184 = arith.constant 0 : i32
      %dma_wait3A_185 = tpu.memref_slice %arg9[%dma_wait3A_183, %dma_wait3A_184] : memref<512x64xbf16, #tpu.memory_space<vmem>> -> memref<128x64xbf16, #tpu.memory_space<vmem>>
      %dma_wait3A_186 = arith.constant 0 : i32
      %dma_wait3A_187 = tpu.memref_slice %arg8[%add3A_182, %dma_wait3A_186] : memref<80x128xi32, #tpu.memory_space<vmem>> -> memref<1x128xi32, #tpu.memory_space<vmem>>
      %dma_wait3A_188 = tpu.memref_squeeze %dma_wait3A_187 : memref<1x128xi32, #tpu.memory_space<vmem>> -> memref<128xi32, #tpu.memory_space<vmem>>
      %dma_wait3A_189 = arith.constant 0 : i32
      %dma_wait3A_190 = arith.constant 0 : i32
      %dma_wait3A_191 = tpu.memref_slice %arg11[%dma_wait3A_189, %dma_wait3A_190] : memref<10240x64xbf16, #tpu.memory_space<vmem_shared>> -> memref<10240x64xbf16, #tpu.memory_space<vmem_shared>>
      tpu.wait_indirect_dma semaphore(%arg18 : memref<!tpu.dma_semaphore, #tpu.memory_space<semaphore_mem>>) src(%dma_wait3A_185 : memref<128x64xbf16, #tpu.memory_space<vmem>>) dst(%dma_wait3A_191 : memref<10240x64xbf16, #tpu.memory_space<vmem_shared>>)
      %add3A_192 = arith.constant 2 : i32
      %add3A_193 = arith.addi %mul3A_59, %add3A_192 : i32
      %add3A_194 = arith.constant 4 : i32
      %add3A_195 = arith.addi %add3A_193, %add3A_194 : i32
      %lt3A_196 = arith.cmpi slt, %add3A_195, %select_n3A : i32
      %convert_element_type3A_197 = arith.extui %lt3A_196 : i1 to i32
      %cond3A_198 = arith.constant 0 : i32
      %cond3A_199 = arith.cmpi ne, %convert_element_type3A_197, %cond3A_198 : i32
      scf.if %cond3A_199 {
        %add3A_219 = arith.constant 2 : i32
        %add3A_220 = arith.addi %mul3A_59, %add3A_219 : i32
        %add3A_221 = arith.constant 4 : i32
        %add3A_222 = arith.addi %add3A_220, %add3A_221 : i32
        %dma_start3A_223 = arith.constant 256 : i32
        %dma_start3A_224 = arith.constant 0 : i32
        %dma_start3A_225 = tpu.memref_slice %arg9[%dma_start3A_223, %dma_start3A_224] : memref<512x64xbf16, #tpu.memory_space<vmem>> -> memref<128x64xbf16, #tpu.memory_space<vmem>>
        %dma_start3A_226 = arith.constant 0 : i32
        %dma_start3A_227 = tpu.memref_slice %arg7[%add3A_222, %dma_start3A_226] : memref<80x128xi32, #tpu.memory_space<vmem>> -> memref<1x128xi32, #tpu.memory_space<vmem>>
        %dma_start3A_228 = tpu.memref_squeeze %dma_start3A_227 : memref<1x128xi32, #tpu.memory_space<vmem>> -> memref<128xi32, #tpu.memory_space<vmem>>
        %dma_start3A_229 = arith.constant 0 : i32
        %dma_start3A_230 = arith.constant 0 : i32
        %dma_start3A_231 = tpu.memref_slice %arg10[%dma_start3A_229, %dma_start3A_230] : memref<10240x64xbf16, #tpu.memory_space<vmem_shared>> -> memref<10240x64xbf16, #tpu.memory_space<vmem_shared>>
        tpu.enqueue_indirect_dma source(%dma_start3A_231 : memref<10240x64xbf16, #tpu.memory_space<vmem_shared>>) target(%dma_start3A_225 : memref<128x64xbf16, #tpu.memory_space<vmem>>) offsets(%dma_start3A_228 : memref<128xi32, #tpu.memory_space<vmem>>) semaphore(%arg14 : memref<!tpu.dma_semaphore, #tpu.memory_space<semaphore_mem>>)
      } else {
      }
      %add3A_200 = arith.constant 3 : i32
      %add3A_201 = arith.addi %mul3A_59, %add3A_200 : i32
      %dma_wait3A_202 = arith.constant 384 : i32
      %dma_wait3A_203 = arith.constant 0 : i32
      %dma_wait3A_204 = tpu.memref_slice %arg9[%dma_wait3A_202, %dma_wait3A_203] : memref<512x64xbf16, #tpu.memory_space<vmem>> -> memref<128x64xbf16, #tpu.memory_space<vmem>>
      %dma_wait3A_205 = arith.constant 0 : i32
      %dma_wait3A_206 = tpu.memref_slice %arg8[%add3A_201, %dma_wait3A_205] : memref<80x128xi32, #tpu.memory_space<vmem>> -> memref<1x128xi32, #tpu.memory_space<vmem>>
      %dma_wait3A_207 = tpu.memref_squeeze %dma_wait3A_206 : memref<1x128xi32, #tpu.memory_space<vmem>> -> memref<128xi32, #tpu.memory_space<vmem>>
      %dma_wait3A_208 = arith.constant 0 : i32
      %dma_wait3A_209 = arith.constant 0 : i32
      %dma_wait3A_210 = tpu.memref_slice %arg11[%dma_wait3A_208, %dma_wait3A_209] : memref<10240x64xbf16, #tpu.memory_space<vmem_shared>> -> memref<10240x64xbf16, #tpu.memory_space<vmem_shared>>
      tpu.wait_indirect_dma semaphore(%arg19 : memref<!tpu.dma_semaphore, #tpu.memory_space<semaphore_mem>>) src(%dma_wait3A_204 : memref<128x64xbf16, #tpu.memory_space<vmem>>) dst(%dma_wait3A_210 : memref<10240x64xbf16, #tpu.memory_space<vmem_shared>>)
      %add3A_211 = arith.constant 3 : i32
      %add3A_212 = arith.addi %mul3A_59, %add3A_211 : i32
      %add3A_213 = arith.constant 4 : i32
      %add3A_214 = arith.addi %add3A_212, %add3A_213 : i32
      %lt3A_215 = arith.cmpi slt, %add3A_214, %select_n3A : i32
      %convert_element_type3A_216 = arith.extui %lt3A_215 : i1 to i32
      %cond3A_217 = arith.constant 0 : i32
      %cond3A_218 = arith.cmpi ne, %convert_element_type3A_216, %cond3A_217 : i32
      scf.if %cond3A_218 {
        %add3A_219 = arith.constant 3 : i32
        %add3A_220 = arith.addi %mul3A_59, %add3A_219 : i32
        %add3A_221 = arith.constant 4 : i32
        %add3A_222 = arith.addi %add3A_220, %add3A_221 : i32
        %dma_start3A_223 = arith.constant 384 : i32
        %dma_start3A_224 = arith.constant 0 : i32
        %dma_start3A_225 = tpu.memref_slice %arg9[%dma_start3A_223, %dma_start3A_224] : memref<512x64xbf16, #tpu.memory_space<vmem>> -> memref<128x64xbf16, #tpu.memory_space<vmem>>
        %dma_start3A_226 = arith.constant 0 : i32
        %dma_start3A_227 = tpu.memref_slice %arg7[%add3A_222, %dma_start3A_226] : memref<80x128xi32, #tpu.memory_space<vmem>> -> memref<1x128xi32, #tpu.memory_space<vmem>>
        %dma_start3A_228 = tpu.memref_squeeze %dma_start3A_227 : memref<1x128xi32, #tpu.memory_space<vmem>> -> memref<128xi32, #tpu.memory_space<vmem>>
        %dma_start3A_229 = arith.constant 0 : i32
        %dma_start3A_230 = arith.constant 0 : i32
        %dma_start3A_231 = tpu.memref_slice %arg10[%dma_start3A_229, %dma_start3A_230] : memref<10240x64xbf16, #tpu.memory_space<vmem_shared>> -> memref<10240x64xbf16, #tpu.memory_space<vmem_shared>>
        tpu.enqueue_indirect_dma source(%dma_start3A_231 : memref<10240x64xbf16, #tpu.memory_space<vmem_shared>>) target(%dma_start3A_225 : memref<128x64xbf16, #tpu.memory_space<vmem>>) offsets(%dma_start3A_228 : memref<128xi32, #tpu.memory_space<vmem>>) semaphore(%arg15 : memref<!tpu.dma_semaphore, #tpu.memory_space<semaphore_mem>>)
      } else {
      }
    }
    %barrier3A_56 = arith.constant 0 : index
    tpu.barrier barrier_id(%barrier3A_56)
    "tpu.region"() ({
      %run_scoped3A = tpu.sem_alloc : memref<!tpu.dma_semaphore, #tpu.memory_space<semaphore_mem>>
      %dma_start3A_57 = arith.constant 0 : i32
      %dma_start3A_58 = tpu.memref_slice %arg6[%arg0, %mul3A_0, %dma_start3A_57] : memref<2x10240x64xbf16, #tpu.memory_space<hbm>> -> memref<1x640x64xbf16, #tpu.memory_space<hbm>>
      %dma_start3A_59 = tpu.memref_squeeze %dma_start3A_58 : memref<1x640x64xbf16, #tpu.memory_space<hbm>> -> memref<640x64xbf16, #tpu.memory_space<hbm>>
      %dma_start3A_60 = arith.constant 0 : i32
      %dma_start3A_61 = tpu.memref_slice %arg11[%mul3A_0, %dma_start3A_60] : memref<10240x64xbf16, #tpu.memory_space<vmem_shared>> -> memref<640x64xbf16, #tpu.memory_space<vmem_shared>>
      tpu.enqueue_dma source(%dma_start3A_61 : memref<640x64xbf16, #tpu.memory_space<vmem_shared>>) target(%dma_start3A_59 : memref<640x64xbf16, #tpu.memory_space<hbm>>) target_semaphore(%run_scoped3A : memref<!tpu.dma_semaphore, #tpu.memory_space<semaphore_mem>>)
      %dma_wait3A = arith.constant 0 : i32
      %dma_wait3A_62 = tpu.memref_slice %arg6[%arg0, %mul3A_0, %dma_wait3A] : memref<2x10240x64xbf16, #tpu.memory_space<hbm>> -> memref<1x640x64xbf16, #tpu.memory_space<hbm>>
      %dma_wait3A_63 = tpu.memref_squeeze %dma_wait3A_62 : memref<1x640x64xbf16, #tpu.memory_space<hbm>> -> memref<640x64xbf16, #tpu.memory_space<hbm>>
      %dma_wait3A_64 = arith.constant 0 : i32
      %dma_wait3A_65 = tpu.memref_slice %arg11[%mul3A_0, %dma_wait3A_64] : memref<10240x64xbf16, #tpu.memory_space<vmem_shared>> -> memref<640x64xbf16, #tpu.memory_space<vmem_shared>>
      tpu.wait_dma2 semaphore(%run_scoped3A : memref<!tpu.dma_semaphore, #tpu.memory_space<semaphore_mem>>) src(%dma_wait3A_65 : memref<640x64xbf16, #tpu.memory_space<vmem_shared>>) dst(%dma_wait3A_63 : memref<640x64xbf16, #tpu.memory_space<hbm>>)
      tpu.yield
    }) : () -> ()
    return
  }
}

#map = affine_map<(d0, d1) -> (0)>
#map1 = affine_map<(d0, d1) -> (0, 0)>
module attributes {stable_mosaic.version = 14 : i64} {
  func.func @_deg_kernel(%arg0: i32, %arg1: i32, %arg2: memref<327680xi32, #tpu.memory_space<hbm>>, %arg3: memref<2x10240xf32, #tpu.memory_space<hbm>>, %arg4: memref<10240xi32, #tpu.memory_space<vmem>>, %arg5: memref<10240xf32, #tpu.memory_space<vmem>>, %arg6: memref<640xf32, #tpu.memory_space<vmem>>, %arg7: memref<640xf32, #tpu.memory_space<vmem>>, %arg8: memref<16x10240xf32, #tpu.memory_space<vmem_shared>>) attributes {dimension_semantics = [#tpu.dimension_semantics<core_parallel>, #tpu.dimension_semantics<subcore_parallel>], iteration_bounds = array<i64: 2, 16>, scalar_prefetch = 0 : i64, scratch_operands = 5 : i64, tpu.core_type = #tpu.core_type<sc_vector_subcore>, window_params = [{transform_indices = #map}, {transform_indices = #map1}]} {
    %mul3A = arith.constant 2 : i32
    %mul3A_0 = arith.muli %arg1, %mul3A : i32
    %add3A = arith.addi %mul3A_0, %arg0 : i32
    %broadcast_in_dim3A = arith.constant 0.000000e+00 : f32
    %broadcast_in_dim3A_1 = vector.broadcast %broadcast_in_dim3A : f32 to vector<16xf32>
    %broadcast_in_dim3A_2 = arith.constant 1.000000e+00 : f32
    %broadcast_in_dim3A_3 = vector.broadcast %broadcast_in_dim3A_2 : f32 to vector<16xf32>
    %scan3A = arith.constant 0 : i32
    %scan3A_4 = arith.constant 0 : i32
    %scan3A_5 = arith.constant 640 : i32
    %scan3A_6 = arith.addi %scan3A_4, %scan3A_5 : i32
    %scan3A_7 = arith.constant 1 : i32
    scf.for %scan3A_136 = %scan3A_4 to %scan3A_6 step %scan3A_7  : i32 {
      %mul3A_137 = arith.constant 16 : i32
      %mul3A_138 = arith.muli %scan3A_136, %mul3A_137 : i32
      %swap3A = arith.index_cast %mul3A_138 : i32 to index
      %swap3A_139 = tpu.vector_load %arg5[%swap3A] {strides = array<i32>} : memref<10240xf32, #tpu.memory_space<vmem>>, vector<16xf32>,
      tpu.vector_store %arg5[%swap3A], %broadcast_in_dim3A_1 {strides = array<i32>} : memref<10240xf32, #tpu.memory_space<vmem>>, vector<16xf32>,
    }
    %scan3A_8 = arith.constant 640 : i32
    %mul3A_9 = arith.constant 10240 : i32
    %mul3A_10 = arith.muli %add3A, %mul3A_9 : i32
    "tpu.region"() ({
      %run_scoped3A_136 = tpu.sem_alloc : memref<!tpu.dma_semaphore, #tpu.memory_space<semaphore_mem>>
      %dma_start3A = tpu.memref_slice %arg2[%mul3A_10] : memref<327680xi32, #tpu.memory_space<hbm>> -> memref<10240xi32, #tpu.memory_space<hbm>>
      %dma_start3A_137 = tpu.memref_slice %arg2[%mul3A_10] : memref<327680xi32, #tpu.memory_space<hbm>> -> memref<10240xi32, #tpu.memory_space<hbm>>
      tpu.enqueue_dma source(%dma_start3A_137 : memref<10240xi32, #tpu.memory_space<hbm>>) target(%arg4 : memref<10240xi32, #tpu.memory_space<vmem>>) target_semaphore(%run_scoped3A_136 : memref<!tpu.dma_semaphore, #tpu.memory_space<semaphore_mem>>)
      %dma_wait3A = tpu.memref_slice %arg2[%mul3A_10] : memref<327680xi32, #tpu.memory_space<hbm>> -> memref<10240xi32, #tpu.memory_space<hbm>>
      %dma_wait3A_138 = tpu.memref_slice %arg2[%mul3A_10] : memref<327680xi32, #tpu.memory_space<hbm>> -> memref<10240xi32, #tpu.memory_space<hbm>>
      tpu.wait_dma2 semaphore(%run_scoped3A_136 : memref<!tpu.dma_semaphore, #tpu.memory_space<semaphore_mem>>) src(%dma_wait3A_138 : memref<10240xi32, #tpu.memory_space<hbm>>) dst(%arg4 : memref<10240xi32, #tpu.memory_space<vmem>>)
      tpu.yield
    }) : () -> ()
    %scan3A_11 = arith.constant 0 : i32
    %scan3A_12 = arith.constant 0 : i32
    %scan3A_13 = arith.constant 640 : i32
    %scan3A_14 = arith.addi %scan3A_12, %scan3A_13 : i32
    %scan3A_15 = arith.constant 1 : i32
    scf.for %scan3A_136 = %scan3A_12 to %scan3A_14 step %scan3A_15  : i32 {
      %mul3A_137 = arith.constant 16 : i32
      %mul3A_138 = arith.muli %scan3A_136, %mul3A_137 : i32
      %get3A = arith.index_cast %mul3A_138 : i32 to index
      %get3A_139 = tpu.vector_load %arg4[%get3A] {strides = array<i32>} : memref<10240xi32, #tpu.memory_space<vmem>>, vector<16xi32>,
      tpu.vector_store_idx %arg5[%get3A_139], %broadcast_in_dim3A_3 {add = true} : memref<10240xf32, #tpu.memory_space<vmem>>[vector<16xi32>], vector<16xf32>,
    }
    %scan3A_16 = arith.constant 640 : i32
    "tpu.region"() ({
      %run_scoped3A_136 = tpu.sem_alloc : memref<!tpu.dma_semaphore, #tpu.memory_space<semaphore_mem>>
      %dma_start3A = arith.constant 0 : i32
      %dma_start3A_137 = tpu.memref_slice %arg8[%arg1, %dma_start3A] : memref<16x10240xf32, #tpu.memory_space<vmem_shared>> -> memref<1x10240xf32, #tpu.memory_space<vmem_shared>>
      %dma_start3A_138 = tpu.memref_squeeze %dma_start3A_137 : memref<1x10240xf32, #tpu.memory_space<vmem_shared>> -> memref<10240xf32, #tpu.memory_space<vmem_shared>>
      %dma_start3A_139 = arith.constant 0 : i32
      %dma_start3A_140 = tpu.memref_slice %arg8[%arg1, %dma_start3A_139] : memref<16x10240xf32, #tpu.memory_space<vmem_shared>> -> memref<1x10240xf32, #tpu.memory_space<vmem_shared>>
      %dma_start3A_141 = tpu.memref_squeeze %dma_start3A_140 : memref<1x10240xf32, #tpu.memory_space<vmem_shared>> -> memref<10240xf32, #tpu.memory_space<vmem_shared>>
      tpu.enqueue_dma source(%arg5 : memref<10240xf32, #tpu.memory_space<vmem>>) target(%dma_start3A_141 : memref<10240xf32, #tpu.memory_space<vmem_shared>>) target_semaphore(%run_scoped3A_136 : memref<!tpu.dma_semaphore, #tpu.memory_space<semaphore_mem>>)
      %dma_wait3A = arith.constant 0 : i32
      %dma_wait3A_142 = tpu.memref_slice %arg8[%arg1, %dma_wait3A] : memref<16x10240xf32, #tpu.memory_space<vmem_shared>> -> memref<1x10240xf32, #tpu.memory_space<vmem_shared>>
      %dma_wait3A_143 = tpu.memref_squeeze %dma_wait3A_142 : memref<1x10240xf32, #tpu.memory_space<vmem_shared>> -> memref<10240xf32, #tpu.memory_space<vmem_shared>>
      %dma_wait3A_144 = arith.constant 0 : i32
      %dma_wait3A_145 = tpu.memref_slice %arg8[%arg1, %dma_wait3A_144] : memref<16x10240xf32, #tpu.memory_space<vmem_shared>> -> memref<1x10240xf32, #tpu.memory_space<vmem_shared>>
      %dma_wait3A_146 = tpu.memref_squeeze %dma_wait3A_145 : memref<1x10240xf32, #tpu.memory_space<vmem_shared>> -> memref<10240xf32, #tpu.memory_space<vmem_shared>>
      tpu.wait_dma2 semaphore(%run_scoped3A_136 : memref<!tpu.dma_semaphore, #tpu.memory_space<semaphore_mem>>) src(%arg5 : memref<10240xf32, #tpu.memory_space<vmem>>) dst(%dma_wait3A_146 : memref<10240xf32, #tpu.memory_space<vmem_shared>>)
      tpu.yield
    }) : () -> ()
    %barrier3A = arith.constant 0 : index
    tpu.barrier barrier_id(%barrier3A)
    %mul3A_17 = arith.constant 640 : i32
    %mul3A_18 = arith.muli %arg1, %mul3A_17 : i32
    %scan3A_19 = arith.constant 0 : i32
    %scan3A_20 = arith.constant 0 : i32
    %scan3A_21 = arith.constant 40 : i32
    %scan3A_22 = arith.addi %scan3A_20, %scan3A_21 : i32
    %scan3A_23 = arith.constant 1 : i32
    scf.for %scan3A_136 = %scan3A_20 to %scan3A_22 step %scan3A_23  : i32 {
      %mul3A_137 = arith.constant 16 : i32
      %mul3A_138 = arith.muli %scan3A_136, %mul3A_137 : i32
      %swap3A = arith.index_cast %mul3A_138 : i32 to index
      %swap3A_139 = tpu.vector_load %arg7[%swap3A] {strides = array<i32>} : memref<640xf32, #tpu.memory_space<vmem>>, vector<16xf32>,
      tpu.vector_store %arg7[%swap3A], %broadcast_in_dim3A_1 {strides = array<i32>} : memref<640xf32, #tpu.memory_space<vmem>>, vector<16xf32>,
    }
    %scan3A_24 = arith.constant 40 : i32
    %run_scoped3A = arith.constant 0 : i32
    "tpu.region"() ({
      %run_scoped3A_136 = tpu.sem_alloc : memref<!tpu.dma_semaphore, #tpu.memory_space<semaphore_mem>>
      %dma_start3A = tpu.memref_slice %arg8[%run_scoped3A, %mul3A_18] : memref<16x10240xf32, #tpu.memory_space<vmem_shared>> -> memref<1x640xf32, #tpu.memory_space<vmem_shared>>
      %dma_start3A_137 = tpu.memref_squeeze %dma_start3A : memref<1x640xf32, #tpu.memory_space<vmem_shared>> -> memref<640xf32, #tpu.memory_space<vmem_shared>>
      %dma_start3A_138 = tpu.memref_slice %arg8[%run_scoped3A, %mul3A_18] : memref<16x10240xf32, #tpu.memory_space<vmem_shared>> -> memref<1x640xf32, #tpu.memory_space<vmem_shared>>
      %dma_start3A_139 = tpu.memref_squeeze %dma_start3A_138 : memref<1x640xf32, #tpu.memory_space<vmem_shared>> -> memref<640xf32, #tpu.memory_space<vmem_shared>>
      tpu.enqueue_dma source(%dma_start3A_139 : memref<640xf32, #tpu.memory_space<vmem_shared>>) target(%arg6 : memref<640xf32, #tpu.memory_space<vmem>>) target_semaphore(%run_scoped3A_136 : memref<!tpu.dma_semaphore, #tpu.memory_space<semaphore_mem>>)
      %dma_wait3A = tpu.memref_slice %arg8[%run_scoped3A, %mul3A_18] : memref<16x10240xf32, #tpu.memory_space<vmem_shared>> -> memref<1x640xf32, #tpu.memory_space<vmem_shared>>
      %dma_wait3A_140 = tpu.memref_squeeze %dma_wait3A : memref<1x640xf32, #tpu.memory_space<vmem_shared>> -> memref<640xf32, #tpu.memory_space<vmem_shared>>
      %dma_wait3A_141 = tpu.memref_slice %arg8[%run_scoped3A, %mul3A_18] : memref<16x10240xf32, #tpu.memory_space<vmem_shared>> -> memref<1x640xf32, #tpu.memory_space<vmem_shared>>
      %dma_wait3A_142 = tpu.memref_squeeze %dma_wait3A_141 : memref<1x640xf32, #tpu.memory_space<vmem_shared>> -> memref<640xf32, #tpu.memory_space<vmem_shared>>
      tpu.wait_dma2 semaphore(%run_scoped3A_136 : memref<!tpu.dma_semaphore, #tpu.memory_space<semaphore_mem>>) src(%dma_wait3A_142 : memref<640xf32, #tpu.memory_space<vmem_shared>>) dst(%arg6 : memref<640xf32, #tpu.memory_space<vmem>>)
      tpu.yield
    }) : () -> ()
    %scan3A_25 = arith.constant 0 : i32
    %scan3A_26 = arith.constant 0 : i32
    %scan3A_27 = arith.constant 40 : i32
    %scan3A_28 = arith.addi %scan3A_26, %scan3A_27 : i32
    %scan3A_29 = arith.constant 1 : i32
    scf.for %scan3A_136 = %scan3A_26 to %scan3A_28 step %scan3A_29  : i32 {
      %mul3A_137 = arith.constant 16 : i32
      %mul3A_138 = arith.muli %scan3A_136, %mul3A_137 : i32
      %get3A = arith.index_cast %mul3A_138 : i32 to index
      %get3A_139 = tpu.vector_load %arg7[%get3A] {strides = array<i32>} : memref<640xf32, #tpu.memory_space<vmem>>, vector<16xf32>,
      %mul3A_140 = arith.constant 16 : i32
      %mul3A_141 = arith.muli %scan3A_136, %mul3A_140 : i32
      %get3A_142 = arith.index_cast %mul3A_141 : i32 to index
      %get3A_143 = tpu.vector_load %arg6[%get3A_142] {strides = array<i32>} : memref<640xf32, #tpu.memory_space<vmem>>, vector<16xf32>,
      %add3A_144 = arith.addf %get3A_139, %get3A_143 : vector<16xf32>
      %mul3A_145 = arith.constant 16 : i32
      %mul3A_146 = arith.muli %scan3A_136, %mul3A_145 : i32
      %swap3A = arith.index_cast %mul3A_146 : i32 to index
      %swap3A_147 = tpu.vector_load %arg7[%swap3A] {strides = array<i32>} : memref<640xf32, #tpu.memory_space<vmem>>, vector<16xf32>,
      tpu.vector_store %arg7[%swap3A], %add3A_144 {strides = array<i32>} : memref<640xf32, #tpu.memory_space<vmem>>, vector<16xf32>,
    }
    %scan3A_30 = arith.constant 40 : i32
    %run_scoped3A_31 = arith.constant 1 : i32
    "tpu.region"() ({
      %run_scoped3A_136 = tpu.sem_alloc : memref<!tpu.dma_semaphore, #tpu.memory_space<semaphore_mem>>
      %dma_start3A = tpu.memref_slice %arg8[%run_scoped3A_31, %mul3A_18] : memref<16x10240xf32, #tpu.memory_space<vmem_shared>> -> memref<1x640xf32, #tpu.memory_space<vmem_shared>>
      %dma_start3A_137 = tpu.memref_squeeze %dma_start3A : memref<1x640xf32, #tpu.memory_space<vmem_shared>> -> memref<640xf32, #tpu.memory_space<vmem_shared>>
      %dma_start3A_138 = tpu.memref_slice %arg8[%run_scoped3A_31, %mul3A_18] : memref<16x10240xf32, #tpu.memory_space<vmem_shared>> -> memref<1x640xf32, #tpu.memory_space<vmem_shared>>
      %dma_start3A_139 = tpu.memref_squeeze %dma_start3A_138 : memref<1x640xf32, #tpu.memory_space<vmem_shared>> -> memref<640xf32, #tpu.memory_space<vmem_shared>>
      tpu.enqueue_dma source(%dma_start3A_139 : memref<640xf32, #tpu.memory_space<vmem_shared>>) target(%arg6 : memref<640xf32, #tpu.memory_space<vmem>>) target_semaphore(%run_scoped3A_136 : memref<!tpu.dma_semaphore, #tpu.memory_space<semaphore_mem>>)
      %dma_wait3A = tpu.memref_slice %arg8[%run_scoped3A_31, %mul3A_18] : memref<16x10240xf32, #tpu.memory_space<vmem_shared>> -> memref<1x640xf32, #tpu.memory_space<vmem_shared>>
      %dma_wait3A_140 = tpu.memref_squeeze %dma_wait3A : memref<1x640xf32, #tpu.memory_space<vmem_shared>> -> memref<640xf32, #tpu.memory_space<vmem_shared>>
      %dma_wait3A_141 = tpu.memref_slice %arg8[%run_scoped3A_31, %mul3A_18] : memref<16x10240xf32, #tpu.memory_space<vmem_shared>> -> memref<1x640xf32, #tpu.memory_space<vmem_shared>>
      %dma_wait3A_142 = tpu.memref_squeeze %dma_wait3A_141 : memref<1x640xf32, #tpu.memory_space<vmem_shared>> -> memref<640xf32, #tpu.memory_space<vmem_shared>>
      tpu.wait_dma2 semaphore(%run_scoped3A_136 : memref<!tpu.dma_semaphore, #tpu.memory_space<semaphore_mem>>) src(%dma_wait3A_142 : memref<640xf32, #tpu.memory_space<vmem_shared>>) dst(%arg6 : memref<640xf32, #tpu.memory_space<vmem>>)
      tpu.yield
    }) : () -> ()
    %scan3A_32 = arith.constant 0 : i32
    %scan3A_33 = arith.constant 0 : i32
    %scan3A_34 = arith.constant 40 : i32
    %scan3A_35 = arith.addi %scan3A_33, %scan3A_34 : i32
    %scan3A_36 = arith.constant 1 : i32
    scf.for %scan3A_136 = %scan3A_33 to %scan3A_35 step %scan3A_36  : i32 {
      %mul3A_137 = arith.constant 16 : i32
      %mul3A_138 = arith.muli %scan3A_136, %mul3A_137 : i32
      %get3A = arith.index_cast %mul3A_138 : i32 to index
      %get3A_139 = tpu.vector_load %arg7[%get3A] {strides = array<i32>} : memref<640xf32, #tpu.memory_space<vmem>>, vector<16xf32>,
      %mul3A_140 = arith.constant 16 : i32
      %mul3A_141 = arith.muli %scan3A_136, %mul3A_140 : i32
      %get3A_142 = arith.index_cast %mul3A_141 : i32 to index
      %get3A_143 = tpu.vector_load %arg6[%get3A_142] {strides = array<i32>} : memref<640xf32, #tpu.memory_space<vmem>>, vector<16xf32>,
      %add3A_144 = arith.addf %get3A_139, %get3A_143 : vector<16xf32>
      %mul3A_145 = arith.constant 16 : i32
      %mul3A_146 = arith.muli %scan3A_136, %mul3A_145 : i32
      %swap3A = arith.index_cast %mul3A_146 : i32 to index
      %swap3A_147 = tpu.vector_load %arg7[%swap3A] {strides = array<i32>} : memref<640xf32, #tpu.memory_space<vmem>>, vector<16xf32>,
      tpu.vector_store %arg7[%swap3A], %add3A_144 {strides = array<i32>} : memref<640xf32, #tpu.memory_space<vmem>>, vector<16xf32>,
    }
    %scan3A_37 = arith.constant 40 : i32
    %run_scoped3A_38 = arith.constant 2 : i32
    "tpu.region"() ({
      %run_scoped3A_136 = tpu.sem_alloc : memref<!tpu.dma_semaphore, #tpu.memory_space<semaphore_mem>>
      %dma_start3A = tpu.memref_slice %arg8[%run_scoped3A_38, %mul3A_18] : memref<16x10240xf32, #tpu.memory_space<vmem_shared>> -> memref<1x640xf32, #tpu.memory_space<vmem_shared>>
      %dma_start3A_137 = tpu.memref_squeeze %dma_start3A : memref<1x640xf32, #tpu.memory_space<vmem_shared>> -> memref<640xf32, #tpu.memory_space<vmem_shared>>
      %dma_start3A_138 = tpu.memref_slice %arg8[%run_scoped3A_38, %mul3A_18] : memref<16x10240xf32, #tpu.memory_space<vmem_shared>> -> memref<1x640xf32, #tpu.memory_space<vmem_shared>>
      %dma_start3A_139 = tpu.memref_squeeze %dma_start3A_138 : memref<1x640xf32, #tpu.memory_space<vmem_shared>> -> memref<640xf32, #tpu.memory_space<vmem_shared>>
      tpu.enqueue_dma source(%dma_start3A_139 : memref<640xf32, #tpu.memory_space<vmem_shared>>) target(%arg6 : memref<640xf32, #tpu.memory_space<vmem>>) target_semaphore(%run_scoped3A_136 : memref<!tpu.dma_semaphore, #tpu.memory_space<semaphore_mem>>)
      %dma_wait3A = tpu.memref_slice %arg8[%run_scoped3A_38, %mul3A_18] : memref<16x10240xf32, #tpu.memory_space<vmem_shared>> -> memref<1x640xf32, #tpu.memory_space<vmem_shared>>
      %dma_wait3A_140 = tpu.memref_squeeze %dma_wait3A : memref<1x640xf32, #tpu.memory_space<vmem_shared>> -> memref<640xf32, #tpu.memory_space<vmem_shared>>
      %dma_wait3A_141 = tpu.memref_slice %arg8[%run_scoped3A_38, %mul3A_18] : memref<16x10240xf32, #tpu.memory_space<vmem_shared>> -> memref<1x640xf32, #tpu.memory_space<vmem_shared>>
      %dma_wait3A_142 = tpu.memref_squeeze %dma_wait3A_141 : memref<1x640xf32, #tpu.memory_space<vmem_shared>> -> memref<640xf32, #tpu.memory_space<vmem_shared>>
      tpu.wait_dma2 semaphore(%run_scoped3A_136 : memref<!tpu.dma_semaphore, #tpu.memory_space<semaphore_mem>>) src(%dma_wait3A_142 : memref<640xf32, #tpu.memory_space<vmem_shared>>) dst(%arg6 : memref<640xf32, #tpu.memory_space<vmem>>)
      tpu.yield
    }) : () -> ()
    %scan3A_39 = arith.constant 0 : i32
    %scan3A_40 = arith.constant 0 : i32
    %scan3A_41 = arith.constant 40 : i32
    %scan3A_42 = arith.addi %scan3A_40, %scan3A_41 : i32
    %scan3A_43 = arith.constant 1 : i32
    scf.for %scan3A_136 = %scan3A_40 to %scan3A_42 step %scan3A_43  : i32 {
      %mul3A_137 = arith.constant 16 : i32
      %mul3A_138 = arith.muli %scan3A_136, %mul3A_137 : i32
      %get3A = arith.index_cast %mul3A_138 : i32 to index
      %get3A_139 = tpu.vector_load %arg7[%get3A] {strides = array<i32>} : memref<640xf32, #tpu.memory_space<vmem>>, vector<16xf32>,
      %mul3A_140 = arith.constant 16 : i32
      %mul3A_141 = arith.muli %scan3A_136, %mul3A_140 : i32
      %get3A_142 = arith.index_cast %mul3A_141 : i32 to index
      %get3A_143 = tpu.vector_load %arg6[%get3A_142] {strides = array<i32>} : memref<640xf32, #tpu.memory_space<vmem>>, vector<16xf32>,
      %add3A_144 = arith.addf %get3A_139, %get3A_143 : vector<16xf32>
      %mul3A_145 = arith.constant 16 : i32
      %mul3A_146 = arith.muli %scan3A_136, %mul3A_145 : i32
      %swap3A = arith.index_cast %mul3A_146 : i32 to index
      %swap3A_147 = tpu.vector_load %arg7[%swap3A] {strides = array<i32>} : memref<640xf32, #tpu.memory_space<vmem>>, vector<16xf32>,
      tpu.vector_store %arg7[%swap3A], %add3A_144 {strides = array<i32>} : memref<640xf32, #tpu.memory_space<vmem>>, vector<16xf32>,
    }
    %scan3A_44 = arith.constant 40 : i32
    %run_scoped3A_45 = arith.constant 3 : i32
    "tpu.region"() ({
      %run_scoped3A_136 = tpu.sem_alloc : memref<!tpu.dma_semaphore, #tpu.memory_space<semaphore_mem>>
      %dma_start3A = tpu.memref_slice %arg8[%run_scoped3A_45, %mul3A_18] : memref<16x10240xf32, #tpu.memory_space<vmem_shared>> -> memref<1x640xf32, #tpu.memory_space<vmem_shared>>
      %dma_start3A_137 = tpu.memref_squeeze %dma_start3A : memref<1x640xf32, #tpu.memory_space<vmem_shared>> -> memref<640xf32, #tpu.memory_space<vmem_shared>>
      %dma_start3A_138 = tpu.memref_slice %arg8[%run_scoped3A_45, %mul3A_18] : memref<16x10240xf32, #tpu.memory_space<vmem_shared>> -> memref<1x640xf32, #tpu.memory_space<vmem_shared>>
      %dma_start3A_139 = tpu.memref_squeeze %dma_start3A_138 : memref<1x640xf32, #tpu.memory_space<vmem_shared>> -> memref<640xf32, #tpu.memory_space<vmem_shared>>
      tpu.enqueue_dma source(%dma_start3A_139 : memref<640xf32, #tpu.memory_space<vmem_shared>>) target(%arg6 : memref<640xf32, #tpu.memory_space<vmem>>) target_semaphore(%run_scoped3A_136 : memref<!tpu.dma_semaphore, #tpu.memory_space<semaphore_mem>>)
      %dma_wait3A = tpu.memref_slice %arg8[%run_scoped3A_45, %mul3A_18] : memref<16x10240xf32, #tpu.memory_space<vmem_shared>> -> memref<1x640xf32, #tpu.memory_space<vmem_shared>>
      %dma_wait3A_140 = tpu.memref_squeeze %dma_wait3A : memref<1x640xf32, #tpu.memory_space<vmem_shared>> -> memref<640xf32, #tpu.memory_space<vmem_shared>>
      %dma_wait3A_141 = tpu.memref_slice %arg8[%run_scoped3A_45, %mul3A_18] : memref<16x10240xf32, #tpu.memory_space<vmem_shared>> -> memref<1x640xf32, #tpu.memory_space<vmem_shared>>
      %dma_wait3A_142 = tpu.memref_squeeze %dma_wait3A_141 : memref<1x640xf32, #tpu.memory_space<vmem_shared>> -> memref<640xf32, #tpu.memory_space<vmem_shared>>
      tpu.wait_dma2 semaphore(%run_scoped3A_136 : memref<!tpu.dma_semaphore, #tpu.memory_space<semaphore_mem>>) src(%dma_wait3A_142 : memref<640xf32, #tpu.memory_space<vmem_shared>>) dst(%arg6 : memref<640xf32, #tpu.memory_space<vmem>>)
      tpu.yield
    }) : () -> ()
    %scan3A_46 = arith.constant 0 : i32
    %scan3A_47 = arith.constant 0 : i32
    %scan3A_48 = arith.constant 40 : i32
    %scan3A_49 = arith.addi %scan3A_47, %scan3A_48 : i32
    %scan3A_50 = arith.constant 1 : i32
    scf.for %scan3A_136 = %scan3A_47 to %scan3A_49 step %scan3A_50  : i32 {
      %mul3A_137 = arith.constant 16 : i32
      %mul3A_138 = arith.muli %scan3A_136, %mul3A_137 : i32
      %get3A = arith.index_cast %mul3A_138 : i32 to index
      %get3A_139 = tpu.vector_load %arg7[%get3A] {strides = array<i32>} : memref<640xf32, #tpu.memory_space<vmem>>, vector<16xf32>,
      %mul3A_140 = arith.constant 16 : i32
      %mul3A_141 = arith.muli %scan3A_136, %mul3A_140 : i32
      %get3A_142 = arith.index_cast %mul3A_141 : i32 to index
      %get3A_143 = tpu.vector_load %arg6[%get3A_142] {strides = array<i32>} : memref<640xf32, #tpu.memory_space<vmem>>, vector<16xf32>,
      %add3A_144 = arith.addf %get3A_139, %get3A_143 : vector<16xf32>
      %mul3A_145 = arith.constant 16 : i32
      %mul3A_146 = arith.muli %scan3A_136, %mul3A_145 : i32
      %swap3A = arith.index_cast %mul3A_146 : i32 to index
      %swap3A_147 = tpu.vector_load %arg7[%swap3A] {strides = array<i32>} : memref<640xf32, #tpu.memory_space<vmem>>, vector<16xf32>,
      tpu.vector_store %arg7[%swap3A], %add3A_144 {strides = array<i32>} : memref<640xf32, #tpu.memory_space<vmem>>, vector<16xf32>,
    }
    %scan3A_51 = arith.constant 40 : i32
    %run_scoped3A_52 = arith.constant 4 : i32
    "tpu.region"() ({
      %run_scoped3A_136 = tpu.sem_alloc : memref<!tpu.dma_semaphore, #tpu.memory_space<semaphore_mem>>
      %dma_start3A = tpu.memref_slice %arg8[%run_scoped3A_52, %mul3A_18] : memref<16x10240xf32, #tpu.memory_space<vmem_shared>> -> memref<1x640xf32, #tpu.memory_space<vmem_shared>>
      %dma_start3A_137 = tpu.memref_squeeze %dma_start3A : memref<1x640xf32, #tpu.memory_space<vmem_shared>> -> memref<640xf32, #tpu.memory_space<vmem_shared>>
      %dma_start3A_138 = tpu.memref_slice %arg8[%run_scoped3A_52, %mul3A_18] : memref<16x10240xf32, #tpu.memory_space<vmem_shared>> -> memref<1x640xf32, #tpu.memory_space<vmem_shared>>
      %dma_start3A_139 = tpu.memref_squeeze %dma_start3A_138 : memref<1x640xf32, #tpu.memory_space<vmem_shared>> -> memref<640xf32, #tpu.memory_space<vmem_shared>>
      tpu.enqueue_dma source(%dma_start3A_139 : memref<640xf32, #tpu.memory_space<vmem_shared>>) target(%arg6 : memref<640xf32, #tpu.memory_space<vmem>>) target_semaphore(%run_scoped3A_136 : memref<!tpu.dma_semaphore, #tpu.memory_space<semaphore_mem>>)
      %dma_wait3A = tpu.memref_slice %arg8[%run_scoped3A_52, %mul3A_18] : memref<16x10240xf32, #tpu.memory_space<vmem_shared>> -> memref<1x640xf32, #tpu.memory_space<vmem_shared>>
      %dma_wait3A_140 = tpu.memref_squeeze %dma_wait3A : memref<1x640xf32, #tpu.memory_space<vmem_shared>> -> memref<640xf32, #tpu.memory_space<vmem_shared>>
      %dma_wait3A_141 = tpu.memref_slice %arg8[%run_scoped3A_52, %mul3A_18] : memref<16x10240xf32, #tpu.memory_space<vmem_shared>> -> memref<1x640xf32, #tpu.memory_space<vmem_shared>>
      %dma_wait3A_142 = tpu.memref_squeeze %dma_wait3A_141 : memref<1x640xf32, #tpu.memory_space<vmem_shared>> -> memref<640xf32, #tpu.memory_space<vmem_shared>>
      tpu.wait_dma2 semaphore(%run_scoped3A_136 : memref<!tpu.dma_semaphore, #tpu.memory_space<semaphore_mem>>) src(%dma_wait3A_142 : memref<640xf32, #tpu.memory_space<vmem_shared>>) dst(%arg6 : memref<640xf32, #tpu.memory_space<vmem>>)
      tpu.yield
    }) : () -> ()
    %scan3A_53 = arith.constant 0 : i32
    %scan3A_54 = arith.constant 0 : i32
    %scan3A_55 = arith.constant 40 : i32
    %scan3A_56 = arith.addi %scan3A_54, %scan3A_55 : i32
    %scan3A_57 = arith.constant 1 : i32
    scf.for %scan3A_136 = %scan3A_54 to %scan3A_56 step %scan3A_57  : i32 {
      %mul3A_137 = arith.constant 16 : i32
      %mul3A_138 = arith.muli %scan3A_136, %mul3A_137 : i32
      %get3A = arith.index_cast %mul3A_138 : i32 to index
      %get3A_139 = tpu.vector_load %arg7[%get3A] {strides = array<i32>} : memref<640xf32, #tpu.memory_space<vmem>>, vector<16xf32>,
      %mul3A_140 = arith.constant 16 : i32
      %mul3A_141 = arith.muli %scan3A_136, %mul3A_140 : i32
      %get3A_142 = arith.index_cast %mul3A_141 : i32 to index
      %get3A_143 = tpu.vector_load %arg6[%get3A_142] {strides = array<i32>} : memref<640xf32, #tpu.memory_space<vmem>>, vector<16xf32>,
      %add3A_144 = arith.addf %get3A_139, %get3A_143 : vector<16xf32>
      %mul3A_145 = arith.constant 16 : i32
      %mul3A_146 = arith.muli %scan3A_136, %mul3A_145 : i32
      %swap3A = arith.index_cast %mul3A_146 : i32 to index
      %swap3A_147 = tpu.vector_load %arg7[%swap3A] {strides = array<i32>} : memref<640xf32, #tpu.memory_space<vmem>>, vector<16xf32>,
      tpu.vector_store %arg7[%swap3A], %add3A_144 {strides = array<i32>} : memref<640xf32, #tpu.memory_space<vmem>>, vector<16xf32>,
    }
    %scan3A_58 = arith.constant 40 : i32
    %run_scoped3A_59 = arith.constant 5 : i32
    "tpu.region"() ({
      %run_scoped3A_136 = tpu.sem_alloc : memref<!tpu.dma_semaphore, #tpu.memory_space<semaphore_mem>>
      %dma_start3A = tpu.memref_slice %arg8[%run_scoped3A_59, %mul3A_18] : memref<16x10240xf32, #tpu.memory_space<vmem_shared>> -> memref<1x640xf32, #tpu.memory_space<vmem_shared>>
      %dma_start3A_137 = tpu.memref_squeeze %dma_start3A : memref<1x640xf32, #tpu.memory_space<vmem_shared>> -> memref<640xf32, #tpu.memory_space<vmem_shared>>
      %dma_start3A_138 = tpu.memref_slice %arg8[%run_scoped3A_59, %mul3A_18] : memref<16x10240xf32, #tpu.memory_space<vmem_shared>> -> memref<1x640xf32, #tpu.memory_space<vmem_shared>>
      %dma_start3A_139 = tpu.memref_squeeze %dma_start3A_138 : memref<1x640xf32, #tpu.memory_space<vmem_shared>> -> memref<640xf32, #tpu.memory_space<vmem_shared>>
      tpu.enqueue_dma source(%dma_start3A_139 : memref<640xf32, #tpu.memory_space<vmem_shared>>) target(%arg6 : memref<640xf32, #tpu.memory_space<vmem>>) target_semaphore(%run_scoped3A_136 : memref<!tpu.dma_semaphore, #tpu.memory_space<semaphore_mem>>)
      %dma_wait3A = tpu.memref_slice %arg8[%run_scoped3A_59, %mul3A_18] : memref<16x10240xf32, #tpu.memory_space<vmem_shared>> -> memref<1x640xf32, #tpu.memory_space<vmem_shared>>
      %dma_wait3A_140 = tpu.memref_squeeze %dma_wait3A : memref<1x640xf32, #tpu.memory_space<vmem_shared>> -> memref<640xf32, #tpu.memory_space<vmem_shared>>
      %dma_wait3A_141 = tpu.memref_slice %arg8[%run_scoped3A_59, %mul3A_18] : memref<16x10240xf32, #tpu.memory_space<vmem_shared>> -> memref<1x640xf32, #tpu.memory_space<vmem_shared>>
      %dma_wait3A_142 = tpu.memref_squeeze %dma_wait3A_141 : memref<1x640xf32, #tpu.memory_space<vmem_shared>> -> memref<640xf32, #tpu.memory_space<vmem_shared>>
      tpu.wait_dma2 semaphore(%run_scoped3A_136 : memref<!tpu.dma_semaphore, #tpu.memory_space<semaphore_mem>>) src(%dma_wait3A_142 : memref<640xf32, #tpu.memory_space<vmem_shared>>) dst(%arg6 : memref<640xf32, #tpu.memory_space<vmem>>)
      tpu.yield
    }) : () -> ()
    %scan3A_60 = arith.constant 0 : i32
    %scan3A_61 = arith.constant 0 : i32
    %scan3A_62 = arith.constant 40 : i32
    %scan3A_63 = arith.addi %scan3A_61, %scan3A_62 : i32
    %scan3A_64 = arith.constant 1 : i32
    scf.for %scan3A_136 = %scan3A_61 to %scan3A_63 step %scan3A_64  : i32 {
      %mul3A_137 = arith.constant 16 : i32
      %mul3A_138 = arith.muli %scan3A_136, %mul3A_137 : i32
      %get3A = arith.index_cast %mul3A_138 : i32 to index
      %get3A_139 = tpu.vector_load %arg7[%get3A] {strides = array<i32>} : memref<640xf32, #tpu.memory_space<vmem>>, vector<16xf32>,
      %mul3A_140 = arith.constant 16 : i32
      %mul3A_141 = arith.muli %scan3A_136, %mul3A_140 : i32
      %get3A_142 = arith.index_cast %mul3A_141 : i32 to index
      %get3A_143 = tpu.vector_load %arg6[%get3A_142] {strides = array<i32>} : memref<640xf32, #tpu.memory_space<vmem>>, vector<16xf32>,
      %add3A_144 = arith.addf %get3A_139, %get3A_143 : vector<16xf32>
      %mul3A_145 = arith.constant 16 : i32
      %mul3A_146 = arith.muli %scan3A_136, %mul3A_145 : i32
      %swap3A = arith.index_cast %mul3A_146 : i32 to index
      %swap3A_147 = tpu.vector_load %arg7[%swap3A] {strides = array<i32>} : memref<640xf32, #tpu.memory_space<vmem>>, vector<16xf32>,
      tpu.vector_store %arg7[%swap3A], %add3A_144 {strides = array<i32>} : memref<640xf32, #tpu.memory_space<vmem>>, vector<16xf32>,
    }
    %scan3A_65 = arith.constant 40 : i32
    %run_scoped3A_66 = arith.constant 6 : i32
    "tpu.region"() ({
      %run_scoped3A_136 = tpu.sem_alloc : memref<!tpu.dma_semaphore, #tpu.memory_space<semaphore_mem>>
      %dma_start3A = tpu.memref_slice %arg8[%run_scoped3A_66, %mul3A_18] : memref<16x10240xf32, #tpu.memory_space<vmem_shared>> -> memref<1x640xf32, #tpu.memory_space<vmem_shared>>
      %dma_start3A_137 = tpu.memref_squeeze %dma_start3A : memref<1x640xf32, #tpu.memory_space<vmem_shared>> -> memref<640xf32, #tpu.memory_space<vmem_shared>>
      %dma_start3A_138 = tpu.memref_slice %arg8[%run_scoped3A_66, %mul3A_18] : memref<16x10240xf32, #tpu.memory_space<vmem_shared>> -> memref<1x640xf32, #tpu.memory_space<vmem_shared>>
      %dma_start3A_139 = tpu.memref_squeeze %dma_start3A_138 : memref<1x640xf32, #tpu.memory_space<vmem_shared>> -> memref<640xf32, #tpu.memory_space<vmem_shared>>
      tpu.enqueue_dma source(%dma_start3A_139 : memref<640xf32, #tpu.memory_space<vmem_shared>>) target(%arg6 : memref<640xf32, #tpu.memory_space<vmem>>) target_semaphore(%run_scoped3A_136 : memref<!tpu.dma_semaphore, #tpu.memory_space<semaphore_mem>>)
      %dma_wait3A = tpu.memref_slice %arg8[%run_scoped3A_66, %mul3A_18] : memref<16x10240xf32, #tpu.memory_space<vmem_shared>> -> memref<1x640xf32, #tpu.memory_space<vmem_shared>>
      %dma_wait3A_140 = tpu.memref_squeeze %dma_wait3A : memref<1x640xf32, #tpu.memory_space<vmem_shared>> -> memref<640xf32, #tpu.memory_space<vmem_shared>>
      %dma_wait3A_141 = tpu.memref_slice %arg8[%run_scoped3A_66, %mul3A_18] : memref<16x10240xf32, #tpu.memory_space<vmem_shared>> -> memref<1x640xf32, #tpu.memory_space<vmem_shared>>
      %dma_wait3A_142 = tpu.memref_squeeze %dma_wait3A_141 : memref<1x640xf32, #tpu.memory_space<vmem_shared>> -> memref<640xf32, #tpu.memory_space<vmem_shared>>
      tpu.wait_dma2 semaphore(%run_scoped3A_136 : memref<!tpu.dma_semaphore, #tpu.memory_space<semaphore_mem>>) src(%dma_wait3A_142 : memref<640xf32, #tpu.memory_space<vmem_shared>>) dst(%arg6 : memref<640xf32, #tpu.memory_space<vmem>>)
      tpu.yield
    }) : () -> ()
    %scan3A_67 = arith.constant 0 : i32
    %scan3A_68 = arith.constant 0 : i32
    %scan3A_69 = arith.constant 40 : i32
    %scan3A_70 = arith.addi %scan3A_68, %scan3A_69 : i32
    %scan3A_71 = arith.constant 1 : i32
    scf.for %scan3A_136 = %scan3A_68 to %scan3A_70 step %scan3A_71  : i32 {
      %mul3A_137 = arith.constant 16 : i32
      %mul3A_138 = arith.muli %scan3A_136, %mul3A_137 : i32
      %get3A = arith.index_cast %mul3A_138 : i32 to index
      %get3A_139 = tpu.vector_load %arg7[%get3A] {strides = array<i32>} : memref<640xf32, #tpu.memory_space<vmem>>, vector<16xf32>,
      %mul3A_140 = arith.constant 16 : i32
      %mul3A_141 = arith.muli %scan3A_136, %mul3A_140 : i32
      %get3A_142 = arith.index_cast %mul3A_141 : i32 to index
      %get3A_143 = tpu.vector_load %arg6[%get3A_142] {strides = array<i32>} : memref<640xf32, #tpu.memory_space<vmem>>, vector<16xf32>,
      %add3A_144 = arith.addf %get3A_139, %get3A_143 : vector<16xf32>
      %mul3A_145 = arith.constant 16 : i32
      %mul3A_146 = arith.muli %scan3A_136, %mul3A_145 : i32
      %swap3A = arith.index_cast %mul3A_146 : i32 to index
      %swap3A_147 = tpu.vector_load %arg7[%swap3A] {strides = array<i32>} : memref<640xf32, #tpu.memory_space<vmem>>, vector<16xf32>,
      tpu.vector_store %arg7[%swap3A], %add3A_144 {strides = array<i32>} : memref<640xf32, #tpu.memory_space<vmem>>, vector<16xf32>,
    }
    %scan3A_72 = arith.constant 40 : i32
    %run_scoped3A_73 = arith.constant 7 : i32
    "tpu.region"() ({
      %run_scoped3A_136 = tpu.sem_alloc : memref<!tpu.dma_semaphore, #tpu.memory_space<semaphore_mem>>
      %dma_start3A = tpu.memref_slice %arg8[%run_scoped3A_73, %mul3A_18] : memref<16x10240xf32, #tpu.memory_space<vmem_shared>> -> memref<1x640xf32, #tpu.memory_space<vmem_shared>>
      %dma_start3A_137 = tpu.memref_squeeze %dma_start3A : memref<1x640xf32, #tpu.memory_space<vmem_shared>> -> memref<640xf32, #tpu.memory_space<vmem_shared>>
      %dma_start3A_138 = tpu.memref_slice %arg8[%run_scoped3A_73, %mul3A_18] : memref<16x10240xf32, #tpu.memory_space<vmem_shared>> -> memref<1x640xf32, #tpu.memory_space<vmem_shared>>
      %dma_start3A_139 = tpu.memref_squeeze %dma_start3A_138 : memref<1x640xf32, #tpu.memory_space<vmem_shared>> -> memref<640xf32, #tpu.memory_space<vmem_shared>>
      tpu.enqueue_dma source(%dma_start3A_139 : memref<640xf32, #tpu.memory_space<vmem_shared>>) target(%arg6 : memref<640xf32, #tpu.memory_space<vmem>>) target_semaphore(%run_scoped3A_136 : memref<!tpu.dma_semaphore, #tpu.memory_space<semaphore_mem>>)
      %dma_wait3A = tpu.memref_slice %arg8[%run_scoped3A_73, %mul3A_18] : memref<16x10240xf32, #tpu.memory_space<vmem_shared>> -> memref<1x640xf32, #tpu.memory_space<vmem_shared>>
      %dma_wait3A_140 = tpu.memref_squeeze %dma_wait3A : memref<1x640xf32, #tpu.memory_space<vmem_shared>> -> memref<640xf32, #tpu.memory_space<vmem_shared>>
      %dma_wait3A_141 = tpu.memref_slice %arg8[%run_scoped3A_73, %mul3A_18] : memref<16x10240xf32, #tpu.memory_space<vmem_shared>> -> memref<1x640xf32, #tpu.memory_space<vmem_shared>>
      %dma_wait3A_142 = tpu.memref_squeeze %dma_wait3A_141 : memref<1x640xf32, #tpu.memory_space<vmem_shared>> -> memref<640xf32, #tpu.memory_space<vmem_shared>>
      tpu.wait_dma2 semaphore(%run_scoped3A_136 : memref<!tpu.dma_semaphore, #tpu.memory_space<semaphore_mem>>) src(%dma_wait3A_142 : memref<640xf32, #tpu.memory_space<vmem_shared>>) dst(%arg6 : memref<640xf32, #tpu.memory_space<vmem>>)
      tpu.yield
    }) : () -> ()
    %scan3A_74 = arith.constant 0 : i32
    %scan3A_75 = arith.constant 0 : i32
    %scan3A_76 = arith.constant 40 : i32
    %scan3A_77 = arith.addi %scan3A_75, %scan3A_76 : i32
    %scan3A_78 = arith.constant 1 : i32
    scf.for %scan3A_136 = %scan3A_75 to %scan3A_77 step %scan3A_78  : i32 {
      %mul3A_137 = arith.constant 16 : i32
      %mul3A_138 = arith.muli %scan3A_136, %mul3A_137 : i32
      %get3A = arith.index_cast %mul3A_138 : i32 to index
      %get3A_139 = tpu.vector_load %arg7[%get3A] {strides = array<i32>} : memref<640xf32, #tpu.memory_space<vmem>>, vector<16xf32>,
      %mul3A_140 = arith.constant 16 : i32
      %mul3A_141 = arith.muli %scan3A_136, %mul3A_140 : i32
      %get3A_142 = arith.index_cast %mul3A_141 : i32 to index
      %get3A_143 = tpu.vector_load %arg6[%get3A_142] {strides = array<i32>} : memref<640xf32, #tpu.memory_space<vmem>>, vector<16xf32>,
      %add3A_144 = arith.addf %get3A_139, %get3A_143 : vector<16xf32>
      %mul3A_145 = arith.constant 16 : i32
      %mul3A_146 = arith.muli %scan3A_136, %mul3A_145 : i32
      %swap3A = arith.index_cast %mul3A_146 : i32 to index
      %swap3A_147 = tpu.vector_load %arg7[%swap3A] {strides = array<i32>} : memref<640xf32, #tpu.memory_space<vmem>>, vector<16xf32>,
      tpu.vector_store %arg7[%swap3A], %add3A_144 {strides = array<i32>} : memref<640xf32, #tpu.memory_space<vmem>>, vector<16xf32>,
    }
    %scan3A_79 = arith.constant 40 : i32
    %run_scoped3A_80 = arith.constant 8 : i32
    "tpu.region"() ({
      %run_scoped3A_136 = tpu.sem_alloc : memref<!tpu.dma_semaphore, #tpu.memory_space<semaphore_mem>>
      %dma_start3A = tpu.memref_slice %arg8[%run_scoped3A_80, %mul3A_18] : memref<16x10240xf32, #tpu.memory_space<vmem_shared>> -> memref<1x640xf32, #tpu.memory_space<vmem_shared>>
      %dma_start3A_137 = tpu.memref_squeeze %dma_start3A : memref<1x640xf32, #tpu.memory_space<vmem_shared>> -> memref<640xf32, #tpu.memory_space<vmem_shared>>
      %dma_start3A_138 = tpu.memref_slice %arg8[%run_scoped3A_80, %mul3A_18] : memref<16x10240xf32, #tpu.memory_space<vmem_shared>> -> memref<1x640xf32, #tpu.memory_space<vmem_shared>>
      %dma_start3A_139 = tpu.memref_squeeze %dma_start3A_138 : memref<1x640xf32, #tpu.memory_space<vmem_shared>> -> memref<640xf32, #tpu.memory_space<vmem_shared>>
      tpu.enqueue_dma source(%dma_start3A_139 : memref<640xf32, #tpu.memory_space<vmem_shared>>) target(%arg6 : memref<640xf32, #tpu.memory_space<vmem>>) target_semaphore(%run_scoped3A_136 : memref<!tpu.dma_semaphore, #tpu.memory_space<semaphore_mem>>)
      %dma_wait3A = tpu.memref_slice %arg8[%run_scoped3A_80, %mul3A_18] : memref<16x10240xf32, #tpu.memory_space<vmem_shared>> -> memref<1x640xf32, #tpu.memory_space<vmem_shared>>
      %dma_wait3A_140 = tpu.memref_squeeze %dma_wait3A : memref<1x640xf32, #tpu.memory_space<vmem_shared>> -> memref<640xf32, #tpu.memory_space<vmem_shared>>
      %dma_wait3A_141 = tpu.memref_slice %arg8[%run_scoped3A_80, %mul3A_18] : memref<16x10240xf32, #tpu.memory_space<vmem_shared>> -> memref<1x640xf32, #tpu.memory_space<vmem_shared>>
      %dma_wait3A_142 = tpu.memref_squeeze %dma_wait3A_141 : memref<1x640xf32, #tpu.memory_space<vmem_shared>> -> memref<640xf32, #tpu.memory_space<vmem_shared>>
      tpu.wait_dma2 semaphore(%run_scoped3A_136 : memref<!tpu.dma_semaphore, #tpu.memory_space<semaphore_mem>>) src(%dma_wait3A_142 : memref<640xf32, #tpu.memory_space<vmem_shared>>) dst(%arg6 : memref<640xf32, #tpu.memory_space<vmem>>)
      tpu.yield
    }) : () -> ()
    %scan3A_81 = arith.constant 0 : i32
    %scan3A_82 = arith.constant 0 : i32
    %scan3A_83 = arith.constant 40 : i32
    %scan3A_84 = arith.addi %scan3A_82, %scan3A_83 : i32
    %scan3A_85 = arith.constant 1 : i32
    scf.for %scan3A_136 = %scan3A_82 to %scan3A_84 step %scan3A_85  : i32 {
      %mul3A_137 = arith.constant 16 : i32
      %mul3A_138 = arith.muli %scan3A_136, %mul3A_137 : i32
      %get3A = arith.index_cast %mul3A_138 : i32 to index
      %get3A_139 = tpu.vector_load %arg7[%get3A] {strides = array<i32>} : memref<640xf32, #tpu.memory_space<vmem>>, vector<16xf32>,
      %mul3A_140 = arith.constant 16 : i32
      %mul3A_141 = arith.muli %scan3A_136, %mul3A_140 : i32
      %get3A_142 = arith.index_cast %mul3A_141 : i32 to index
      %get3A_143 = tpu.vector_load %arg6[%get3A_142] {strides = array<i32>} : memref<640xf32, #tpu.memory_space<vmem>>, vector<16xf32>,
      %add3A_144 = arith.addf %get3A_139, %get3A_143 : vector<16xf32>
      %mul3A_145 = arith.constant 16 : i32
      %mul3A_146 = arith.muli %scan3A_136, %mul3A_145 : i32
      %swap3A = arith.index_cast %mul3A_146 : i32 to index
      %swap3A_147 = tpu.vector_load %arg7[%swap3A] {strides = array<i32>} : memref<640xf32, #tpu.memory_space<vmem>>, vector<16xf32>,
      tpu.vector_store %arg7[%swap3A], %add3A_144 {strides = array<i32>} : memref<640xf32, #tpu.memory_space<vmem>>, vector<16xf32>,
    }
    %scan3A_86 = arith.constant 40 : i32
    %run_scoped3A_87 = arith.constant 9 : i32
    "tpu.region"() ({
      %run_scoped3A_136 = tpu.sem_alloc : memref<!tpu.dma_semaphore, #tpu.memory_space<semaphore_mem>>
      %dma_start3A = tpu.memref_slice %arg8[%run_scoped3A_87, %mul3A_18] : memref<16x10240xf32, #tpu.memory_space<vmem_shared>> -> memref<1x640xf32, #tpu.memory_space<vmem_shared>>
      %dma_start3A_137 = tpu.memref_squeeze %dma_start3A : memref<1x640xf32, #tpu.memory_space<vmem_shared>> -> memref<640xf32, #tpu.memory_space<vmem_shared>>
      %dma_start3A_138 = tpu.memref_slice %arg8[%run_scoped3A_87, %mul3A_18] : memref<16x10240xf32, #tpu.memory_space<vmem_shared>> -> memref<1x640xf32, #tpu.memory_space<vmem_shared>>
      %dma_start3A_139 = tpu.memref_squeeze %dma_start3A_138 : memref<1x640xf32, #tpu.memory_space<vmem_shared>> -> memref<640xf32, #tpu.memory_space<vmem_shared>>
      tpu.enqueue_dma source(%dma_start3A_139 : memref<640xf32, #tpu.memory_space<vmem_shared>>) target(%arg6 : memref<640xf32, #tpu.memory_space<vmem>>) target_semaphore(%run_scoped3A_136 : memref<!tpu.dma_semaphore, #tpu.memory_space<semaphore_mem>>)
      %dma_wait3A = tpu.memref_slice %arg8[%run_scoped3A_87, %mul3A_18] : memref<16x10240xf32, #tpu.memory_space<vmem_shared>> -> memref<1x640xf32, #tpu.memory_space<vmem_shared>>
      %dma_wait3A_140 = tpu.memref_squeeze %dma_wait3A : memref<1x640xf32, #tpu.memory_space<vmem_shared>> -> memref<640xf32, #tpu.memory_space<vmem_shared>>
      %dma_wait3A_141 = tpu.memref_slice %arg8[%run_scoped3A_87, %mul3A_18] : memref<16x10240xf32, #tpu.memory_space<vmem_shared>> -> memref<1x640xf32, #tpu.memory_space<vmem_shared>>
      %dma_wait3A_142 = tpu.memref_squeeze %dma_wait3A_141 : memref<1x640xf32, #tpu.memory_space<vmem_shared>> -> memref<640xf32, #tpu.memory_space<vmem_shared>>
      tpu.wait_dma2 semaphore(%run_scoped3A_136 : memref<!tpu.dma_semaphore, #tpu.memory_space<semaphore_mem>>) src(%dma_wait3A_142 : memref<640xf32, #tpu.memory_space<vmem_shared>>) dst(%arg6 : memref<640xf32, #tpu.memory_space<vmem>>)
      tpu.yield
    }) : () -> ()
    %scan3A_88 = arith.constant 0 : i32
    %scan3A_89 = arith.constant 0 : i32
    %scan3A_90 = arith.constant 40 : i32
    %scan3A_91 = arith.addi %scan3A_89, %scan3A_90 : i32
    %scan3A_92 = arith.constant 1 : i32
    scf.for %scan3A_136 = %scan3A_89 to %scan3A_91 step %scan3A_92  : i32 {
      %mul3A_137 = arith.constant 16 : i32
      %mul3A_138 = arith.muli %scan3A_136, %mul3A_137 : i32
      %get3A = arith.index_cast %mul3A_138 : i32 to index
      %get3A_139 = tpu.vector_load %arg7[%get3A] {strides = array<i32>} : memref<640xf32, #tpu.memory_space<vmem>>, vector<16xf32>,
      %mul3A_140 = arith.constant 16 : i32
      %mul3A_141 = arith.muli %scan3A_136, %mul3A_140 : i32
      %get3A_142 = arith.index_cast %mul3A_141 : i32 to index
      %get3A_143 = tpu.vector_load %arg6[%get3A_142] {strides = array<i32>} : memref<640xf32, #tpu.memory_space<vmem>>, vector<16xf32>,
      %add3A_144 = arith.addf %get3A_139, %get3A_143 : vector<16xf32>
      %mul3A_145 = arith.constant 16 : i32
      %mul3A_146 = arith.muli %scan3A_136, %mul3A_145 : i32
      %swap3A = arith.index_cast %mul3A_146 : i32 to index
      %swap3A_147 = tpu.vector_load %arg7[%swap3A] {strides = array<i32>} : memref<640xf32, #tpu.memory_space<vmem>>, vector<16xf32>,
      tpu.vector_store %arg7[%swap3A], %add3A_144 {strides = array<i32>} : memref<640xf32, #tpu.memory_space<vmem>>, vector<16xf32>,
    }
    %scan3A_93 = arith.constant 40 : i32
    %run_scoped3A_94 = arith.constant 10 : i32
    "tpu.region"() ({
      %run_scoped3A_136 = tpu.sem_alloc : memref<!tpu.dma_semaphore, #tpu.memory_space<semaphore_mem>>
      %dma_start3A = tpu.memref_slice %arg8[%run_scoped3A_94, %mul3A_18] : memref<16x10240xf32, #tpu.memory_space<vmem_shared>> -> memref<1x640xf32, #tpu.memory_space<vmem_shared>>
      %dma_start3A_137 = tpu.memref_squeeze %dma_start3A : memref<1x640xf32, #tpu.memory_space<vmem_shared>> -> memref<640xf32, #tpu.memory_space<vmem_shared>>
      %dma_start3A_138 = tpu.memref_slice %arg8[%run_scoped3A_94, %mul3A_18] : memref<16x10240xf32, #tpu.memory_space<vmem_shared>> -> memref<1x640xf32, #tpu.memory_space<vmem_shared>>
      %dma_start3A_139 = tpu.memref_squeeze %dma_start3A_138 : memref<1x640xf32, #tpu.memory_space<vmem_shared>> -> memref<640xf32, #tpu.memory_space<vmem_shared>>
      tpu.enqueue_dma source(%dma_start3A_139 : memref<640xf32, #tpu.memory_space<vmem_shared>>) target(%arg6 : memref<640xf32, #tpu.memory_space<vmem>>) target_semaphore(%run_scoped3A_136 : memref<!tpu.dma_semaphore, #tpu.memory_space<semaphore_mem>>)
      %dma_wait3A = tpu.memref_slice %arg8[%run_scoped3A_94, %mul3A_18] : memref<16x10240xf32, #tpu.memory_space<vmem_shared>> -> memref<1x640xf32, #tpu.memory_space<vmem_shared>>
      %dma_wait3A_140 = tpu.memref_squeeze %dma_wait3A : memref<1x640xf32, #tpu.memory_space<vmem_shared>> -> memref<640xf32, #tpu.memory_space<vmem_shared>>
      %dma_wait3A_141 = tpu.memref_slice %arg8[%run_scoped3A_94, %mul3A_18] : memref<16x10240xf32, #tpu.memory_space<vmem_shared>> -> memref<1x640xf32, #tpu.memory_space<vmem_shared>>
      %dma_wait3A_142 = tpu.memref_squeeze %dma_wait3A_141 : memref<1x640xf32, #tpu.memory_space<vmem_shared>> -> memref<640xf32, #tpu.memory_space<vmem_shared>>
      tpu.wait_dma2 semaphore(%run_scoped3A_136 : memref<!tpu.dma_semaphore, #tpu.memory_space<semaphore_mem>>) src(%dma_wait3A_142 : memref<640xf32, #tpu.memory_space<vmem_shared>>) dst(%arg6 : memref<640xf32, #tpu.memory_space<vmem>>)
      tpu.yield
    }) : () -> ()
    %scan3A_95 = arith.constant 0 : i32
    %scan3A_96 = arith.constant 0 : i32
    %scan3A_97 = arith.constant 40 : i32
    %scan3A_98 = arith.addi %scan3A_96, %scan3A_97 : i32
    %scan3A_99 = arith.constant 1 : i32
    scf.for %scan3A_136 = %scan3A_96 to %scan3A_98 step %scan3A_99  : i32 {
      %mul3A_137 = arith.constant 16 : i32
      %mul3A_138 = arith.muli %scan3A_136, %mul3A_137 : i32
      %get3A = arith.index_cast %mul3A_138 : i32 to index
      %get3A_139 = tpu.vector_load %arg7[%get3A] {strides = array<i32>} : memref<640xf32, #tpu.memory_space<vmem>>, vector<16xf32>,
      %mul3A_140 = arith.constant 16 : i32
      %mul3A_141 = arith.muli %scan3A_136, %mul3A_140 : i32
      %get3A_142 = arith.index_cast %mul3A_141 : i32 to index
      %get3A_143 = tpu.vector_load %arg6[%get3A_142] {strides = array<i32>} : memref<640xf32, #tpu.memory_space<vmem>>, vector<16xf32>,
      %add3A_144 = arith.addf %get3A_139, %get3A_143 : vector<16xf32>
      %mul3A_145 = arith.constant 16 : i32
      %mul3A_146 = arith.muli %scan3A_136, %mul3A_145 : i32
      %swap3A = arith.index_cast %mul3A_146 : i32 to index
      %swap3A_147 = tpu.vector_load %arg7[%swap3A] {strides = array<i32>} : memref<640xf32, #tpu.memory_space<vmem>>, vector<16xf32>,
      tpu.vector_store %arg7[%swap3A], %add3A_144 {strides = array<i32>} : memref<640xf32, #tpu.memory_space<vmem>>, vector<16xf32>,
    }
    %scan3A_100 = arith.constant 40 : i32
    %run_scoped3A_101 = arith.constant 11 : i32
    "tpu.region"() ({
      %run_scoped3A_136 = tpu.sem_alloc : memref<!tpu.dma_semaphore, #tpu.memory_space<semaphore_mem>>
      %dma_start3A = tpu.memref_slice %arg8[%run_scoped3A_101, %mul3A_18] : memref<16x10240xf32, #tpu.memory_space<vmem_shared>> -> memref<1x640xf32, #tpu.memory_space<vmem_shared>>
      %dma_start3A_137 = tpu.memref_squeeze %dma_start3A : memref<1x640xf32, #tpu.memory_space<vmem_shared>> -> memref<640xf32, #tpu.memory_space<vmem_shared>>
      %dma_start3A_138 = tpu.memref_slice %arg8[%run_scoped3A_101, %mul3A_18] : memref<16x10240xf32, #tpu.memory_space<vmem_shared>> -> memref<1x640xf32, #tpu.memory_space<vmem_shared>>
      %dma_start3A_139 = tpu.memref_squeeze %dma_start3A_138 : memref<1x640xf32, #tpu.memory_space<vmem_shared>> -> memref<640xf32, #tpu.memory_space<vmem_shared>>
      tpu.enqueue_dma source(%dma_start3A_139 : memref<640xf32, #tpu.memory_space<vmem_shared>>) target(%arg6 : memref<640xf32, #tpu.memory_space<vmem>>) target_semaphore(%run_scoped3A_136 : memref<!tpu.dma_semaphore, #tpu.memory_space<semaphore_mem>>)
      %dma_wait3A = tpu.memref_slice %arg8[%run_scoped3A_101, %mul3A_18] : memref<16x10240xf32, #tpu.memory_space<vmem_shared>> -> memref<1x640xf32, #tpu.memory_space<vmem_shared>>
      %dma_wait3A_140 = tpu.memref_squeeze %dma_wait3A : memref<1x640xf32, #tpu.memory_space<vmem_shared>> -> memref<640xf32, #tpu.memory_space<vmem_shared>>
      %dma_wait3A_141 = tpu.memref_slice %arg8[%run_scoped3A_101, %mul3A_18] : memref<16x10240xf32, #tpu.memory_space<vmem_shared>> -> memref<1x640xf32, #tpu.memory_space<vmem_shared>>
      %dma_wait3A_142 = tpu.memref_squeeze %dma_wait3A_141 : memref<1x640xf32, #tpu.memory_space<vmem_shared>> -> memref<640xf32, #tpu.memory_space<vmem_shared>>
      tpu.wait_dma2 semaphore(%run_scoped3A_136 : memref<!tpu.dma_semaphore, #tpu.memory_space<semaphore_mem>>) src(%dma_wait3A_142 : memref<640xf32, #tpu.memory_space<vmem_shared>>) dst(%arg6 : memref<640xf32, #tpu.memory_space<vmem>>)
      tpu.yield
    }) : () -> ()
    %scan3A_102 = arith.constant 0 : i32
    %scan3A_103 = arith.constant 0 : i32
    %scan3A_104 = arith.constant 40 : i32
    %scan3A_105 = arith.addi %scan3A_103, %scan3A_104 : i32
    %scan3A_106 = arith.constant 1 : i32
    scf.for %scan3A_136 = %scan3A_103 to %scan3A_105 step %scan3A_106  : i32 {
      %mul3A_137 = arith.constant 16 : i32
      %mul3A_138 = arith.muli %scan3A_136, %mul3A_137 : i32
      %get3A = arith.index_cast %mul3A_138 : i32 to index
      %get3A_139 = tpu.vector_load %arg7[%get3A] {strides = array<i32>} : memref<640xf32, #tpu.memory_space<vmem>>, vector<16xf32>,
      %mul3A_140 = arith.constant 16 : i32
      %mul3A_141 = arith.muli %scan3A_136, %mul3A_140 : i32
      %get3A_142 = arith.index_cast %mul3A_141 : i32 to index
      %get3A_143 = tpu.vector_load %arg6[%get3A_142] {strides = array<i32>} : memref<640xf32, #tpu.memory_space<vmem>>, vector<16xf32>,
      %add3A_144 = arith.addf %get3A_139, %get3A_143 : vector<16xf32>
      %mul3A_145 = arith.constant 16 : i32
      %mul3A_146 = arith.muli %scan3A_136, %mul3A_145 : i32
      %swap3A = arith.index_cast %mul3A_146 : i32 to index
      %swap3A_147 = tpu.vector_load %arg7[%swap3A] {strides = array<i32>} : memref<640xf32, #tpu.memory_space<vmem>>, vector<16xf32>,
      tpu.vector_store %arg7[%swap3A], %add3A_144 {strides = array<i32>} : memref<640xf32, #tpu.memory_space<vmem>>, vector<16xf32>,
    }
    %scan3A_107 = arith.constant 40 : i32
    %run_scoped3A_108 = arith.constant 12 : i32
    "tpu.region"() ({
      %run_scoped3A_136 = tpu.sem_alloc : memref<!tpu.dma_semaphore, #tpu.memory_space<semaphore_mem>>
      %dma_start3A = tpu.memref_slice %arg8[%run_scoped3A_108, %mul3A_18] : memref<16x10240xf32, #tpu.memory_space<vmem_shared>> -> memref<1x640xf32, #tpu.memory_space<vmem_shared>>
      %dma_start3A_137 = tpu.memref_squeeze %dma_start3A : memref<1x640xf32, #tpu.memory_space<vmem_shared>> -> memref<640xf32, #tpu.memory_space<vmem_shared>>
      %dma_start3A_138 = tpu.memref_slice %arg8[%run_scoped3A_108, %mul3A_18] : memref<16x10240xf32, #tpu.memory_space<vmem_shared>> -> memref<1x640xf32, #tpu.memory_space<vmem_shared>>
      %dma_start3A_139 = tpu.memref_squeeze %dma_start3A_138 : memref<1x640xf32, #tpu.memory_space<vmem_shared>> -> memref<640xf32, #tpu.memory_space<vmem_shared>>
      tpu.enqueue_dma source(%dma_start3A_139 : memref<640xf32, #tpu.memory_space<vmem_shared>>) target(%arg6 : memref<640xf32, #tpu.memory_space<vmem>>) target_semaphore(%run_scoped3A_136 : memref<!tpu.dma_semaphore, #tpu.memory_space<semaphore_mem>>)
      %dma_wait3A = tpu.memref_slice %arg8[%run_scoped3A_108, %mul3A_18] : memref<16x10240xf32, #tpu.memory_space<vmem_shared>> -> memref<1x640xf32, #tpu.memory_space<vmem_shared>>
      %dma_wait3A_140 = tpu.memref_squeeze %dma_wait3A : memref<1x640xf32, #tpu.memory_space<vmem_shared>> -> memref<640xf32, #tpu.memory_space<vmem_shared>>
      %dma_wait3A_141 = tpu.memref_slice %arg8[%run_scoped3A_108, %mul3A_18] : memref<16x10240xf32, #tpu.memory_space<vmem_shared>> -> memref<1x640xf32, #tpu.memory_space<vmem_shared>>
      %dma_wait3A_142 = tpu.memref_squeeze %dma_wait3A_141 : memref<1x640xf32, #tpu.memory_space<vmem_shared>> -> memref<640xf32, #tpu.memory_space<vmem_shared>>
      tpu.wait_dma2 semaphore(%run_scoped3A_136 : memref<!tpu.dma_semaphore, #tpu.memory_space<semaphore_mem>>) src(%dma_wait3A_142 : memref<640xf32, #tpu.memory_space<vmem_shared>>) dst(%arg6 : memref<640xf32, #tpu.memory_space<vmem>>)
      tpu.yield
    }) : () -> ()
    %scan3A_109 = arith.constant 0 : i32
    %scan3A_110 = arith.constant 0 : i32
    %scan3A_111 = arith.constant 40 : i32
    %scan3A_112 = arith.addi %scan3A_110, %scan3A_111 : i32
    %scan3A_113 = arith.constant 1 : i32
    scf.for %scan3A_136 = %scan3A_110 to %scan3A_112 step %scan3A_113  : i32 {
      %mul3A_137 = arith.constant 16 : i32
      %mul3A_138 = arith.muli %scan3A_136, %mul3A_137 : i32
      %get3A = arith.index_cast %mul3A_138 : i32 to index
      %get3A_139 = tpu.vector_load %arg7[%get3A] {strides = array<i32>} : memref<640xf32, #tpu.memory_space<vmem>>, vector<16xf32>,
      %mul3A_140 = arith.constant 16 : i32
      %mul3A_141 = arith.muli %scan3A_136, %mul3A_140 : i32
      %get3A_142 = arith.index_cast %mul3A_141 : i32 to index
      %get3A_143 = tpu.vector_load %arg6[%get3A_142] {strides = array<i32>} : memref<640xf32, #tpu.memory_space<vmem>>, vector<16xf32>,
      %add3A_144 = arith.addf %get3A_139, %get3A_143 : vector<16xf32>
      %mul3A_145 = arith.constant 16 : i32
      %mul3A_146 = arith.muli %scan3A_136, %mul3A_145 : i32
      %swap3A = arith.index_cast %mul3A_146 : i32 to index
      %swap3A_147 = tpu.vector_load %arg7[%swap3A] {strides = array<i32>} : memref<640xf32, #tpu.memory_space<vmem>>, vector<16xf32>,
      tpu.vector_store %arg7[%swap3A], %add3A_144 {strides = array<i32>} : memref<640xf32, #tpu.memory_space<vmem>>, vector<16xf32>,
    }
    %scan3A_114 = arith.constant 40 : i32
    %run_scoped3A_115 = arith.constant 13 : i32
    "tpu.region"() ({
      %run_scoped3A_136 = tpu.sem_alloc : memref<!tpu.dma_semaphore, #tpu.memory_space<semaphore_mem>>
      %dma_start3A = tpu.memref_slice %arg8[%run_scoped3A_115, %mul3A_18] : memref<16x10240xf32, #tpu.memory_space<vmem_shared>> -> memref<1x640xf32, #tpu.memory_space<vmem_shared>>
      %dma_start3A_137 = tpu.memref_squeeze %dma_start3A : memref<1x640xf32, #tpu.memory_space<vmem_shared>> -> memref<640xf32, #tpu.memory_space<vmem_shared>>
      %dma_start3A_138 = tpu.memref_slice %arg8[%run_scoped3A_115, %mul3A_18] : memref<16x10240xf32, #tpu.memory_space<vmem_shared>> -> memref<1x640xf32, #tpu.memory_space<vmem_shared>>
      %dma_start3A_139 = tpu.memref_squeeze %dma_start3A_138 : memref<1x640xf32, #tpu.memory_space<vmem_shared>> -> memref<640xf32, #tpu.memory_space<vmem_shared>>
      tpu.enqueue_dma source(%dma_start3A_139 : memref<640xf32, #tpu.memory_space<vmem_shared>>) target(%arg6 : memref<640xf32, #tpu.memory_space<vmem>>) target_semaphore(%run_scoped3A_136 : memref<!tpu.dma_semaphore, #tpu.memory_space<semaphore_mem>>)
      %dma_wait3A = tpu.memref_slice %arg8[%run_scoped3A_115, %mul3A_18] : memref<16x10240xf32, #tpu.memory_space<vmem_shared>> -> memref<1x640xf32, #tpu.memory_space<vmem_shared>>
      %dma_wait3A_140 = tpu.memref_squeeze %dma_wait3A : memref<1x640xf32, #tpu.memory_space<vmem_shared>> -> memref<640xf32, #tpu.memory_space<vmem_shared>>
      %dma_wait3A_141 = tpu.memref_slice %arg8[%run_scoped3A_115, %mul3A_18] : memref<16x10240xf32, #tpu.memory_space<vmem_shared>> -> memref<1x640xf32, #tpu.memory_space<vmem_shared>>
      %dma_wait3A_142 = tpu.memref_squeeze %dma_wait3A_141 : memref<1x640xf32, #tpu.memory_space<vmem_shared>> -> memref<640xf32, #tpu.memory_space<vmem_shared>>
      tpu.wait_dma2 semaphore(%run_scoped3A_136 : memref<!tpu.dma_semaphore, #tpu.memory_space<semaphore_mem>>) src(%dma_wait3A_142 : memref<640xf32, #tpu.memory_space<vmem_shared>>) dst(%arg6 : memref<640xf32, #tpu.memory_space<vmem>>)
      tpu.yield
    }) : () -> ()
    %scan3A_116 = arith.constant 0 : i32
    %scan3A_117 = arith.constant 0 : i32
    %scan3A_118 = arith.constant 40 : i32
    %scan3A_119 = arith.addi %scan3A_117, %scan3A_118 : i32
    %scan3A_120 = arith.constant 1 : i32
    scf.for %scan3A_136 = %scan3A_117 to %scan3A_119 step %scan3A_120  : i32 {
      %mul3A_137 = arith.constant 16 : i32
      %mul3A_138 = arith.muli %scan3A_136, %mul3A_137 : i32
      %get3A = arith.index_cast %mul3A_138 : i32 to index
      %get3A_139 = tpu.vector_load %arg7[%get3A] {strides = array<i32>} : memref<640xf32, #tpu.memory_space<vmem>>, vector<16xf32>,
      %mul3A_140 = arith.constant 16 : i32
      %mul3A_141 = arith.muli %scan3A_136, %mul3A_140 : i32
      %get3A_142 = arith.index_cast %mul3A_141 : i32 to index
      %get3A_143 = tpu.vector_load %arg6[%get3A_142] {strides = array<i32>} : memref<640xf32, #tpu.memory_space<vmem>>, vector<16xf32>,
      %add3A_144 = arith.addf %get3A_139, %get3A_143 : vector<16xf32>
      %mul3A_145 = arith.constant 16 : i32
      %mul3A_146 = arith.muli %scan3A_136, %mul3A_145 : i32
      %swap3A = arith.index_cast %mul3A_146 : i32 to index
      %swap3A_147 = tpu.vector_load %arg7[%swap3A] {strides = array<i32>} : memref<640xf32, #tpu.memory_space<vmem>>, vector<16xf32>,
      tpu.vector_store %arg7[%swap3A], %add3A_144 {strides = array<i32>} : memref<640xf32, #tpu.memory_space<vmem>>, vector<16xf32>,
    }
    %scan3A_121 = arith.constant 40 : i32
    %run_scoped3A_122 = arith.constant 14 : i32
    "tpu.region"() ({
      %run_scoped3A_136 = tpu.sem_alloc : memref<!tpu.dma_semaphore, #tpu.memory_space<semaphore_mem>>
      %dma_start3A = tpu.memref_slice %arg8[%run_scoped3A_122, %mul3A_18] : memref<16x10240xf32, #tpu.memory_space<vmem_shared>> -> memref<1x640xf32, #tpu.memory_space<vmem_shared>>
      %dma_start3A_137 = tpu.memref_squeeze %dma_start3A : memref<1x640xf32, #tpu.memory_space<vmem_shared>> -> memref<640xf32, #tpu.memory_space<vmem_shared>>
      %dma_start3A_138 = tpu.memref_slice %arg8[%run_scoped3A_122, %mul3A_18] : memref<16x10240xf32, #tpu.memory_space<vmem_shared>> -> memref<1x640xf32, #tpu.memory_space<vmem_shared>>
      %dma_start3A_139 = tpu.memref_squeeze %dma_start3A_138 : memref<1x640xf32, #tpu.memory_space<vmem_shared>> -> memref<640xf32, #tpu.memory_space<vmem_shared>>
      tpu.enqueue_dma source(%dma_start3A_139 : memref<640xf32, #tpu.memory_space<vmem_shared>>) target(%arg6 : memref<640xf32, #tpu.memory_space<vmem>>) target_semaphore(%run_scoped3A_136 : memref<!tpu.dma_semaphore, #tpu.memory_space<semaphore_mem>>)
      %dma_wait3A = tpu.memref_slice %arg8[%run_scoped3A_122, %mul3A_18] : memref<16x10240xf32, #tpu.memory_space<vmem_shared>> -> memref<1x640xf32, #tpu.memory_space<vmem_shared>>
      %dma_wait3A_140 = tpu.memref_squeeze %dma_wait3A : memref<1x640xf32, #tpu.memory_space<vmem_shared>> -> memref<640xf32, #tpu.memory_space<vmem_shared>>
      %dma_wait3A_141 = tpu.memref_slice %arg8[%run_scoped3A_122, %mul3A_18] : memref<16x10240xf32, #tpu.memory_space<vmem_shared>> -> memref<1x640xf32, #tpu.memory_space<vmem_shared>>
      %dma_wait3A_142 = tpu.memref_squeeze %dma_wait3A_141 : memref<1x640xf32, #tpu.memory_space<vmem_shared>> -> memref<640xf32, #tpu.memory_space<vmem_shared>>
      tpu.wait_dma2 semaphore(%run_scoped3A_136 : memref<!tpu.dma_semaphore, #tpu.memory_space<semaphore_mem>>) src(%dma_wait3A_142 : memref<640xf32, #tpu.memory_space<vmem_shared>>) dst(%arg6 : memref<640xf32, #tpu.memory_space<vmem>>)
      tpu.yield
    }) : () -> ()
    %scan3A_123 = arith.constant 0 : i32
    %scan3A_124 = arith.constant 0 : i32
    %scan3A_125 = arith.constant 40 : i32
    %scan3A_126 = arith.addi %scan3A_124, %scan3A_125 : i32
    %scan3A_127 = arith.constant 1 : i32
    scf.for %scan3A_136 = %scan3A_124 to %scan3A_126 step %scan3A_127  : i32 {
      %mul3A_137 = arith.constant 16 : i32
      %mul3A_138 = arith.muli %scan3A_136, %mul3A_137 : i32
      %get3A = arith.index_cast %mul3A_138 : i32 to index
      %get3A_139 = tpu.vector_load %arg7[%get3A] {strides = array<i32>} : memref<640xf32, #tpu.memory_space<vmem>>, vector<16xf32>,
      %mul3A_140 = arith.constant 16 : i32
      %mul3A_141 = arith.muli %scan3A_136, %mul3A_140 : i32
      %get3A_142 = arith.index_cast %mul3A_141 : i32 to index
      %get3A_143 = tpu.vector_load %arg6[%get3A_142] {strides = array<i32>} : memref<640xf32, #tpu.memory_space<vmem>>, vector<16xf32>,
      %add3A_144 = arith.addf %get3A_139, %get3A_143 : vector<16xf32>
      %mul3A_145 = arith.constant 16 : i32
      %mul3A_146 = arith.muli %scan3A_136, %mul3A_145 : i32
      %swap3A = arith.index_cast %mul3A_146 : i32 to index
      %swap3A_147 = tpu.vector_load %arg7[%swap3A] {strides = array<i32>} : memref<640xf32, #tpu.memory_space<vmem>>, vector<16xf32>,
      tpu.vector_store %arg7[%swap3A], %add3A_144 {strides = array<i32>} : memref<640xf32, #tpu.memory_space<vmem>>, vector<16xf32>,
    }
    %scan3A_128 = arith.constant 40 : i32
    %run_scoped3A_129 = arith.constant 15 : i32
    "tpu.region"() ({
      %run_scoped3A_136 = tpu.sem_alloc : memref<!tpu.dma_semaphore, #tpu.memory_space<semaphore_mem>>
      %dma_start3A = tpu.memref_slice %arg8[%run_scoped3A_129, %mul3A_18] : memref<16x10240xf32, #tpu.memory_space<vmem_shared>> -> memref<1x640xf32, #tpu.memory_space<vmem_shared>>
      %dma_start3A_137 = tpu.memref_squeeze %dma_start3A : memref<1x640xf32, #tpu.memory_space<vmem_shared>> -> memref<640xf32, #tpu.memory_space<vmem_shared>>
      %dma_start3A_138 = tpu.memref_slice %arg8[%run_scoped3A_129, %mul3A_18] : memref<16x10240xf32, #tpu.memory_space<vmem_shared>> -> memref<1x640xf32, #tpu.memory_space<vmem_shared>>
      %dma_start3A_139 = tpu.memref_squeeze %dma_start3A_138 : memref<1x640xf32, #tpu.memory_space<vmem_shared>> -> memref<640xf32, #tpu.memory_space<vmem_shared>>
      tpu.enqueue_dma source(%dma_start3A_139 : memref<640xf32, #tpu.memory_space<vmem_shared>>) target(%arg6 : memref<640xf32, #tpu.memory_space<vmem>>) target_semaphore(%run_scoped3A_136 : memref<!tpu.dma_semaphore, #tpu.memory_space<semaphore_mem>>)
      %dma_wait3A = tpu.memref_slice %arg8[%run_scoped3A_129, %mul3A_18] : memref<16x10240xf32, #tpu.memory_space<vmem_shared>> -> memref<1x640xf32, #tpu.memory_space<vmem_shared>>
      %dma_wait3A_140 = tpu.memref_squeeze %dma_wait3A : memref<1x640xf32, #tpu.memory_space<vmem_shared>> -> memref<640xf32, #tpu.memory_space<vmem_shared>>
      %dma_wait3A_141 = tpu.memref_slice %arg8[%run_scoped3A_129, %mul3A_18] : memref<16x10240xf32, #tpu.memory_space<vmem_shared>> -> memref<1x640xf32, #tpu.memory_space<vmem_shared>>
      %dma_wait3A_142 = tpu.memref_squeeze %dma_wait3A_141 : memref<1x640xf32, #tpu.memory_space<vmem_shared>> -> memref<640xf32, #tpu.memory_space<vmem_shared>>
      tpu.wait_dma2 semaphore(%run_scoped3A_136 : memref<!tpu.dma_semaphore, #tpu.memory_space<semaphore_mem>>) src(%dma_wait3A_142 : memref<640xf32, #tpu.memory_space<vmem_shared>>) dst(%arg6 : memref<640xf32, #tpu.memory_space<vmem>>)
      tpu.yield
    }) : () -> ()
    %scan3A_130 = arith.constant 0 : i32
    %scan3A_131 = arith.constant 0 : i32
    %scan3A_132 = arith.constant 40 : i32
    %scan3A_133 = arith.addi %scan3A_131, %scan3A_132 : i32
    %scan3A_134 = arith.constant 1 : i32
    scf.for %scan3A_136 = %scan3A_131 to %scan3A_133 step %scan3A_134  : i32 {
      %mul3A_137 = arith.constant 16 : i32
      %mul3A_138 = arith.muli %scan3A_136, %mul3A_137 : i32
      %get3A = arith.index_cast %mul3A_138 : i32 to index
      %get3A_139 = tpu.vector_load %arg7[%get3A] {strides = array<i32>} : memref<640xf32, #tpu.memory_space<vmem>>, vector<16xf32>,
      %mul3A_140 = arith.constant 16 : i32
      %mul3A_141 = arith.muli %scan3A_136, %mul3A_140 : i32
      %get3A_142 = arith.index_cast %mul3A_141 : i32 to index
      %get3A_143 = tpu.vector_load %arg6[%get3A_142] {strides = array<i32>} : memref<640xf32, #tpu.memory_space<vmem>>, vector<16xf32>,
      %add3A_144 = arith.addf %get3A_139, %get3A_143 : vector<16xf32>
      %mul3A_145 = arith.constant 16 : i32
      %mul3A_146 = arith.muli %scan3A_136, %mul3A_145 : i32
      %swap3A = arith.index_cast %mul3A_146 : i32 to index
      %swap3A_147 = tpu.vector_load %arg7[%swap3A] {strides = array<i32>} : memref<640xf32, #tpu.memory_space<vmem>>, vector<16xf32>,
      tpu.vector_store %arg7[%swap3A], %add3A_144 {strides = array<i32>} : memref<640xf32, #tpu.memory_space<vmem>>, vector<16xf32>,
    }
    %scan3A_135 = arith.constant 40 : i32
    "tpu.region"() ({
      %run_scoped3A_136 = tpu.sem_alloc : memref<!tpu.dma_semaphore, #tpu.memory_space<semaphore_mem>>
      %dma_start3A = tpu.memref_slice %arg3[%arg0, %mul3A_18] : memref<2x10240xf32, #tpu.memory_space<hbm>> -> memref<1x640xf32, #tpu.memory_space<hbm>>
      %dma_start3A_137 = tpu.memref_squeeze %dma_start3A : memref<1x640xf32, #tpu.memory_space<hbm>> -> memref<640xf32, #tpu.memory_space<hbm>>
      %dma_start3A_138 = tpu.memref_slice %arg3[%arg0, %mul3A_18] : memref<2x10240xf32, #tpu.memory_space<hbm>> -> memref<1x640xf32, #tpu.memory_space<hbm>>
      %dma_start3A_139 = tpu.memref_squeeze %dma_start3A_138 : memref<1x640xf32, #tpu.memory_space<hbm>> -> memref<640xf32, #tpu.memory_space<hbm>>
      tpu.enqueue_dma source(%arg7 : memref<640xf32, #tpu.memory_space<vmem>>) target(%dma_start3A_139 : memref<640xf32, #tpu.memory_space<hbm>>) target_semaphore(%run_scoped3A_136 : memref<!tpu.dma_semaphore, #tpu.memory_space<semaphore_mem>>)
      %dma_wait3A = tpu.memref_slice %arg3[%arg0, %mul3A_18] : memref<2x10240xf32, #tpu.memory_space<hbm>> -> memref<1x640xf32, #tpu.memory_space<hbm>>
      %dma_wait3A_140 = tpu.memref_squeeze %dma_wait3A : memref<1x640xf32, #tpu.memory_space<hbm>> -> memref<640xf32, #tpu.memory_space<hbm>>
      %dma_wait3A_141 = tpu.memref_slice %arg3[%arg0, %mul3A_18] : memref<2x10240xf32, #tpu.memory_space<hbm>> -> memref<1x640xf32, #tpu.memory_space<hbm>>
      %dma_wait3A_142 = tpu.memref_squeeze %dma_wait3A_141 : memref<1x640xf32, #tpu.memory_space<hbm>> -> memref<640xf32, #tpu.memory_space<hbm>>
      tpu.wait_dma2 semaphore(%run_scoped3A_136 : memref<!tpu.dma_semaphore, #tpu.memory_space<semaphore_mem>>) src(%arg7 : memref<640xf32, #tpu.memory_space<vmem>>) dst(%dma_wait3A_142 : memref<640xf32, #tpu.memory_space<hbm>>)
      tpu.yield
    }) : () -> ()
    return
  }
}

#map = affine_map<(d0, d1) -> (0, 0)>
#map1 = affine_map<(d0, d1) -> (0, 0, 0, 0)>
#map2 = affine_map<(d0, d1) -> (0, 0, 0)>
module attributes {stable_mosaic.version = 14 : i64} {
  func.func @edge_agg(%arg0: i32, %arg1: i32, %arg2: memref<10240x128xbf16, #tpu.memory_space<hbm>>, %arg3: memref<640x128xbf16, #tpu.memory_space<hbm>>, %arg4: memref<2x16x160x64xi32, #tpu.memory_space<hbm>>, %arg5: memref<2x16x160x64xi32, #tpu.memory_space<hbm>>, %arg6: memref<2x10240x128xbf16, #tpu.memory_space<hbm>>, %arg7: memref<160x64xi32, #tpu.memory_space<vmem>>, %arg8: memref<160x64xi32, #tpu.memory_space<vmem>>, %arg9: memref<128x128xbf16, #tpu.memory_space<vmem>>, %arg10: memref<10240x128xbf16, #tpu.memory_space<vmem_shared>>, %arg11: memref<10240x128xbf16, #tpu.memory_space<vmem_shared>>, %arg12: memref<!tpu.dma_semaphore, #tpu.memory_space<semaphore_mem>>, %arg13: memref<!tpu.dma_semaphore, #tpu.memory_space<semaphore_mem>>, %arg14: memref<!tpu.dma_semaphore, #tpu.memory_space<semaphore_mem>>, %arg15: memref<!tpu.dma_semaphore, #tpu.memory_space<semaphore_mem>>) attributes {dimension_semantics = [#tpu.dimension_semantics<core_parallel>, #tpu.dimension_semantics<subcore_parallel>], iteration_bounds = array<i64: 2, 16>, scalar_prefetch = 0 : i64, scratch_operands = 9 : i64, tpu.core_type = #tpu.core_type<sc_vector_subcore>, window_params = [{transform_indices = #map}, {transform_indices = #map}, {transform_indices = #map1}, {transform_indices = #map1}, {transform_indices = #map2}]} {
    %mul3A = arith.constant 640 : i32
    %mul3A_0 = arith.muli %arg1, %mul3A : i32
    %eq3A = arith.constant 0 : i32
    %eq3A_1 = arith.cmpi eq, %arg0, %eq3A : i32
    %jit3A = arith.constant 160 : i32
    %jit3A_2 = arith.constant 160 : i32
    %select_n3A = arith.select %eq3A_1, %jit3A, %jit3A_2 : i32
    %eq3A_3 = arith.constant 0 : i32
    %eq3A_4 = arith.cmpi eq, %arg0, %eq3A_3 : i32
    %jit3A_5 = arith.constant 80 : i32
    %jit3A_6 = arith.constant 80 : i32
    %select_n3A_7 = arith.select %eq3A_4, %jit3A_5, %jit3A_6 : i32
    "tpu.region"() ({
      %run_scoped3A = tpu.sem_alloc : memref<!tpu.dma_semaphore, #tpu.memory_space<semaphore_mem>>
      %dma_start3A_37 = arith.constant 0 : i32
      %dma_start3A_38 = arith.constant 0 : i32
      %dma_start3A_39 = tpu.memref_slice %arg4[%arg0, %arg1, %dma_start3A_37, %dma_start3A_38] : memref<2x16x160x64xi32, #tpu.memory_space<hbm>> -> memref<1x1x160x64xi32, #tpu.memory_space<hbm>>
      %dma_start3A_40 = tpu.memref_squeeze %dma_start3A_39 : memref<1x1x160x64xi32, #tpu.memory_space<hbm>> -> memref<160x64xi32, #tpu.memory_space<hbm>>
      %dma_start3A_41 = arith.constant 0 : i32
      %dma_start3A_42 = arith.constant 0 : i32
      %dma_start3A_43 = tpu.memref_slice %arg4[%arg0, %arg1, %dma_start3A_41, %dma_start3A_42] : memref<2x16x160x64xi32, #tpu.memory_space<hbm>> -> memref<1x1x160x64xi32, #tpu.memory_space<hbm>>
      %dma_start3A_44 = tpu.memref_squeeze %dma_start3A_43 : memref<1x1x160x64xi32, #tpu.memory_space<hbm>> -> memref<160x64xi32, #tpu.memory_space<hbm>>
      tpu.enqueue_dma source(%dma_start3A_44 : memref<160x64xi32, #tpu.memory_space<hbm>>) target(%arg7 : memref<160x64xi32, #tpu.memory_space<vmem>>) target_semaphore(%run_scoped3A : memref<!tpu.dma_semaphore, #tpu.memory_space<semaphore_mem>>)
      %dma_wait3A = arith.constant 0 : i32
      %dma_wait3A_45 = arith.constant 0 : i32
      %dma_wait3A_46 = tpu.memref_slice %arg4[%arg0, %arg1, %dma_wait3A, %dma_wait3A_45] : memref<2x16x160x64xi32, #tpu.memory_space<hbm>> -> memref<1x1x160x64xi32, #tpu.memory_space<hbm>>
      %dma_wait3A_47 = tpu.memref_squeeze %dma_wait3A_46 : memref<1x1x160x64xi32, #tpu.memory_space<hbm>> -> memref<160x64xi32, #tpu.memory_space<hbm>>
      %dma_wait3A_48 = arith.constant 0 : i32
      %dma_wait3A_49 = arith.constant 0 : i32
      %dma_wait3A_50 = tpu.memref_slice %arg4[%arg0, %arg1, %dma_wait3A_48, %dma_wait3A_49] : memref<2x16x160x64xi32, #tpu.memory_space<hbm>> -> memref<1x1x160x64xi32, #tpu.memory_space<hbm>>
      %dma_wait3A_51 = tpu.memref_squeeze %dma_wait3A_50 : memref<1x1x160x64xi32, #tpu.memory_space<hbm>> -> memref<160x64xi32, #tpu.memory_space<hbm>>
      tpu.wait_dma2 semaphore(%run_scoped3A : memref<!tpu.dma_semaphore, #tpu.memory_space<semaphore_mem>>) src(%dma_wait3A_51 : memref<160x64xi32, #tpu.memory_space<hbm>>) dst(%arg7 : memref<160x64xi32, #tpu.memory_space<vmem>>)
      tpu.yield
    }) : () -> ()
    "tpu.region"() ({
      %run_scoped3A = tpu.sem_alloc : memref<!tpu.dma_semaphore, #tpu.memory_space<semaphore_mem>>
      %dma_start3A_37 = arith.constant 0 : i32
      %dma_start3A_38 = arith.constant 0 : i32
      %dma_start3A_39 = tpu.memref_slice %arg5[%arg0, %arg1, %dma_start3A_37, %dma_start3A_38] : memref<2x16x160x64xi32, #tpu.memory_space<hbm>> -> memref<1x1x160x64xi32, #tpu.memory_space<hbm>>
      %dma_start3A_40 = tpu.memref_squeeze %dma_start3A_39 : memref<1x1x160x64xi32, #tpu.memory_space<hbm>> -> memref<160x64xi32, #tpu.memory_space<hbm>>
      %dma_start3A_41 = arith.constant 0 : i32
      %dma_start3A_42 = arith.constant 0 : i32
      %dma_start3A_43 = tpu.memref_slice %arg5[%arg0, %arg1, %dma_start3A_41, %dma_start3A_42] : memref<2x16x160x64xi32, #tpu.memory_space<hbm>> -> memref<1x1x160x64xi32, #tpu.memory_space<hbm>>
      %dma_start3A_44 = tpu.memref_squeeze %dma_start3A_43 : memref<1x1x160x64xi32, #tpu.memory_space<hbm>> -> memref<160x64xi32, #tpu.memory_space<hbm>>
      tpu.enqueue_dma source(%dma_start3A_44 : memref<160x64xi32, #tpu.memory_space<hbm>>) target(%arg8 : memref<160x64xi32, #tpu.memory_space<vmem>>) target_semaphore(%run_scoped3A : memref<!tpu.dma_semaphore, #tpu.memory_space<semaphore_mem>>)
      %dma_wait3A = arith.constant 0 : i32
      %dma_wait3A_45 = arith.constant 0 : i32
      %dma_wait3A_46 = tpu.memref_slice %arg5[%arg0, %arg1, %dma_wait3A, %dma_wait3A_45] : memref<2x16x160x64xi32, #tpu.memory_space<hbm>> -> memref<1x1x160x64xi32, #tpu.memory_space<hbm>>
      %dma_wait3A_47 = tpu.memref_squeeze %dma_wait3A_46 : memref<1x1x160x64xi32, #tpu.memory_space<hbm>> -> memref<160x64xi32, #tpu.memory_space<hbm>>
      %dma_wait3A_48 = arith.constant 0 : i32
      %dma_wait3A_49 = arith.constant 0 : i32
      %dma_wait3A_50 = tpu.memref_slice %arg5[%arg0, %arg1, %dma_wait3A_48, %dma_wait3A_49] : memref<2x16x160x64xi32, #tpu.memory_space<hbm>> -> memref<1x1x160x64xi32, #tpu.memory_space<hbm>>
      %dma_wait3A_51 = tpu.memref_squeeze %dma_wait3A_50 : memref<1x1x160x64xi32, #tpu.memory_space<hbm>> -> memref<160x64xi32, #tpu.memory_space<hbm>>
      tpu.wait_dma2 semaphore(%run_scoped3A : memref<!tpu.dma_semaphore, #tpu.memory_space<semaphore_mem>>) src(%dma_wait3A_51 : memref<160x64xi32, #tpu.memory_space<hbm>>) dst(%arg8 : memref<160x64xi32, #tpu.memory_space<vmem>>)
      tpu.yield
    }) : () -> ()
    "tpu.region"() ({
      %run_scoped3A = tpu.sem_alloc : memref<!tpu.dma_semaphore, #tpu.memory_space<semaphore_mem>>
      %dma_start3A_37 = arith.constant 0 : i32
      %dma_start3A_38 = tpu.memref_slice %arg10[%mul3A_0, %dma_start3A_37] : memref<10240x128xbf16, #tpu.memory_space<vmem_shared>> -> memref<640x128xbf16, #tpu.memory_space<vmem_shared>>
      %dma_start3A_39 = arith.constant 0 : i32
      %dma_start3A_40 = tpu.memref_slice %arg2[%mul3A_0, %dma_start3A_39] : memref<10240x128xbf16, #tpu.memory_space<hbm>> -> memref<640x128xbf16, #tpu.memory_space<hbm>>
      tpu.enqueue_dma source(%dma_start3A_40 : memref<640x128xbf16, #tpu.memory_space<hbm>>) target(%dma_start3A_38 : memref<640x128xbf16, #tpu.memory_space<vmem_shared>>) target_semaphore(%run_scoped3A : memref<!tpu.dma_semaphore, #tpu.memory_space<semaphore_mem>>)
      %dma_wait3A = arith.constant 0 : i32
      %dma_wait3A_41 = tpu.memref_slice %arg10[%mul3A_0, %dma_wait3A] : memref<10240x128xbf16, #tpu.memory_space<vmem_shared>> -> memref<640x128xbf16, #tpu.memory_space<vmem_shared>>
      %dma_wait3A_42 = arith.constant 0 : i32
      %dma_wait3A_43 = tpu.memref_slice %arg2[%mul3A_0, %dma_wait3A_42] : memref<10240x128xbf16, #tpu.memory_space<hbm>> -> memref<640x128xbf16, #tpu.memory_space<hbm>>
      tpu.wait_dma2 semaphore(%run_scoped3A : memref<!tpu.dma_semaphore, #tpu.memory_space<semaphore_mem>>) src(%dma_wait3A_43 : memref<640x128xbf16, #tpu.memory_space<hbm>>) dst(%dma_wait3A_41 : memref<640x128xbf16, #tpu.memory_space<vmem_shared>>)
      tpu.yield
    }) : () -> ()
    "tpu.region"() ({
      %run_scoped3A = tpu.sem_alloc : memref<!tpu.dma_semaphore, #tpu.memory_space<semaphore_mem>>
      %dma_start3A_37 = arith.constant 0 : i32
      %dma_start3A_38 = tpu.memref_slice %arg11[%mul3A_0, %dma_start3A_37] : memref<10240x128xbf16, #tpu.memory_space<vmem_shared>> -> memref<640x128xbf16, #tpu.memory_space<vmem_shared>>
      tpu.enqueue_dma source(%arg3 : memref<640x128xbf16, #tpu.memory_space<hbm>>) target(%dma_start3A_38 : memref<640x128xbf16, #tpu.memory_space<vmem_shared>>) target_semaphore(%run_scoped3A : memref<!tpu.dma_semaphore, #tpu.memory_space<semaphore_mem>>)
      %dma_wait3A = arith.constant 0 : i32
      %dma_wait3A_39 = tpu.memref_slice %arg11[%mul3A_0, %dma_wait3A] : memref<10240x128xbf16, #tpu.memory_space<vmem_shared>> -> memref<640x128xbf16, #tpu.memory_space<vmem_shared>>
      tpu.wait_dma2 semaphore(%run_scoped3A : memref<!tpu.dma_semaphore, #tpu.memory_space<semaphore_mem>>) src(%arg3 : memref<640x128xbf16, #tpu.memory_space<hbm>>) dst(%dma_wait3A_39 : memref<640x128xbf16, #tpu.memory_space<vmem_shared>>)
      tpu.yield
    }) : () -> ()
    %barrier3A = arith.constant 0 : index
    tpu.barrier barrier_id(%barrier3A)
    %dma_start3A = arith.constant 0 : i32
    %dma_start3A_8 = arith.constant 0 : i32
    %dma_start3A_9 = arith.constant 0 : i32
    %dma_start3A_10 = tpu.memref_slice %arg9[%dma_start3A_8, %dma_start3A_9] : memref<128x128xbf16, #tpu.memory_space<vmem>> -> memref<64x128xbf16, #tpu.memory_space<vmem>>
    %dma_start3A_11 = arith.constant 0 : i32
    %dma_start3A_12 = tpu.memref_slice %arg7[%dma_start3A, %dma_start3A_11] : memref<160x64xi32, #tpu.memory_space<vmem>> -> memref<1x64xi32, #tpu.memory_space<vmem>>
    %dma_start3A_13 = tpu.memref_squeeze %dma_start3A_12 : memref<1x64xi32, #tpu.memory_space<vmem>> -> memref<64xi32, #tpu.memory_space<vmem>>
    %dma_start3A_14 = arith.constant 0 : i32
    %dma_start3A_15 = arith.constant 0 : i32
    %dma_start3A_16 = tpu.memref_slice %arg10[%dma_start3A_14, %dma_start3A_15] : memref<10240x128xbf16, #tpu.memory_space<vmem_shared>> -> memref<10240x128xbf16, #tpu.memory_space<vmem_shared>>
    tpu.enqueue_indirect_dma source(%dma_start3A_16 : memref<10240x128xbf16, #tpu.memory_space<vmem_shared>>) target(%dma_start3A_10 : memref<64x128xbf16, #tpu.memory_space<vmem>>) offsets(%dma_start3A_13 : memref<64xi32, #tpu.memory_space<vmem>>) semaphore(%arg12 : memref<!tpu.dma_semaphore, #tpu.memory_space<semaphore_mem>>)
    %dma_start3A_17 = arith.constant 1 : i32
    %dma_start3A_18 = arith.constant 64 : i32
    %dma_start3A_19 = arith.constant 0 : i32
    %dma_start3A_20 = tpu.memref_slice %arg9[%dma_start3A_18, %dma_start3A_19] : memref<128x128xbf16, #tpu.memory_space<vmem>> -> memref<64x128xbf16, #tpu.memory_space<vmem>>
    %dma_start3A_21 = arith.constant 0 : i32
    %dma_start3A_22 = tpu.memref_slice %arg7[%dma_start3A_17, %dma_start3A_21] : memref<160x64xi32, #tpu.memory_space<vmem>> -> memref<1x64xi32, #tpu.memory_space<vmem>>
    %dma_start3A_23 = tpu.memref_squeeze %dma_start3A_22 : memref<1x64xi32, #tpu.memory_space<vmem>> -> memref<64xi32, #tpu.memory_space<vmem>>
    %dma_start3A_24 = arith.constant 0 : i32
    %dma_start3A_25 = arith.constant 0 : i32
    %dma_start3A_26 = tpu.memref_slice %arg10[%dma_start3A_24, %dma_start3A_25] : memref<10240x128xbf16, #tpu.memory_space<vmem_shared>> -> memref<10240x128xbf16, #tpu.memory_space<vmem_shared>>
    tpu.enqueue_indirect_dma source(%dma_start3A_26 : memref<10240x128xbf16, #tpu.memory_space<vmem_shared>>) target(%dma_start3A_20 : memref<64x128xbf16, #tpu.memory_space<vmem>>) offsets(%dma_start3A_23 : memref<64xi32, #tpu.memory_space<vmem>>) semaphore(%arg13 : memref<!tpu.dma_semaphore, #tpu.memory_space<semaphore_mem>>)
    %while3A = arith.constant 0 : i32
    %while3A_27 = arith.constant 0 : i32
    %while3A_28 = arith.subi %select_n3A_7, %while3A_27 : i32
    %while3A_29 = arith.addi %while3A_27, %while3A_28 : i32
    %while3A_30 = arith.constant 1 : i32
    %while3A_31 = arith.divsi %while3A_28, %while3A_30 : i32
    %while3A_32 = arith.muli %while3A_31, %while3A_30 : i32
    %while3A_33 = arith.addi %while3A_27, %while3A_32 : i32
    %while3A_34 = arith.constant 1 : i32
    scf.for %while3A_37 = %while3A_27 to %while3A_33 step %while3A_34  : i32 {
      %mul3A_38 = arith.constant 2 : i32
      %mul3A_39 = arith.muli %while3A_37, %mul3A_38 : i32
      %add3A = arith.constant 0 : i32
      %add3A_40 = arith.addi %mul3A_39, %add3A : i32
      %dma_wait3A = arith.constant 0 : i32
      %dma_wait3A_41 = arith.constant 0 : i32
      %dma_wait3A_42 = tpu.memref_slice %arg9[%dma_wait3A, %dma_wait3A_41] : memref<128x128xbf16, #tpu.memory_space<vmem>> -> memref<64x128xbf16, #tpu.memory_space<vmem>>
      %dma_wait3A_43 = arith.constant 0 : i32
      %dma_wait3A_44 = tpu.memref_slice %arg7[%add3A_40, %dma_wait3A_43] : memref<160x64xi32, #tpu.memory_space<vmem>> -> memref<1x64xi32, #tpu.memory_space<vmem>>
      %dma_wait3A_45 = tpu.memref_squeeze %dma_wait3A_44 : memref<1x64xi32, #tpu.memory_space<vmem>> -> memref<64xi32, #tpu.memory_space<vmem>>
      %dma_wait3A_46 = arith.constant 0 : i32
      %dma_wait3A_47 = arith.constant 0 : i32
      %dma_wait3A_48 = tpu.memref_slice %arg10[%dma_wait3A_46, %dma_wait3A_47] : memref<10240x128xbf16, #tpu.memory_space<vmem_shared>> -> memref<10240x128xbf16, #tpu.memory_space<vmem_shared>>
      tpu.wait_indirect_dma semaphore(%arg12 : memref<!tpu.dma_semaphore, #tpu.memory_space<semaphore_mem>>) src(%dma_wait3A_48 : memref<10240x128xbf16, #tpu.memory_space<vmem_shared>>) dst(%dma_wait3A_42 : memref<64x128xbf16, #tpu.memory_space<vmem>>)
      %add3A_49 = arith.constant 0 : i32
      %add3A_50 = arith.addi %mul3A_39, %add3A_49 : i32
      %dma_start3A_51 = arith.constant 0 : i32
      %dma_start3A_52 = arith.constant 0 : i32
      %dma_start3A_53 = tpu.memref_slice %arg9[%dma_start3A_51, %dma_start3A_52] : memref<128x128xbf16, #tpu.memory_space<vmem>> -> memref<64x128xbf16, #tpu.memory_space<vmem>>
      %dma_start3A_54 = arith.constant 0 : i32
      %dma_start3A_55 = tpu.memref_slice %arg8[%add3A_50, %dma_start3A_54] : memref<160x64xi32, #tpu.memory_space<vmem>> -> memref<1x64xi32, #tpu.memory_space<vmem>>
      %dma_start3A_56 = tpu.memref_squeeze %dma_start3A_55 : memref<1x64xi32, #tpu.memory_space<vmem>> -> memref<64xi32, #tpu.memory_space<vmem>>
      %dma_start3A_57 = arith.constant 0 : i32
      %dma_start3A_58 = arith.constant 0 : i32
      %dma_start3A_59 = tpu.memref_slice %arg11[%dma_start3A_57, %dma_start3A_58] : memref<10240x128xbf16, #tpu.memory_space<vmem_shared>> -> memref<10240x128xbf16, #tpu.memory_space<vmem_shared>>
      tpu.enqueue_indirect_dma source(%dma_start3A_53 : memref<64x128xbf16, #tpu.memory_space<vmem>>) target(%dma_start3A_59 : memref<10240x128xbf16, #tpu.memory_space<vmem_shared>>) offsets(%dma_start3A_56 : memref<64xi32, #tpu.memory_space<vmem>>) semaphore(%arg14 : memref<!tpu.dma_semaphore, #tpu.memory_space<semaphore_mem>>) {add = true}
      %add3A_60 = arith.constant 1 : i32
      %add3A_61 = arith.addi %mul3A_39, %add3A_60 : i32
      %dma_wait3A_62 = arith.constant 64 : i32
      %dma_wait3A_63 = arith.constant 0 : i32
      %dma_wait3A_64 = tpu.memref_slice %arg9[%dma_wait3A_62, %dma_wait3A_63] : memref<128x128xbf16, #tpu.memory_space<vmem>> -> memref<64x128xbf16, #tpu.memory_space<vmem>>
      %dma_wait3A_65 = arith.constant 0 : i32
      %dma_wait3A_66 = tpu.memref_slice %arg7[%add3A_61, %dma_wait3A_65] : memref<160x64xi32, #tpu.memory_space<vmem>> -> memref<1x64xi32, #tpu.memory_space<vmem>>
      %dma_wait3A_67 = tpu.memref_squeeze %dma_wait3A_66 : memref<1x64xi32, #tpu.memory_space<vmem>> -> memref<64xi32, #tpu.memory_space<vmem>>
      %dma_wait3A_68 = arith.constant 0 : i32
      %dma_wait3A_69 = arith.constant 0 : i32
      %dma_wait3A_70 = tpu.memref_slice %arg10[%dma_wait3A_68, %dma_wait3A_69] : memref<10240x128xbf16, #tpu.memory_space<vmem_shared>> -> memref<10240x128xbf16, #tpu.memory_space<vmem_shared>>
      tpu.wait_indirect_dma semaphore(%arg13 : memref<!tpu.dma_semaphore, #tpu.memory_space<semaphore_mem>>) src(%dma_wait3A_70 : memref<10240x128xbf16, #tpu.memory_space<vmem_shared>>) dst(%dma_wait3A_64 : memref<64x128xbf16, #tpu.memory_space<vmem>>)
      %add3A_71 = arith.constant 1 : i32
      %add3A_72 = arith.addi %mul3A_39, %add3A_71 : i32
      %dma_start3A_73 = arith.constant 64 : i32
      %dma_start3A_74 = arith.constant 0 : i32
      %dma_start3A_75 = tpu.memref_slice %arg9[%dma_start3A_73, %dma_start3A_74] : memref<128x128xbf16, #tpu.memory_space<vmem>> -> memref<64x128xbf16, #tpu.memory_space<vmem>>
      %dma_start3A_76 = arith.constant 0 : i32
      %dma_start3A_77 = tpu.memref_slice %arg8[%add3A_72, %dma_start3A_76] : memref<160x64xi32, #tpu.memory_space<vmem>> -> memref<1x64xi32, #tpu.memory_space<vmem>>
      %dma_start3A_78 = tpu.memref_squeeze %dma_start3A_77 : memref<1x64xi32, #tpu.memory_space<vmem>> -> memref<64xi32, #tpu.memory_space<vmem>>
      %dma_start3A_79 = arith.constant 0 : i32
      %dma_start3A_80 = arith.constant 0 : i32
      %dma_start3A_81 = tpu.memref_slice %arg11[%dma_start3A_79, %dma_start3A_80] : memref<10240x128xbf16, #tpu.memory_space<vmem_shared>> -> memref<10240x128xbf16, #tpu.memory_space<vmem_shared>>
      tpu.enqueue_indirect_dma source(%dma_start3A_75 : memref<64x128xbf16, #tpu.memory_space<vmem>>) target(%dma_start3A_81 : memref<10240x128xbf16, #tpu.memory_space<vmem_shared>>) offsets(%dma_start3A_78 : memref<64xi32, #tpu.memory_space<vmem>>) semaphore(%arg15 : memref<!tpu.dma_semaphore, #tpu.memory_space<semaphore_mem>>) {add = true}
      %add3A_82 = arith.constant 0 : i32
      %add3A_83 = arith.addi %mul3A_39, %add3A_82 : i32
      %dma_wait3A_84 = arith.constant 0 : i32
      %dma_wait3A_85 = arith.constant 0 : i32
      %dma_wait3A_86 = tpu.memref_slice %arg9[%dma_wait3A_84, %dma_wait3A_85] : memref<128x128xbf16, #tpu.memory_space<vmem>> -> memref<64x128xbf16, #tpu.memory_space<vmem>>
      %dma_wait3A_87 = arith.constant 0 : i32
      %dma_wait3A_88 = tpu.memref_slice %arg8[%add3A_83, %dma_wait3A_87] : memref<160x64xi32, #tpu.memory_space<vmem>> -> memref<1x64xi32, #tpu.memory_space<vmem>>
      %dma_wait3A_89 = tpu.memref_squeeze %dma_wait3A_88 : memref<1x64xi32, #tpu.memory_space<vmem>> -> memref<64xi32, #tpu.memory_space<vmem>>
      %dma_wait3A_90 = arith.constant 0 : i32
      %dma_wait3A_91 = arith.constant 0 : i32
      %dma_wait3A_92 = tpu.memref_slice %arg11[%dma_wait3A_90, %dma_wait3A_91] : memref<10240x128xbf16, #tpu.memory_space<vmem_shared>> -> memref<10240x128xbf16, #tpu.memory_space<vmem_shared>>
      tpu.wait_indirect_dma semaphore(%arg14 : memref<!tpu.dma_semaphore, #tpu.memory_space<semaphore_mem>>) src(%dma_wait3A_86 : memref<64x128xbf16, #tpu.memory_space<vmem>>) dst(%dma_wait3A_92 : memref<10240x128xbf16, #tpu.memory_space<vmem_shared>>)
      %add3A_93 = arith.constant 0 : i32
      %add3A_94 = arith.addi %mul3A_39, %add3A_93 : i32
      %add3A_95 = arith.constant 2 : i32
      %add3A_96 = arith.addi %add3A_94, %add3A_95 : i32
      %lt3A = arith.cmpi slt, %add3A_96, %select_n3A : i32
      %convert_element_type3A = arith.extui %lt3A : i1 to i32
      %cond3A = arith.constant 0 : i32
      %cond3A_97 = arith.cmpi ne, %convert_element_type3A, %cond3A : i32
      scf.if %cond3A_97 {
        %add3A_117 = arith.constant 0 : i32
        %add3A_118 = arith.addi %mul3A_39, %add3A_117 : i32
        %add3A_119 = arith.constant 2 : i32
        %add3A_120 = arith.addi %add3A_118, %add3A_119 : i32
        %dma_start3A_121 = arith.constant 0 : i32
        %dma_start3A_122 = arith.constant 0 : i32
        %dma_start3A_123 = tpu.memref_slice %arg9[%dma_start3A_121, %dma_start3A_122] : memref<128x128xbf16, #tpu.memory_space<vmem>> -> memref<64x128xbf16, #tpu.memory_space<vmem>>
        %dma_start3A_124 = arith.constant 0 : i32
        %dma_start3A_125 = tpu.memref_slice %arg7[%add3A_120, %dma_start3A_124] : memref<160x64xi32, #tpu.memory_space<vmem>> -> memref<1x64xi32, #tpu.memory_space<vmem>>
        %dma_start3A_126 = tpu.memref_squeeze %dma_start3A_125 : memref<1x64xi32, #tpu.memory_space<vmem>> -> memref<64xi32, #tpu.memory_space<vmem>>
        %dma_start3A_127 = arith.constant 0 : i32
        %dma_start3A_128 = arith.constant 0 : i32
        %dma_start3A_129 = tpu.memref_slice %arg10[%dma_start3A_127, %dma_start3A_128] : memref<10240x128xbf16, #tpu.memory_space<vmem_shared>> -> memref<10240x128xbf16, #tpu.memory_space<vmem_shared>>
        tpu.enqueue_indirect_dma source(%dma_start3A_129 : memref<10240x128xbf16, #tpu.memory_space<vmem_shared>>) target(%dma_start3A_123 : memref<64x128xbf16, #tpu.memory_space<vmem>>) offsets(%dma_start3A_126 : memref<64xi32, #tpu.memory_space<vmem>>) semaphore(%arg12 : memref<!tpu.dma_semaphore, #tpu.memory_space<semaphore_mem>>)
      } else {
      }
      %add3A_98 = arith.constant 1 : i32
      %add3A_99 = arith.addi %mul3A_39, %add3A_98 : i32
      %dma_wait3A_100 = arith.constant 64 : i32
      %dma_wait3A_101 = arith.constant 0 : i32
      %dma_wait3A_102 = tpu.memref_slice %arg9[%dma_wait3A_100, %dma_wait3A_101] : memref<128x128xbf16, #tpu.memory_space<vmem>> -> memref<64x128xbf16, #tpu.memory_space<vmem>>
      %dma_wait3A_103 = arith.constant 0 : i32
      %dma_wait3A_104 = tpu.memref_slice %arg8[%add3A_99, %dma_wait3A_103] : memref<160x64xi32, #tpu.memory_space<vmem>> -> memref<1x64xi32, #tpu.memory_space<vmem>>
      %dma_wait3A_105 = tpu.memref_squeeze %dma_wait3A_104 : memref<1x64xi32, #tpu.memory_space<vmem>> -> memref<64xi32, #tpu.memory_space<vmem>>
      %dma_wait3A_106 = arith.constant 0 : i32
      %dma_wait3A_107 = arith.constant 0 : i32
      %dma_wait3A_108 = tpu.memref_slice %arg11[%dma_wait3A_106, %dma_wait3A_107] : memref<10240x128xbf16, #tpu.memory_space<vmem_shared>> -> memref<10240x128xbf16, #tpu.memory_space<vmem_shared>>
      tpu.wait_indirect_dma semaphore(%arg15 : memref<!tpu.dma_semaphore, #tpu.memory_space<semaphore_mem>>) src(%dma_wait3A_102 : memref<64x128xbf16, #tpu.memory_space<vmem>>) dst(%dma_wait3A_108 : memref<10240x128xbf16, #tpu.memory_space<vmem_shared>>)
      %add3A_109 = arith.constant 1 : i32
      %add3A_110 = arith.addi %mul3A_39, %add3A_109 : i32
      %add3A_111 = arith.constant 2 : i32
      %add3A_112 = arith.addi %add3A_110, %add3A_111 : i32
      %lt3A_113 = arith.cmpi slt, %add3A_112, %select_n3A : i32
      %convert_element_type3A_114 = arith.extui %lt3A_113 : i1 to i32
      %cond3A_115 = arith.constant 0 : i32
      %cond3A_116 = arith.cmpi ne, %convert_element_type3A_114, %cond3A_115 : i32
      scf.if %cond3A_116 {
        %add3A_117 = arith.constant 1 : i32
        %add3A_118 = arith.addi %mul3A_39, %add3A_117 : i32
        %add3A_119 = arith.constant 2 : i32
        %add3A_120 = arith.addi %add3A_118, %add3A_119 : i32
        %dma_start3A_121 = arith.constant 64 : i32
        %dma_start3A_122 = arith.constant 0 : i32
        %dma_start3A_123 = tpu.memref_slice %arg9[%dma_start3A_121, %dma_start3A_122] : memref<128x128xbf16, #tpu.memory_space<vmem>> -> memref<64x128xbf16, #tpu.memory_space<vmem>>
        %dma_start3A_124 = arith.constant 0 : i32
        %dma_start3A_125 = tpu.memref_slice %arg7[%add3A_120, %dma_start3A_124] : memref<160x64xi32, #tpu.memory_space<vmem>> -> memref<1x64xi32, #tpu.memory_space<vmem>>
        %dma_start3A_126 = tpu.memref_squeeze %dma_start3A_125 : memref<1x64xi32, #tpu.memory_space<vmem>> -> memref<64xi32, #tpu.memory_space<vmem>>
        %dma_start3A_127 = arith.constant 0 : i32
        %dma_start3A_128 = arith.constant 0 : i32
        %dma_start3A_129 = tpu.memref_slice %arg10[%dma_start3A_127, %dma_start3A_128] : memref<10240x128xbf16, #tpu.memory_space<vmem_shared>> -> memref<10240x128xbf16, #tpu.memory_space<vmem_shared>>
        tpu.enqueue_indirect_dma source(%dma_start3A_129 : memref<10240x128xbf16, #tpu.memory_space<vmem_shared>>) target(%dma_start3A_123 : memref<64x128xbf16, #tpu.memory_space<vmem>>) offsets(%dma_start3A_126 : memref<64xi32, #tpu.memory_space<vmem>>) semaphore(%arg13 : memref<!tpu.dma_semaphore, #tpu.memory_space<semaphore_mem>>)
      } else {
      }
    }
    %while3A_35 = arith.constant 1 : i32
    scf.for %while3A_37 = %while3A_33 to %while3A_29 step %while3A_35  : i32 {
      %mul3A_38 = arith.constant 2 : i32
      %mul3A_39 = arith.muli %while3A_37, %mul3A_38 : i32
      %add3A = arith.constant 0 : i32
      %add3A_40 = arith.addi %mul3A_39, %add3A : i32
      %dma_wait3A = arith.constant 0 : i32
      %dma_wait3A_41 = arith.constant 0 : i32
      %dma_wait3A_42 = tpu.memref_slice %arg9[%dma_wait3A, %dma_wait3A_41] : memref<128x128xbf16, #tpu.memory_space<vmem>> -> memref<64x128xbf16, #tpu.memory_space<vmem>>
      %dma_wait3A_43 = arith.constant 0 : i32
      %dma_wait3A_44 = tpu.memref_slice %arg7[%add3A_40, %dma_wait3A_43] : memref<160x64xi32, #tpu.memory_space<vmem>> -> memref<1x64xi32, #tpu.memory_space<vmem>>
      %dma_wait3A_45 = tpu.memref_squeeze %dma_wait3A_44 : memref<1x64xi32, #tpu.memory_space<vmem>> -> memref<64xi32, #tpu.memory_space<vmem>>
      %dma_wait3A_46 = arith.constant 0 : i32
      %dma_wait3A_47 = arith.constant 0 : i32
      %dma_wait3A_48 = tpu.memref_slice %arg10[%dma_wait3A_46, %dma_wait3A_47] : memref<10240x128xbf16, #tpu.memory_space<vmem_shared>> -> memref<10240x128xbf16, #tpu.memory_space<vmem_shared>>
      tpu.wait_indirect_dma semaphore(%arg12 : memref<!tpu.dma_semaphore, #tpu.memory_space<semaphore_mem>>) src(%dma_wait3A_48 : memref<10240x128xbf16, #tpu.memory_space<vmem_shared>>) dst(%dma_wait3A_42 : memref<64x128xbf16, #tpu.memory_space<vmem>>)
      %add3A_49 = arith.constant 0 : i32
      %add3A_50 = arith.addi %mul3A_39, %add3A_49 : i32
      %dma_start3A_51 = arith.constant 0 : i32
      %dma_start3A_52 = arith.constant 0 : i32
      %dma_start3A_53 = tpu.memref_slice %arg9[%dma_start3A_51, %dma_start3A_52] : memref<128x128xbf16, #tpu.memory_space<vmem>> -> memref<64x128xbf16, #tpu.memory_space<vmem>>
      %dma_start3A_54 = arith.constant 0 : i32
      %dma_start3A_55 = tpu.memref_slice %arg8[%add3A_50, %dma_start3A_54] : memref<160x64xi32, #tpu.memory_space<vmem>> -> memref<1x64xi32, #tpu.memory_space<vmem>>
      %dma_start3A_56 = tpu.memref_squeeze %dma_start3A_55 : memref<1x64xi32, #tpu.memory_space<vmem>> -> memref<64xi32, #tpu.memory_space<vmem>>
      %dma_start3A_57 = arith.constant 0 : i32
      %dma_start3A_58 = arith.constant 0 : i32
      %dma_start3A_59 = tpu.memref_slice %arg11[%dma_start3A_57, %dma_start3A_58] : memref<10240x128xbf16, #tpu.memory_space<vmem_shared>> -> memref<10240x128xbf16, #tpu.memory_space<vmem_shared>>
      tpu.enqueue_indirect_dma source(%dma_start3A_53 : memref<64x128xbf16, #tpu.memory_space<vmem>>) target(%dma_start3A_59 : memref<10240x128xbf16, #tpu.memory_space<vmem_shared>>) offsets(%dma_start3A_56 : memref<64xi32, #tpu.memory_space<vmem>>) semaphore(%arg14 : memref<!tpu.dma_semaphore, #tpu.memory_space<semaphore_mem>>) {add = true}
      %add3A_60 = arith.constant 1 : i32
      %add3A_61 = arith.addi %mul3A_39, %add3A_60 : i32
      %dma_wait3A_62 = arith.constant 64 : i32
      %dma_wait3A_63 = arith.constant 0 : i32
      %dma_wait3A_64 = tpu.memref_slice %arg9[%dma_wait3A_62, %dma_wait3A_63] : memref<128x128xbf16, #tpu.memory_space<vmem>> -> memref<64x128xbf16, #tpu.memory_space<vmem>>
      %dma_wait3A_65 = arith.constant 0 : i32
      %dma_wait3A_66 = tpu.memref_slice %arg7[%add3A_61, %dma_wait3A_65] : memref<160x64xi32, #tpu.memory_space<vmem>> -> memref<1x64xi32, #tpu.memory_space<vmem>>
      %dma_wait3A_67 = tpu.memref_squeeze %dma_wait3A_66 : memref<1x64xi32, #tpu.memory_space<vmem>> -> memref<64xi32, #tpu.memory_space<vmem>>
      %dma_wait3A_68 = arith.constant 0 : i32
      %dma_wait3A_69 = arith.constant 0 : i32
      %dma_wait3A_70 = tpu.memref_slice %arg10[%dma_wait3A_68, %dma_wait3A_69] : memref<10240x128xbf16, #tpu.memory_space<vmem_shared>> -> memref<10240x128xbf16, #tpu.memory_space<vmem_shared>>
      tpu.wait_indirect_dma semaphore(%arg13 : memref<!tpu.dma_semaphore, #tpu.memory_space<semaphore_mem>>) src(%dma_wait3A_70 : memref<10240x128xbf16, #tpu.memory_space<vmem_shared>>) dst(%dma_wait3A_64 : memref<64x128xbf16, #tpu.memory_space<vmem>>)
      %add3A_71 = arith.constant 1 : i32
      %add3A_72 = arith.addi %mul3A_39, %add3A_71 : i32
      %dma_start3A_73 = arith.constant 64 : i32
      %dma_start3A_74 = arith.constant 0 : i32
      %dma_start3A_75 = tpu.memref_slice %arg9[%dma_start3A_73, %dma_start3A_74] : memref<128x128xbf16, #tpu.memory_space<vmem>> -> memref<64x128xbf16, #tpu.memory_space<vmem>>
      %dma_start3A_76 = arith.constant 0 : i32
      %dma_start3A_77 = tpu.memref_slice %arg8[%add3A_72, %dma_start3A_76] : memref<160x64xi32, #tpu.memory_space<vmem>> -> memref<1x64xi32, #tpu.memory_space<vmem>>
      %dma_start3A_78 = tpu.memref_squeeze %dma_start3A_77 : memref<1x64xi32, #tpu.memory_space<vmem>> -> memref<64xi32, #tpu.memory_space<vmem>>
      %dma_start3A_79 = arith.constant 0 : i32
      %dma_start3A_80 = arith.constant 0 : i32
      %dma_start3A_81 = tpu.memref_slice %arg11[%dma_start3A_79, %dma_start3A_80] : memref<10240x128xbf16, #tpu.memory_space<vmem_shared>> -> memref<10240x128xbf16, #tpu.memory_space<vmem_shared>>
      tpu.enqueue_indirect_dma source(%dma_start3A_75 : memref<64x128xbf16, #tpu.memory_space<vmem>>) target(%dma_start3A_81 : memref<10240x128xbf16, #tpu.memory_space<vmem_shared>>) offsets(%dma_start3A_78 : memref<64xi32, #tpu.memory_space<vmem>>) semaphore(%arg15 : memref<!tpu.dma_semaphore, #tpu.memory_space<semaphore_mem>>) {add = true}
      %add3A_82 = arith.constant 0 : i32
      %add3A_83 = arith.addi %mul3A_39, %add3A_82 : i32
      %dma_wait3A_84 = arith.constant 0 : i32
      %dma_wait3A_85 = arith.constant 0 : i32
      %dma_wait3A_86 = tpu.memref_slice %arg9[%dma_wait3A_84, %dma_wait3A_85] : memref<128x128xbf16, #tpu.memory_space<vmem>> -> memref<64x128xbf16, #tpu.memory_space<vmem>>
      %dma_wait3A_87 = arith.constant 0 : i32
      %dma_wait3A_88 = tpu.memref_slice %arg8[%add3A_83, %dma_wait3A_87] : memref<160x64xi32, #tpu.memory_space<vmem>> -> memref<1x64xi32, #tpu.memory_space<vmem>>
      %dma_wait3A_89 = tpu.memref_squeeze %dma_wait3A_88 : memref<1x64xi32, #tpu.memory_space<vmem>> -> memref<64xi32, #tpu.memory_space<vmem>>
      %dma_wait3A_90 = arith.constant 0 : i32
      %dma_wait3A_91 = arith.constant 0 : i32
      %dma_wait3A_92 = tpu.memref_slice %arg11[%dma_wait3A_90, %dma_wait3A_91] : memref<10240x128xbf16, #tpu.memory_space<vmem_shared>> -> memref<10240x128xbf16, #tpu.memory_space<vmem_shared>>
      tpu.wait_indirect_dma semaphore(%arg14 : memref<!tpu.dma_semaphore, #tpu.memory_space<semaphore_mem>>) src(%dma_wait3A_86 : memref<64x128xbf16, #tpu.memory_space<vmem>>) dst(%dma_wait3A_92 : memref<10240x128xbf16, #tpu.memory_space<vmem_shared>>)
      %add3A_93 = arith.constant 0 : i32
      %add3A_94 = arith.addi %mul3A_39, %add3A_93 : i32
      %add3A_95 = arith.constant 2 : i32
      %add3A_96 = arith.addi %add3A_94, %add3A_95 : i32
      %lt3A = arith.cmpi slt, %add3A_96, %select_n3A : i32
      %convert_element_type3A = arith.extui %lt3A : i1 to i32
      %cond3A = arith.constant 0 : i32
      %cond3A_97 = arith.cmpi ne, %convert_element_type3A, %cond3A : i32
      scf.if %cond3A_97 {
        %add3A_117 = arith.constant 0 : i32
        %add3A_118 = arith.addi %mul3A_39, %add3A_117 : i32
        %add3A_119 = arith.constant 2 : i32
        %add3A_120 = arith.addi %add3A_118, %add3A_119 : i32
        %dma_start3A_121 = arith.constant 0 : i32
        %dma_start3A_122 = arith.constant 0 : i32
        %dma_start3A_123 = tpu.memref_slice %arg9[%dma_start3A_121, %dma_start3A_122] : memref<128x128xbf16, #tpu.memory_space<vmem>> -> memref<64x128xbf16, #tpu.memory_space<vmem>>
        %dma_start3A_124 = arith.constant 0 : i32
        %dma_start3A_125 = tpu.memref_slice %arg7[%add3A_120, %dma_start3A_124] : memref<160x64xi32, #tpu.memory_space<vmem>> -> memref<1x64xi32, #tpu.memory_space<vmem>>
        %dma_start3A_126 = tpu.memref_squeeze %dma_start3A_125 : memref<1x64xi32, #tpu.memory_space<vmem>> -> memref<64xi32, #tpu.memory_space<vmem>>
        %dma_start3A_127 = arith.constant 0 : i32
        %dma_start3A_128 = arith.constant 0 : i32
        %dma_start3A_129 = tpu.memref_slice %arg10[%dma_start3A_127, %dma_start3A_128] : memref<10240x128xbf16, #tpu.memory_space<vmem_shared>> -> memref<10240x128xbf16, #tpu.memory_space<vmem_shared>>
        tpu.enqueue_indirect_dma source(%dma_start3A_129 : memref<10240x128xbf16, #tpu.memory_space<vmem_shared>>) target(%dma_start3A_123 : memref<64x128xbf16, #tpu.memory_space<vmem>>) offsets(%dma_start3A_126 : memref<64xi32, #tpu.memory_space<vmem>>) semaphore(%arg12 : memref<!tpu.dma_semaphore, #tpu.memory_space<semaphore_mem>>)
      } else {
      }
      %add3A_98 = arith.constant 1 : i32
      %add3A_99 = arith.addi %mul3A_39, %add3A_98 : i32
      %dma_wait3A_100 = arith.constant 64 : i32
      %dma_wait3A_101 = arith.constant 0 : i32
      %dma_wait3A_102 = tpu.memref_slice %arg9[%dma_wait3A_100, %dma_wait3A_101] : memref<128x128xbf16, #tpu.memory_space<vmem>> -> memref<64x128xbf16, #tpu.memory_space<vmem>>
      %dma_wait3A_103 = arith.constant 0 : i32
      %dma_wait3A_104 = tpu.memref_slice %arg8[%add3A_99, %dma_wait3A_103] : memref<160x64xi32, #tpu.memory_space<vmem>> -> memref<1x64xi32, #tpu.memory_space<vmem>>
      %dma_wait3A_105 = tpu.memref_squeeze %dma_wait3A_104 : memref<1x64xi32, #tpu.memory_space<vmem>> -> memref<64xi32, #tpu.memory_space<vmem>>
      %dma_wait3A_106 = arith.constant 0 : i32
      %dma_wait3A_107 = arith.constant 0 : i32
      %dma_wait3A_108 = tpu.memref_slice %arg11[%dma_wait3A_106, %dma_wait3A_107] : memref<10240x128xbf16, #tpu.memory_space<vmem_shared>> -> memref<10240x128xbf16, #tpu.memory_space<vmem_shared>>
      tpu.wait_indirect_dma semaphore(%arg15 : memref<!tpu.dma_semaphore, #tpu.memory_space<semaphore_mem>>) src(%dma_wait3A_102 : memref<64x128xbf16, #tpu.memory_space<vmem>>) dst(%dma_wait3A_108 : memref<10240x128xbf16, #tpu.memory_space<vmem_shared>>)
      %add3A_109 = arith.constant 1 : i32
      %add3A_110 = arith.addi %mul3A_39, %add3A_109 : i32
      %add3A_111 = arith.constant 2 : i32
      %add3A_112 = arith.addi %add3A_110, %add3A_111 : i32
      %lt3A_113 = arith.cmpi slt, %add3A_112, %select_n3A : i32
      %convert_element_type3A_114 = arith.extui %lt3A_113 : i1 to i32
      %cond3A_115 = arith.constant 0 : i32
      %cond3A_116 = arith.cmpi ne, %convert_element_type3A_114, %cond3A_115 : i32
      scf.if %cond3A_116 {
        %add3A_117 = arith.constant 1 : i32
        %add3A_118 = arith.addi %mul3A_39, %add3A_117 : i32
        %add3A_119 = arith.constant 2 : i32
        %add3A_120 = arith.addi %add3A_118, %add3A_119 : i32
        %dma_start3A_121 = arith.constant 64 : i32
        %dma_start3A_122 = arith.constant 0 : i32
        %dma_start3A_123 = tpu.memref_slice %arg9[%dma_start3A_121, %dma_start3A_122] : memref<128x128xbf16, #tpu.memory_space<vmem>> -> memref<64x128xbf16, #tpu.memory_space<vmem>>
        %dma_start3A_124 = arith.constant 0 : i32
        %dma_start3A_125 = tpu.memref_slice %arg7[%add3A_120, %dma_start3A_124] : memref<160x64xi32, #tpu.memory_space<vmem>> -> memref<1x64xi32, #tpu.memory_space<vmem>>
        %dma_start3A_126 = tpu.memref_squeeze %dma_start3A_125 : memref<1x64xi32, #tpu.memory_space<vmem>> -> memref<64xi32, #tpu.memory_space<vmem>>
        %dma_start3A_127 = arith.constant 0 : i32
        %dma_start3A_128 = arith.constant 0 : i32
        %dma_start3A_129 = tpu.memref_slice %arg10[%dma_start3A_127, %dma_start3A_128] : memref<10240x128xbf16, #tpu.memory_space<vmem_shared>> -> memref<10240x128xbf16, #tpu.memory_space<vmem_shared>>
        tpu.enqueue_indirect_dma source(%dma_start3A_129 : memref<10240x128xbf16, #tpu.memory_space<vmem_shared>>) target(%dma_start3A_123 : memref<64x128xbf16, #tpu.memory_space<vmem>>) offsets(%dma_start3A_126 : memref<64xi32, #tpu.memory_space<vmem>>) semaphore(%arg13 : memref<!tpu.dma_semaphore, #tpu.memory_space<semaphore_mem>>)
      } else {
      }
    }
    %barrier3A_36 = arith.constant 0 : index
    tpu.barrier barrier_id(%barrier3A_36)
    "tpu.region"() ({
      %run_scoped3A = tpu.sem_alloc : memref<!tpu.dma_semaphore, #tpu.memory_space<semaphore_mem>>
      %dma_start3A_37 = arith.constant 0 : i32
      %dma_start3A_38 = tpu.memref_slice %arg6[%arg0, %mul3A_0, %dma_start3A_37] : memref<2x10240x128xbf16, #tpu.memory_space<hbm>> -> memref<1x640x128xbf16, #tpu.memory_space<hbm>>
      %dma_start3A_39 = tpu.memref_squeeze %dma_start3A_38 : memref<1x640x128xbf16, #tpu.memory_space<hbm>> -> memref<640x128xbf16, #tpu.memory_space<hbm>>
      %dma_start3A_40 = arith.constant 0 : i32
      %dma_start3A_41 = tpu.memref_slice %arg11[%mul3A_0, %dma_start3A_40] : memref<10240x128xbf16, #tpu.memory_space<vmem_shared>> -> memref<640x128xbf16, #tpu.memory_space<vmem_shared>>
      tpu.enqueue_dma source(%dma_start3A_41 : memref<640x128xbf16, #tpu.memory_space<vmem_shared>>) target(%dma_start3A_39 : memref<640x128xbf16, #tpu.memory_space<hbm>>) target_semaphore(%run_scoped3A : memref<!tpu.dma_semaphore, #tpu.memory_space<semaphore_mem>>)
      %dma_wait3A = arith.constant 0 : i32
      %dma_wait3A_42 = tpu.memref_slice %arg6[%arg0, %mul3A_0, %dma_wait3A] : memref<2x10240x128xbf16, #tpu.memory_space<hbm>> -> memref<1x640x128xbf16, #tpu.memory_space<hbm>>
      %dma_wait3A_43 = tpu.memref_squeeze %dma_wait3A_42 : memref<1x640x128xbf16, #tpu.memory_space<hbm>> -> memref<640x128xbf16, #tpu.memory_space<hbm>>
      %dma_wait3A_44 = arith.constant 0 : i32
      %dma_wait3A_45 = tpu.memref_slice %arg11[%mul3A_0, %dma_wait3A_44] : memref<10240x128xbf16, #tpu.memory_space<vmem_shared>> -> memref<640x128xbf16, #tpu.memory_space<vmem_shared>>
      tpu.wait_dma2 semaphore(%run_scoped3A : memref<!tpu.dma_semaphore, #tpu.memory_space<semaphore_mem>>) src(%dma_wait3A_45 : memref<640x128xbf16, #tpu.memory_space<vmem_shared>>) dst(%dma_wait3A_43 : memref<640x128xbf16, #tpu.memory_space<hbm>>)
      tpu.yield
    }) : () -> ()
    return
  }
}

module attributes {stable_mosaic.version = 14 : i64} {
  func.func @_scale_mm_body(%arg0: i32, %arg1: memref<1024x2xf32, #tpu.memory_space<vmem>>, %arg2: memref<1024x128xf32, #tpu.memory_space<vmem>>, %arg3: memref<128x128xf32, #tpu.memory_space<vmem>>, %arg4: memref<1024x128xf32, #tpu.memory_space<vmem>>, %arg5: memref<1024x128xbf16, #tpu.memory_space<vmem>>, %arg6: memref<1024x1xf32, #tpu.memory_space<vmem>>) attributes {dimension_semantics = [#tpu.dimension_semantics<arbitrary>], iteration_bounds = array<i64: 10>, scalar_prefetch = 0 : i64, scratch_operands = 0 : i64, tpu.core_type = #tpu.core_type<tc>, window_params = [{transform_indices = @transform_0, window_bounds = array<i64: 1024, 2>}, {transform_indices = @transform_1, window_bounds = array<i64: 1024, 128>}, {pipeline_mode = #tpu.pipeline_mode<synchronous>, transform_indices = @transform_2, window_bounds = array<i64: 128, 128>}, {transform_indices = @transform_3, window_bounds = array<i64: 1024, 128>}, {transform_indices = @transform_4, window_bounds = array<i64: 1024, 128>}, {transform_indices = @transform_5, window_bounds = array<i64: 1024, 1>}]} {
    %get3A = arith.constant 0 : index
    %get3A_0 = arith.constant 0 : index
    %get3A_1 = vector.load %arg1[%get3A, %get3A_0] : memref<1024x2xf32, #tpu.memory_space<vmem>>, vector<1024x1xf32>
    %get3A_2 = arith.constant 0 : index
    %get3A_3 = arith.constant 1 : index
    %get3A_4 = vector.load %arg1[%get3A_2, %get3A_3] : memref<1024x2xf32, #tpu.memory_space<vmem>>, vector<1024x1xf32>
    %add3A = arith.addf %get3A_1, %get3A_4 : vector<1024x1xf32>
    %add3A_5 = arith.constant 1.000000e+00 : f32
    %add3A_6 = vector.broadcast %add3A_5 : f32 to vector<1024x1xf32>
    %add3A_7 = arith.addf %add3A, %add3A_6 : vector<1024x1xf32>
    %rsqrt3A = math.rsqrt %add3A_7 : vector<1024x1xf32>
    %swap3A = arith.constant 0 : index
    %swap3A_8 = arith.constant 0 : index
    %swap3A_9 = vector.load %arg6[%swap3A, %swap3A_8] : memref<1024x1xf32, #tpu.memory_space<vmem>>, vector<1024x1xf32>
    tpu.vector_store %arg6[%swap3A, %swap3A_8], %rsqrt3A {strides = array<i32>} : memref<1024x1xf32, #tpu.memory_space<vmem>>, vector<1024x1xf32>,
    %get3A_10 = arith.constant 0 : index
    %get3A_11 = arith.constant 0 : index
    %get3A_12 = vector.load %arg2[%get3A_10, %get3A_11] : memref<1024x128xf32, #tpu.memory_space<vmem>>, vector<1024x128xf32>
    %mul3A = vector.broadcast %rsqrt3A : vector<1024x1xf32> to vector<1024x128xf32>
    %mul3A_13 = arith.mulf %get3A_12, %mul3A : vector<1024x128xf32>
    %get3A_14 = arith.constant 0 : index
    %get3A_15 = arith.constant 0 : index
    %get3A_16 = vector.load %arg3[%get3A_14, %get3A_15] : memref<128x128xf32, #tpu.memory_space<vmem>>, vector<128x128xf32>
    %dot_general3A = arith.constant dense<0.000000e+00> : vector<1024x128xf32>
    %dot_general3A_17 = tpu.matmul %mul3A_13, %get3A_16, %dot_general3A {dimension_numbers = #tpu.dot_dimension_numbers<[1], [0], [0], [1], [0, 0, 1, 1], [], []>, transpose_lhs_hint = false} : vector<1024x128xf32>, vector<128x128xf32>, vector<1024x128xf32> -> vector<1024x128xf32>
    %swap3A_18 = arith.constant 0 : index
    %swap3A_19 = arith.constant 0 : index
    %swap3A_20 = vector.load %arg4[%swap3A_18, %swap3A_19] : memref<1024x128xf32, #tpu.memory_space<vmem>>, vector<1024x128xf32>
    tpu.vector_store %arg4[%swap3A_18, %swap3A_19], %dot_general3A_17 {strides = array<i32>} : memref<1024x128xf32, #tpu.memory_space<vmem>>, vector<1024x128xf32>,
    %convert_element_type3A = arith.truncf %dot_general3A_17 : vector<1024x128xf32> to vector<1024x128xbf16>
    %swap3A_21 = arith.constant 0 : index
    %swap3A_22 = arith.constant 0 : index
    %swap3A_23 = vector.load %arg5[%swap3A_21, %swap3A_22] : memref<1024x128xbf16, #tpu.memory_space<vmem>>, vector<1024x128xbf16>
    tpu.vector_store %arg5[%swap3A_21, %swap3A_22], %convert_element_type3A {strides = array<i32>} : memref<1024x128xbf16, #tpu.memory_space<vmem>>, vector<1024x128xbf16>,
    return
  }
  func.func @transform_0(%arg0: i32) -> (i32, i32) {
    %c0_i32 = arith.constant 0 : i32
    %c0_i32_0 = arith.constant 0 : i32
    return %arg0, %c0_i32 : i32, i32
  }
  func.func @transform_1(%arg0: i32) -> (i32, i32) {
    %c0_i32 = arith.constant 0 : i32
    %c0_i32_0 = arith.constant 0 : i32
    return %arg0, %c0_i32 : i32, i32
  }
  func.func @transform_2(%arg0: i32) -> (i32, i32) {
    %c0_i32 = arith.constant 0 : i32
    %c0_i32_0 = arith.constant 0 : i32
    %c0_i32_1 = arith.constant 0 : i32
    return %c0_i32, %c0_i32_0 : i32, i32
  }
  func.func @transform_3(%arg0: i32) -> (i32, i32) {
    %c0_i32 = arith.constant 0 : i32
    %c0_i32_0 = arith.constant 0 : i32
    return %arg0, %c0_i32 : i32, i32
  }
  func.func @transform_4(%arg0: i32) -> (i32, i32) {
    %c0_i32 = arith.constant 0 : i32
    %c0_i32_0 = arith.constant 0 : i32
    return %arg0, %c0_i32 : i32, i32
  }
  func.func @transform_5(%arg0: i32) -> (i32, i32) {
    %c0_i32 = arith.constant 0 : i32
    %c0_i32_0 = arith.constant 0 : i32
    return %arg0, %c0_i32 : i32, i32
  }
}

module attributes {stable_mosaic.version = 14 : i64} {
  func.func @_mid_body(%arg0: i32, %arg1: memref<1024x128xbf16, #tpu.memory_space<vmem>>, %arg2: memref<1024x128xbf16, #tpu.memory_space<vmem>>, %arg3: memref<1024x128xf32, #tpu.memory_space<vmem>>, %arg4: memref<1024x1xf32, #tpu.memory_space<vmem>>, %arg5: memref<1x128xf32, #tpu.memory_space<vmem>>, %arg6: memref<128x64xf32, #tpu.memory_space<vmem>>, %arg7: memref<1024x64xf32, #tpu.memory_space<vmem>>, %arg8: memref<1024x64xbf16, #tpu.memory_space<vmem>>) attributes {dimension_semantics = [#tpu.dimension_semantics<arbitrary>], iteration_bounds = array<i64: 10>, scalar_prefetch = 0 : i64, scratch_operands = 0 : i64, tpu.core_type = #tpu.core_type<tc>, window_params = [{transform_indices = @transform_0, window_bounds = array<i64: 1024, 128>}, {transform_indices = @transform_1, window_bounds = array<i64: 1024, 128>}, {transform_indices = @transform_2, window_bounds = array<i64: 1024, 128>}, {transform_indices = @transform_3, window_bounds = array<i64: 1024, 1>}, {pipeline_mode = #tpu.pipeline_mode<synchronous>, transform_indices = @transform_4, window_bounds = array<i64: 1, 128>}, {pipeline_mode = #tpu.pipeline_mode<synchronous>, transform_indices = @transform_5, window_bounds = array<i64: 128, 64>}, {transform_indices = @transform_6, window_bounds = array<i64: 1024, 64>}, {transform_indices = @transform_7, window_bounds = array<i64: 1024, 64>}]} {
    %get3A = arith.constant 0 : index
    %get3A_0 = arith.constant 0 : index
    %get3A_1 = vector.load %arg4[%get3A, %get3A_0] : memref<1024x1xf32, #tpu.memory_space<vmem>>, vector<1024x1xf32>
    %get3A_2 = arith.constant 0 : index
    %get3A_3 = arith.constant 0 : index
    %get3A_4 = vector.load %arg1[%get3A_2, %get3A_3] : memref<1024x128xbf16, #tpu.memory_space<vmem>>, vector<1024x128xbf16>
    %convert_element_type3A = arith.extf %get3A_4 : vector<1024x128xbf16> to vector<1024x128xf32>
    %get3A_5 = arith.constant 0 : index
    %get3A_6 = arith.constant 0 : index
    %get3A_7 = vector.load %arg2[%get3A_5, %get3A_6] : memref<1024x128xbf16, #tpu.memory_space<vmem>>, vector<1024x128xbf16>
    %convert_element_type3A_8 = arith.extf %get3A_7 : vector<1024x128xbf16> to vector<1024x128xf32>
    %add3A = arith.addf %convert_element_type3A, %convert_element_type3A_8 : vector<1024x128xf32>
    %get3A_9 = arith.constant 0 : index
    %get3A_10 = arith.constant 0 : index
    %get3A_11 = vector.load %arg3[%get3A_9, %get3A_10] : memref<1024x128xf32, #tpu.memory_space<vmem>>, vector<1024x128xf32>
    %add3A_12 = arith.addf %add3A, %get3A_11 : vector<1024x128xf32>
    %mul3A = vector.broadcast %get3A_1 : vector<1024x1xf32> to vector<1024x128xf32>
    %mul3A_13 = arith.mulf %add3A_12, %mul3A : vector<1024x128xf32>
    %get3A_14 = arith.constant 0 : index
    %get3A_15 = arith.constant 0 : index
    %get3A_16 = vector.load %arg5[%get3A_14, %get3A_15] : memref<1x128xf32, #tpu.memory_space<vmem>>, vector<1x128xf32>
    %add3A_17 = vector.broadcast %get3A_16 : vector<1x128xf32> to vector<1024x128xf32>
    %add3A_18 = arith.addf %mul3A_13, %add3A_17 : vector<1024x128xf32>
    %max3A = arith.constant 0.000000e+00 : f32
    %max3A_19 = vector.broadcast %max3A : f32 to vector<1024x128xf32>
    %max3A_20 = arith.maximumf %add3A_18, %max3A_19 : vector<1024x128xf32>
    %get3A_21 = arith.constant 0 : index
    %get3A_22 = arith.constant 0 : index
    %get3A_23 = vector.load %arg6[%get3A_21, %get3A_22] : memref<128x64xf32, #tpu.memory_space<vmem>>, vector<128x64xf32>
    %dot_general3A = arith.constant dense<0.000000e+00> : vector<1024x64xf32>
    %dot_general3A_24 = tpu.matmul %max3A_20, %get3A_23, %dot_general3A {dimension_numbers = #tpu.dot_dimension_numbers<[1], [0], [0], [1], [0, 0, 1, 1], [], []>, transpose_lhs_hint = false} : vector<1024x128xf32>, vector<128x64xf32>, vector<1024x64xf32> -> vector<1024x64xf32>
    %mul3A_25 = vector.broadcast %get3A_1 : vector<1024x1xf32> to vector<1024x64xf32>
    %mul3A_26 = arith.mulf %dot_general3A_24, %mul3A_25 : vector<1024x64xf32>
    %swap3A = arith.constant 0 : index
    %swap3A_27 = arith.constant 0 : index
    %swap3A_28 = vector.load %arg7[%swap3A, %swap3A_27] : memref<1024x64xf32, #tpu.memory_space<vmem>>, vector<1024x64xf32>
    tpu.vector_store %arg7[%swap3A, %swap3A_27], %mul3A_26 {strides = array<i32>} : memref<1024x64xf32, #tpu.memory_space<vmem>>, vector<1024x64xf32>,
    %convert_element_type3A_29 = arith.truncf %mul3A_26 : vector<1024x64xf32> to vector<1024x64xbf16>
    %swap3A_30 = arith.constant 0 : index
    %swap3A_31 = arith.constant 0 : index
    %swap3A_32 = vector.load %arg8[%swap3A_30, %swap3A_31] : memref<1024x64xbf16, #tpu.memory_space<vmem>>, vector<1024x64xbf16>
    tpu.vector_store %arg8[%swap3A_30, %swap3A_31], %convert_element_type3A_29 {strides = array<i32>} : memref<1024x64xbf16, #tpu.memory_space<vmem>>, vector<1024x64xbf16>,
    return
  }
  func.func @transform_0(%arg0: i32) -> (i32, i32) {
    %c0_i32 = arith.constant 0 : i32
    %c0_i32_0 = arith.constant 0 : i32
    return %arg0, %c0_i32 : i32, i32
  }
  func.func @transform_1(%arg0: i32) -> (i32, i32) {
    %c0_i32 = arith.constant 0 : i32
    %c0_i32_0 = arith.constant 0 : i32
    return %arg0, %c0_i32 : i32, i32
  }
  func.func @transform_2(%arg0: i32) -> (i32, i32) {
    %c0_i32 = arith.constant 0 : i32
    %c0_i32_0 = arith.constant 0 : i32
    return %arg0, %c0_i32 : i32, i32
  }
  func.func @transform_3(%arg0: i32) -> (i32, i32) {
    %c0_i32 = arith.constant 0 : i32
    %c0_i32_0 = arith.constant 0 : i32
    return %arg0, %c0_i32 : i32, i32
  }
  func.func @transform_4(%arg0: i32) -> (i32, i32) {
    %c0_i32 = arith.constant 0 : i32
    %c0_i32_0 = arith.constant 0 : i32
    %c0_i32_1 = arith.constant 0 : i32
    return %c0_i32, %c0_i32_0 : i32, i32
  }
  func.func @transform_5(%arg0: i32) -> (i32, i32) {
    %c0_i32 = arith.constant 0 : i32
    %c0_i32_0 = arith.constant 0 : i32
    %c0_i32_1 = arith.constant 0 : i32
    return %c0_i32, %c0_i32_0 : i32, i32
  }
  func.func @transform_6(%arg0: i32) -> (i32, i32) {
    %c0_i32 = arith.constant 0 : i32
    %c0_i32_0 = arith.constant 0 : i32
    return %arg0, %c0_i32 : i32, i32
  }
  func.func @transform_7(%arg0: i32) -> (i32, i32) {
    %c0_i32 = arith.constant 0 : i32
    %c0_i32_0 = arith.constant 0 : i32
    return %arg0, %c0_i32 : i32, i32
  }
}

module attributes {stable_mosaic.version = 14 : i64} {
  func.func @_final_body(%arg0: i32, %arg1: memref<1024x64xbf16, #tpu.memory_space<vmem>>, %arg2: memref<1024x64xbf16, #tpu.memory_space<vmem>>, %arg3: memref<1024x64xf32, #tpu.memory_space<vmem>>, %arg4: memref<1024x1xf32, #tpu.memory_space<vmem>>, %arg5: memref<1x64xf32, #tpu.memory_space<vmem>>, %arg6: memref<1024x64xf32, #tpu.memory_space<vmem>>) attributes {dimension_semantics = [#tpu.dimension_semantics<arbitrary>], iteration_bounds = array<i64: 10>, scalar_prefetch = 0 : i64, scratch_operands = 0 : i64, tpu.core_type = #tpu.core_type<tc>, window_params = [{transform_indices = @transform_0, window_bounds = array<i64: 1024, 64>}, {transform_indices = @transform_1, window_bounds = array<i64: 1024, 64>}, {transform_indices = @transform_2, window_bounds = array<i64: 1024, 64>}, {transform_indices = @transform_3, window_bounds = array<i64: 1024, 1>}, {pipeline_mode = #tpu.pipeline_mode<synchronous>, transform_indices = @transform_4, window_bounds = array<i64: 1, 64>}, {transform_indices = @transform_5, window_bounds = array<i64: 1024, 64>}]} {
    %get3A = arith.constant 0 : index
    %get3A_0 = arith.constant 0 : index
    %get3A_1 = vector.load %arg1[%get3A, %get3A_0] : memref<1024x64xbf16, #tpu.memory_space<vmem>>, vector<1024x64xbf16>
    %convert_element_type3A = arith.extf %get3A_1 : vector<1024x64xbf16> to vector<1024x64xf32>
    %get3A_2 = arith.constant 0 : index
    %get3A_3 = arith.constant 0 : index
    %get3A_4 = vector.load %arg2[%get3A_2, %get3A_3] : memref<1024x64xbf16, #tpu.memory_space<vmem>>, vector<1024x64xbf16>
    %convert_element_type3A_5 = arith.extf %get3A_4 : vector<1024x64xbf16> to vector<1024x64xf32>
    %add3A = arith.addf %convert_element_type3A, %convert_element_type3A_5 : vector<1024x64xf32>
    %get3A_6 = arith.constant 0 : index
    %get3A_7 = arith.constant 0 : index
    %get3A_8 = vector.load %arg3[%get3A_6, %get3A_7] : memref<1024x64xf32, #tpu.memory_space<vmem>>, vector<1024x64xf32>
    %add3A_9 = arith.addf %add3A, %get3A_8 : vector<1024x64xf32>
    %get3A_10 = arith.constant 0 : index
    %get3A_11 = arith.constant 0 : index
    %get3A_12 = vector.load %arg4[%get3A_10, %get3A_11] : memref<1024x1xf32, #tpu.memory_space<vmem>>, vector<1024x1xf32>
    %mul3A = vector.broadcast %get3A_12 : vector<1024x1xf32> to vector<1024x64xf32>
    %mul3A_13 = arith.mulf %add3A_9, %mul3A : vector<1024x64xf32>
    %get3A_14 = arith.constant 0 : index
    %get3A_15 = arith.constant 0 : index
    %get3A_16 = vector.load %arg5[%get3A_14, %get3A_15] : memref<1x64xf32, #tpu.memory_space<vmem>>, vector<1x64xf32>
    %add3A_17 = vector.broadcast %get3A_16 : vector<1x64xf32> to vector<1024x64xf32>
    %add3A_18 = arith.addf %mul3A_13, %add3A_17 : vector<1024x64xf32>
    %swap3A = arith.constant 0 : index
    %swap3A_19 = arith.constant 0 : index
    %swap3A_20 = vector.load %arg6[%swap3A, %swap3A_19] : memref<1024x64xf32, #tpu.memory_space<vmem>>, vector<1024x64xf32>
    tpu.vector_store %arg6[%swap3A, %swap3A_19], %add3A_18 {strides = array<i32>} : memref<1024x64xf32, #tpu.memory_space<vmem>>, vector<1024x64xf32>,
    return
  }
  func.func @transform_0(%arg0: i32) -> (i32, i32) {
    %c0_i32 = arith.constant 0 : i32
    %c0_i32_0 = arith.constant 0 : i32
    return %arg0, %c0_i32 : i32, i32
  }
  func.func @transform_1(%arg0: i32) -> (i32, i32) {
    %c0_i32 = arith.constant 0 : i32
    %c0_i32_0 = arith.constant 0 : i32
    return %arg0, %c0_i32 : i32, i32
  }
  func.func @transform_2(%arg0: i32) -> (i32, i32) {
    %c0_i32 = arith.constant 0 : i32
    %c0_i32_0 = arith.constant 0 : i32
    return %arg0, %c0_i32 : i32, i32
  }
  func.func @transform_3(%arg0: i32) -> (i32, i32) {
    %c0_i32 = arith.constant 0 : i32
    %c0_i32_0 = arith.constant 0 : i32
    return %arg0, %c0_i32 : i32, i32
  }
  func.func @transform_4(%arg0: i32) -> (i32, i32) {
    %c0_i32 = arith.constant 0 : i32
    %c0_i32_0 = arith.constant 0 : i32
    %c0_i32_1 = arith.constant 0 : i32
    return %c0_i32, %c0_i32_0 : i32, i32
  }
  func.func @transform_5(%arg0: i32) -> (i32, i32) {
    %c0_i32 = arith.constant 0 : i32
    %c0_i32_0 = arith.constant 0 : i32
    return %arg0, %c0_i32 : i32, i32
  }
}

</mosaic_0001>

<sc_bundles>
// kernel: kernel.11.cloned.1.call-start
scs
__scs_entry_jumppad:
0x0: {  	(pc) =	sbr.rel $0x88, $3  }
0x1: {  	(tag) =	ssettag $0x0;
	lr =	simm.s32 $0x1  }
0x2: {  	[smem:$0x3F9B] =	sst lr;
	_ =	strace $0xD0000000  }
0x3: {  	_ = 	snop  }
0x4: {  	_ = 	snop  }
0x5: {  	_ = 	snop  }
0x6: {  	_ = 	snop  }
0x7: {  	_ = 	snop  }
__scs_overlays_trampoline_lowered:
0x8: {  	[smem:$0x3FAA] =	sst s0  }
0x9: {  	[smem:$0x3FAB] =	sst s1  }
0xa: {  	[smem:$0x3FAC] =	sst s2  }
0xb: {  	[smem:$0x3FAD] =	sst s3  }
0xc: {  	[smem:$0x3FAE] =	sst s4  }
0xd: {  	[smem:$0x3FAF] =	sst s5  }
0xe: {  	[smem:$0x3FB0] =	sst s6  }
0xf: {  	[smem:$0x3FB1] =	sst s7  }
0x10: {  	[smem:$0x3FB2] =	sst s8  }
0x11: {  	[smem:$0x3FB3] =	sst s9;
	s0 =	simm.s32 @!p0 $0x0  }
0x12: {  	s1 =	sld [smem:$0x3F99];
	s0 =	simm.s32 @p0 $0x1  }
0x13: {  	[smem:$0x3FB4] =	sst s0;
	s0 =	simm.s32 @!p1 $0x0  }
0x14: {  	s2 =	sld [smem:$0x3F98];
	s0 =	simm.s32 @p1 $0x1  }
0x15: {  	[smem:$0x3FB5] =	sst s0;
	s0 =	simm.s32 @!p2 $0x0  }
0x16: {  	s3 =	sld [smem:$0x3FDB];
	s0 =	simm.s32 @p2 $0x1  }
0x17: {  	s4 =	simm.s32 $0x1BF5;
	[smem:$0x3FB7] =	sst s0  }
0x18: {  	s0 =	sld [smem:$0x3F9A];
	_ =	swait.ge [sflag:s4], $0x0  }
0x19: {  	s7 =	sld [smem:$0x3F9B]  }
0x1a: {  	s8 =	sadd.s32 $0xFFFFE003, lr  }
0x1b: {  	s9 =	sadd.s32 $0xFFFFFEF7, lr;
	s5 =	simm.s32 $0xFFFFFFFF;
	p2 =	slt.u32 s8, $0xFFFFF086  }
0x1c: {  	p1 =	slt.u32 s9, $0xF7A;
	s5 =	simm.s32 @!p2 $0x0  }
0x1d: {  	s5 =	simm.s32 @p1 $0x1;
	p0 =	seq.s32 s7, s2  }
0x1e: {  	s7 =	smul.u32 @!p0 $0xF7A, s2;
	p2 =	seq.s32 @!p0 s5, $0x0  }
0x1f: {  	s9 =	smul.u32 $0xF7A, s1;
	s8 =	simm.s32 @!p0 $0x1BF5;
	p2 =	por !p2, p0  }
0x20: {  	[sflag:s8] =	ssyncset.s32 @!p0 $0xFFFFF086;
	s6 =	sadd.s32 @!p0 s3, s7;
	s7 =	simm.s32 @!p0 $0x108  }
0x21: {  	s3 =	sadd.s32 s3, s9;
	s6 =	sadd.s32 @!p0 $0x88, s6;
	s7 =	simm.s32 @p2 $0x1082  }
0x22: {  	[simem:s7], [sflag:s8] =	dma.local @!p0 [hbm:s6], $0xF7A  }
0x23: {  	s9 =	sor.u32 $0xD0000000, s2;
	s6 =	simm.s32 $0x108;
	_ =	swait.ge @!p0 [sflag:s8], $0x0  }
0x24: {  	s3 =	sadd.s32 $0x88, s3;
	s6 =	simm.s32 @!p1 $0x1082;
	[sflag:s4] =	ssyncset.s32 $0xFFFFF086  }
0x25: {  	[simem:s6], [sflag:s4] =	dma.local [hbm:s3], $0xF7A  }
0x26: {  	[smem:$0x3F9B] =	sst s1;
	(tag) =	ssettag s2;
	_ =	strace s9  }
0x27: {  	s1 =	sld [smem:$0x3FAB]  }
0x28: {  	s2 =	sld [smem:$0x3FAC]  }
0x29: {  	s4 =	sld [smem:$0x3FAE]  }
0x2a: {  	p0 =	seq.s32 s5, $0x0;
	s5 =	sld [smem:$0x3FAF]  }
0x2b: {  	s6 =	sld [smem:$0x3FB0]  }
0x2c: {  	s7 =	sld [smem:$0x3FB1]  }
0x2d: {  	s3 =	simm.s32 $0x108;
	s8 =	sld [smem:$0x3FB2]  }
0x2e: {  	s3 =	simm.s32 @!p0 $0x1082;
	s9 =	sld [smem:$0x3FB3]  }
0x2f: {  	lr =	sadd.s32 s0, s3;
	s0 =	sld [smem:$0x3FAA]  }
0x30: {  	s3 =	sld [smem:$0x3FAD]  }
0x31: {  	[smem:$0x3FB6] =	sst s10  }
0x32: {  	s10 =	sld [smem:$0x3FB4];
	_ =	sdelay $0x3  }
0x33: {  	p0 =	seq.s32 s10, $0x1;
	s10 =	sld [smem:$0x3FB6];
	_ =	sdelay $0x3  }
0x34: {  	[smem:$0x3FB6] =	sst s10  }
0x35: {  	s10 =	sld [smem:$0x3FB5];
	_ =	sdelay $0x3  }
0x36: {  	p1 =	seq.s32 s10, $0x1;
	s10 =	sld [smem:$0x3FB6];
	_ =	sdelay $0x3  }
0x37: {  	[smem:$0x3FB6] =	sst s10  }
0x38: {  	s10 =	sld [smem:$0x3FB7]  }
0x39: {  	_ = 	snop;
	(pc) =	sbr.ind lr, $3  }
0x3a: {  	_ = 	snop  }
0x3b: {  	_ = 	snop  }
0x3c: {  	p2 =	seq.s32 s10, $0x1;
	s10 =	sld [smem:$0x3FB6]  }
0x3d: {  	_ =	shalt  }
0x3e: {  	_ =	shalt  }
0x3f: {  	_ =	shalt  }
0x40: {  	_ =	shalt  }
0x41: {  	_ =	shalt  }
0x42: {  	_ =	shalt  }
0x43: {  	_ =	shalt  }
0x44: {  	_ =	shalt  }
0x45: {  	_ =	shalt  }
0x46: {  	_ =	shalt  }
0x47: {  	_ =	shalt  }
0x48: {  	_ =	shalt  }
0x49: {  	_ =	shalt  }
0x4a: {  	_ =	shalt  }
0x4b: {  	_ =	shalt  }
0x4c: {  	_ =	shalt  }
0x4d: {  	_ =	shalt  }
0x4e: {  	_ =	shalt  }
0x4f: {  	_ =	shalt  }
0x50: {  	_ =	shalt  }
0x51: {  	_ =	shalt  }
0x52: {  	_ =	shalt  }
0x53: {  	_ =	shalt  }
0x54: {  	_ =	shalt  }
0x55: {  	_ =	shalt  }
0x56: {  	_ =	shalt  }
0x57: {  	_ =	shalt  }
0x58: {  	_ =	shalt  }
0x59: {  	_ =	shalt  }
0x5a: {  	_ =	shalt  }
0x5b: {  	_ =	shalt  }
0x5c: {  	_ =	shalt  }
0x5d: {  	_ =	shalt  }
0x5e: {  	_ =	shalt  }
0x5f: {  	_ =	shalt  }
0x60: {  	_ =	shalt  }
0x61: {  	_ =	shalt  }
0x62: {  	_ =	shalt  }
0x63: {  	_ =	shalt  }
0x64: {  	_ =	shalt  }
0x65: {  	_ =	shalt  }
0x66: {  	_ =	shalt  }
0x67: {  	_ =	shalt  }
0x68: {  	_ =	shalt  }
0x69: {  	_ =	shalt  }
0x6a: {  	_ =	shalt  }
0x6b: {  	_ =	shalt  }
0x6c: {  	_ =	shalt  }
0x6d: {  	_ =	shalt  }
0x6e: {  	_ =	shalt  }
0x6f: {  	_ =	shalt  }
0x70: {  	_ =	shalt  }
0x71: {  	_ =	shalt  }
0x72: {  	_ =	shalt  }
0x73: {  	_ =	shalt  }
0x74: {  	_ =	shalt  }
0x75: {  	_ =	shalt  }
0x76: {  	_ =	shalt  }
0x77: {  	_ =	shalt  }
0x78: {  	_ =	shalt  }
0x79: {  	_ =	shalt  }
0x7a: {  	_ =	shalt  }
0x7b: {  	_ =	shalt  }
0x7c: {  	_ =	shalt  }
0x7d: {  	_ =	shalt  }
0x7e: {  	_ =	shalt  }
0x7f: {  	_ =	shalt  }
0x80: {  	_ =	shalt  }
0x81: {  	_ =	shalt  }
0x82: {  	_ =	shalt  }
0x83: {  	_ =	shalt  }
0x84: {  	_ =	shalt  }
0x85: {  	_ =	shalt  }
0x86: {  	_ =	shalt  }
0x87: {  	_ =	shalt  }
.Lfunc_end0:
.L_simem_size_0:
called_computation.1_lowered:
.L_overlay_start_0:
0x88: {  	s2 =	sld [smem:$0x3FD9]  }
0x89: {  	s3 =	sld [smem:$0x3FFE];
	_ =	sdelay $0x1  }
0x8a: {  	s1 =	srdreg.scid  }
0x8b: {  	s0 =	sand.u32 $0x1, s1  }
0x8c: {  	s16 =	sshll.u32 s0, $0xA;
	s2 =	sadd.s32 s3, s2  }
0x8d: {  	s2 =	sadd.s32 s2, s16  }
0x8e: {  	[smem:$0x3FC2] =	sst s2  }
0x8f: {  	_ = 	snop  }
0x90: {  	(tm) =	ssettm $0x1  }
0x91: {  	s17 =	sld [smem:$0x3FFB];
	_ =	sdelay $0x3  }
0x92: {  	_ =	strace s17  }
0x93: {  	s2 =	sld [smem:$0x3FFC];
	_ =	sdelay $0x3  }
0x94: {  	_ =	strace s2  }
0x95: {  	s2 =	sld [smem:$0x3FFD];
	_ =	sdelay $0x3  }
0x96: {  	_ =	strace s2  }
0x97: {  	_ =	strace $0x8FFFFFFF  }
0x98: {  	s18 =	sld [smem:$0x3FDB];
	_ =	sdelay $0x1  }
0x99: {  	s19 =	simm.s32 $_scs_section_size  }
0x9a: {  	s4 =	simm.s32 $_size__tile_overlayer_lowered;
	s5 =	simm.s32 $_tile_overlayer_lowered  }
0x9b: {  	s22 =	simm.s32 $0x1BFF;
	s21 =	sshll.u32 s5, $0x1;
	s2 =	sadd.s32 s19, s18  }
0x9c: {  	s6 =	simm.s32 $0x0;
	s20 =	sshll.u32 s4, $0x1;
	s4 =	sadd.s32 s21, s2  }
0x9d: {  	[timem:s6], [sflag:s22] =	dma.local [hbm:s4], s20  }
0x9e: {  	_ =	swait.ge [sflag:s22], s20  }
0x9f: {  	s3 =	ssub.s32 $0x0, s20;
	[sflag:s22] =	ssyncset.done $0x0  }
0xa0: {  	[sflag:s22] =	ssyncadd.s32 s3;
	_ =	sdelay $0x1  }
0xa1: {  	s23 =	simm.s32 $0x1B8B  }
0xa2: {  	_ =	swait.ge [sflag:s23], $0x1  }
0xa3: {  	[sflag:s23] =	ssyncset.done $0x0  }
0xa4: {  	s25 =	simm.s32 $0x1B8E;
	s24 =	sld [smem:$0x3FFE];
	[sflag:s23] =	ssyncadd.s32 $0xFFFFFFFF  }
0xa5: {  	s26 =	simm.s32 $execute0_lowered;
	[smem:$0x3FD2] =	sst s25  }
0xa6: {  	s4 =	sshll.u32 s26, $0x1;
	_ =	strace $0x80000049;
	[dreg:$0x1] =	wrdreg $0xFFFFFFFF  }
0xa7: {  	s28 =	simm.s32 $_size_execute0_lowered;
	s2 =	sadd.s32 s2, s4;
	[dreg:$0x0] =	wrdreg $0x0  }
0xa8: {  	s4 =	sshll.u32 s28, $0x1;
	[dreg:$0x2] =	wrdreg s2  }
0xa9: {  	[dreg:$0x3] =	wrdreg s4  }
0xaa: {  	[dreg:$0x4] =	wrdreg $0xC0  }
0xab: {  	_ =	task [dreg:s6], $0x5FFFF  }
0xac: {  	[dreg:$0x1] =	wrdreg $0xFFFFFFFF  }
0xad: {  	[dreg:$0x0] =	wrdreg $0x60  }
0xae: {  	[dreg:$0x2] =	wrdreg s24  }
0xaf: {  	[dreg:$0x3] =	wrdreg $0x70000  }
0xb0: {  	[dreg:$0x4] =	wrdreg $0x110000  }
0xb1: {  	[dreg:$0x5] =	wrdreg $0x9  }
0xb2: {  	_ =	task.clear_ibuf [dreg:s6], $0x6FFFF;
	_ =	strace $0x90000049  }
0xb3: {  	s29 =	simm.s32 $0x9;
	_ =	strace $0x8000004B  }
0xb4: {  	_ =	swait.ge [sflag:s29], $0x1  }
0xb5: {  	[sflag:s29] =	ssyncadd.s32 $0xFFFFFFFF  }
0xb6: {  	_ =	strace $0x9000004B  }
0xb7: {  	_ =	sfence  }
0xb8: {  	s30 =	sld [smem:$0x0];
	_ =	sdelay $0x2  }
0xb9: {  	s31 =	sshll.u32 s1, $0xD;
	s1 =	sshrl.u32 s1, $0x2  }
0xba: {  	s3 =	sand.u32 $0x4000, s31;
	s1 =	sadd.s32 s1, s30  }
0xbb: {  	s0 =	sor.u32 s3, s0;
	s1 =	sshll.u32 s1, $0x11  }
0xbc: {  	s0 =	sor.u32 s1, s0  }
0xbd: {  	s0 =	sadd.s32 $0x8F2B, s0  }
0xbe: {  	[sflag:s0] =	ssyncadd.remote.s32 $0x1  }
0xbf: {  	_ =	sfence.sel $0xFFFF  }
0xc0: {  	[dreg:$0x0] =	wrdreg $0xFFFFFFFF;
	(pc) =	sbr.abs _section_cstart, $3  }
0xc1: {  	[dreg:$0x1] =	wrdreg $0xFFFFFFFF  }
0xc2: {  	_ =	task.clear_ibuf [dreg:s6], $0x2FFFF;
	_ =	strace $0x9FFFFFFF  }
0xc3: {  	(tm) =	ssettm $0x7FFFFFFF  }
tec
execute0_lowered:
.L_overlay_start_1:
0x0: {  	(tag) =	ssettag $0x1  }
0x1: {  	s6 =	rddreg [dreg:$0x0]  }
0x2: {  	s0 =	stileid.u32;
	s2 =	rddreg [dreg:$0x1]  }
0x3: {  	s1 =	srdreg.scid;
	s3 =	rddreg [dreg:$0x2]  }
0x4: {  	s4 =	simm.s32 $0x0;
	s16 =	simm.s32 $0x40;
	s17 =	simm.s32 $0x5000  }
0x5: {  	s18 =	simm.s32 $0x6000;
	s19 =	simm.s32 $0x1;
	s20 =	simm.s32 $0x2  }
0x6: {  	s21 =	simm.s32 $0x3;
	s22 =	simm.s32 $0x4;
	s23 =	simm.s32 $0x4F80  }
0x7: {  	s24 =	simm.s32 $0x4FC0;
	s25 =	simm.s32 $0x0;
	s8 =	smul.u32 $0x14000, s0  }
0x8: {  	s7 =	sand.u32 $0x1, s1;
	s1 =	rddreg [dreg:$0x3];
	s10 =	smul.u32 $0x2800, s0  }
0x9: {  	[smem:$0x7FF] =	sst s4;
	s13 =	sshll.u32 s0, $0x6;
	s9 =	smul.u32 $0x28000, s7  }
0xa: {  	s11 =	smul.u32 $0x140000, s7;
	_ =	strace $0x8000004A;
	s7 =	ssub.s32 $0x2, s7  }
0xb: {  	s13 =	sor.u32 $0x1C05, s13;
	s5 =	sshrl.u32 s8, $0x4;
	s30 =	sshrl.u32 s7, $0x1  }
0xc: {  	s31 =	sshrl.u32 s8, $0x1;
	s12 =	sadd.s32 s5, s6;
	s5 =	sadd.s32 $0x2C00, s6  }
0xd: {  	s9 =	sadd.s32 s10, s9;
	s29 =	sadd.s32 s8, s11;
	s11 =	ssub.s32 s7, s30  }
0xe: {  	s14 =	sadd.s32 s31, s2;
	s15 =	sadd.s32 s31, s3;
	s9 =	sshrl.u32 s9, $0x3  }
0xf: {  	s10 =	sshrl.u32 s29, $0x4;
	s8 =	sadd.s32 $0x40000, s12;
	s12 =	simm.s32 $0x2800  }
0x10: {  	s14 =	sshrl.u32 s14, $0x3;
	s15 =	sshrl.u32 s15, $0x3;
	s9 =	sadd.s32 s9, s6  }
0x11: {  	s10 =	sadd.s32 s10, s6;
	s6 =	sadd.s32 $0x4000, s9;
	s7 =	sadd.s32 $0xE000, s9  }
0x12: {  	s9 =	sadd.s32 $0x54000, s10;
	s10 =	smax.u32 s11, $0x1;
	s11 =	simm.s32 $0x5  }
.LBB2_1:
0x13: {  	[tilespmem:s4], [sflag:$0x5] =	stream.linear.gather [hbm4b:s6+s4], $0x2800, $0x38;
	[tilespmem:$0x1B000] =	vst v63  }
0x14: {  	_ =	swait.ge [sflag:s11], $0x2800  }
0x15: {  	[sflag:s11] =	ssyncset.done $0x0  }
0x16: {  	[sflag:s11] =	ssyncadd.s32 $0xFFFFD800  }
0x17: {  	[tilespmem:s12], [sflag:$0x5] =	stream.linear.gather [hbm4b:s7+s4], $0x2800, $0x38;
	[tilespmem:$0x1B000] =	vst v63  }
0x18: {  	_ =	swait.ge [sflag:s11], $0x2800  }
0x19: {  	[sflag:s11] =	ssyncset.done $0x0  }
0x1a: {  	[sflag:s11] =	ssyncadd.s32 $0xFFFFD800  }
0x1b: {  	[spmem:s14], [sflag:s13] =	dma.local [hbm:s8], $0x1400  }
0x1c: {  	_ =	swait.ge [sflag:s11], $0x1400  }
0x1d: {  	[sflag:s11] =	ssyncset.done $0x0  }
0x1e: {  	[sflag:s11] =	ssyncadd.s32 $0xFFFFEC00  }
0x1f: {  	[spmem:s15], [sflag:s13] =	dma.local [hbm:s5], $0x1400  }
0x20: {  	_ =	swait.ge [sflag:s11], $0x1400  }
0x21: {  	[sflag:s11] =	ssyncset.done $0x0  }
0x22: {  	[sflag:s11] =	ssyncadd.s32 $0xFFFFEC00  }
0x23: {  	[bflag:$0x0] =	sbarrier.arrive $0xFFFF  }
0x24: {  	[tilespmem:s17], [sflag:$0x1] =	stream.indirect.gather [spmem:s2], $0x40, s4, s16, $0xb8;
	[tilespmem:$0x1B000] =	vst v63  }
0x25: {  	_ = 	snop  }
0x26: {  	[tilespmem:s18], [sflag:$0x2] =	stream.indirect.gather [spmem:s2], $0x40, s16, s16, $0xb8;
	[tilespmem:$0x1B000] =	vst v63  }
0x27: {  	_ =	swait.ge [sflag:s19], $0x1000  }
0x28: {  	[sflag:s19] =	ssyncset.done $0x0  }
0x29: {  	s26 =	simm.s32 $0x2800;
	[sflag:s19] =	ssyncadd.s32 $0xFFFFF000  }
0x2a: {  	[spmem:s3] =	stream.indirect.scatter.add.bf16 [tilespmem:s17], [sflag:$0x3], $0x40, s26, s16, $0xb8;
	[tilespmem:$0x1B000] =	vst v63  }
0x2b: {  	_ =	swait.ge [sflag:s20], $0x1000  }
0x2c: {  	[sflag:s20] =	ssyncset.done $0x0  }
0x2d: {  	s30 =	simm.s32 $0x2840;
	[sflag:s20] =	ssyncadd.s32 $0xFFFFF000  }
0x2e: {  	[spmem:s3] =	stream.indirect.scatter.add.bf16 [tilespmem:s18], [sflag:$0x4], $0x40, s30, s16, $0xb8;
	[tilespmem:$0x1B000] =	vst v63  }
0x2f: {  	_ =	swait.ge [sflag:s21], $0x1000  }
0x30: {  	[sflag:s21] =	ssyncset.done $0x0  }
0x31: {  	s31 =	simm.s32 $0x80;
	[sflag:s21] =	ssyncadd.s32 $0xFFFFF000  }
0x32: {  	[tilespmem:s17], [sflag:$0x1] =	stream.indirect.gather [spmem:s2], $0x40, s31, s16, $0xb8;
	[tilespmem:$0x1B000] =	vst v63  }
0x33: {  	_ =	swait.ge [sflag:s22], $0x1000  }
0x34: {  	[sflag:s22] =	ssyncset.done $0x0  }
0x35: {  	s28 =	simm.s32 $0xC0;
	s26 =	simm.s32 $0x200;
	[sflag:s22] =	ssyncadd.s32 $0xFFFFF000  }
.LBB2_2:
0x36: {  	[tilespmem:s18], [sflag:$0x2] =	stream.indirect.gather [spmem:s2], $0x40, s28, s16, $0xb8;
	[tilespmem:$0x1B000] =	vst v63  }
0x37: {  	s28 =	smov.u32 s26  }
0x38: {  	p0 =	sne.s32 s26, $0x9C00;
	s26 =	sadd.s32 $0x200, s26;
	_ =	swait.ge [sflag:s19], $0x1000  }
0x39: {  	s28 =	sshra.s32 s28, $0x2;
	[sflag:s19] =	ssyncset.done $0x0  }
0x3a: {  	s29 =	sadd.s32 $0x2800, s28;
	[sflag:s19] =	ssyncadd.s32 $0xFFFFF000  }
0x3b: {  	[spmem:s3] =	stream.indirect.scatter.add.bf16 [tilespmem:s17], [sflag:$0x3], $0x40, s29, s16, $0xb8;
	[tilespmem:$0x1B000] =	vst v63  }
0x3c: {  	_ =	swait.ge [sflag:s20], $0x1000  }
0x3d: {  	[sflag:s20] =	ssyncset.done $0x0  }
0x3e: {  	s29 =	sadd.s32 $0x2840, s28;
	[sflag:s20] =	ssyncadd.s32 $0xFFFFF000  }
0x3f: {  	[spmem:s3] =	stream.indirect.scatter.add.bf16 [tilespmem:s18], [sflag:$0x4], $0x40, s29, s16, $0xb8;
	[tilespmem:$0x1B000] =	vst v63  }
0x40: {  	_ =	swait.ge [sflag:s21], $0x1000  }
0x41: {  	[sflag:s21] =	ssyncset.done $0x0  }
.Ltmp0:
0x42: {  	s29 =	sadd.s32 $0x80, s28;
	[sflag:s21] =	ssyncadd.s32 $0xFFFFF000;
	(pc) =	sbr.rel @p0 .LBB2_2-.Ltmp0, $4  }
0x43: {  	[tilespmem:s17], [sflag:$0x1] =	stream.indirect.gather [spmem:s2], $0x40, s29, s16, $0xb8;
	[tilespmem:$0x1B000] =	vst v63  }
0x44: {  	_ =	swait.ge [sflag:s22], $0x1000  }
0x45: {  	[sflag:s22] =	ssyncset.done $0x0  }
0x46: {  	s28 =	sadd.s32 $0xC0, s28;
	[sflag:s22] =	ssyncadd.s32 $0xFFFFF000  }
0x47: {  	[tilespmem:s18], [sflag:$0x2] =	stream.indirect.gather [spmem:s2], $0x40, s28, s16, $0xb8;
	[tilespmem:$0x1B000] =	vst v63  }
0x48: {  	_ =	swait.ge [sflag:s19], $0x1000  }
0x49: {  	[sflag:s19] =	ssyncset.done $0x0  }
0x4a: {  	[sflag:s19] =	ssyncadd.s32 $0xFFFFF000  }
0x4b: {  	[spmem:s3] =	stream.indirect.scatter.add.bf16 [tilespmem:s17], [sflag:$0x3], $0x40, s23, s16, $0xb8;
	[tilespmem:$0x1B000] =	vst v63  }
0x4c: {  	_ =	swait.ge [sflag:s20], $0x1000  }
0x4d: {  	[sflag:s20] =	ssyncset.done $0x0  }
0x4e: {  	[sflag:s20] =	ssyncadd.s32 $0xFFFFF000  }
0x4f: {  	[spmem:s3] =	stream.indirect.scatter.add.bf16 [tilespmem:s18], [sflag:$0x4], $0x40, s24, s16, $0xb8;
	[tilespmem:$0x1B000] =	vst v63  }
0x50: {  	_ =	swait.ge [sflag:s21], $0x1000  }
0x51: {  	[sflag:s21] =	ssyncset.done $0x0  }
0x52: {  	[sflag:s21] =	ssyncadd.s32 $0xFFFFF000  }
0x53: {  	_ =	swait.ge [sflag:s22], $0x1000  }
0x54: {  	s25 =	sadd.s32 $0x1, s25;
	[sflag:s22] =	ssyncset.done $0x0  }
0x55: {  	p0 =	sne.s32 s25, s10;
	[sflag:s22] =	ssyncadd.s32 $0xFFFFF000  }
.Ltmp1:
0x56: {  	[bflag:$0x0] =	sbarrier.arrive $0xFFFF;
	(pc) =	sbr.rel @p0 .LBB2_1-.Ltmp1, $4  }
0x57: {  	[hbm:s9], [sflag:s13] =	dma.local [spmem:s15], $0x1400  }
0x58: {  	_ =	swait.ge [sflag:s11], $0x1400  }
0x59: {  	[sflag:s11] =	ssyncset.done $0x0  }
0x5a: {  	[sflag:s11] =	ssyncadd.s32 $0xFFFFEC00  }
0x5b: {  	_ =	sfence.sel $0x180000  }
0x5c: {  	[bflag:$0x0] =	sbarrier.arrive $0xFFFF  }
0x5d: {  	p0 =	sne.s32 s0, $0x0;
	_ =	strace $0x9000004A  }
0x5e: {  	s0 =	sadd.s32 @!p0 $0x100000, s1;
	[bflag:$0x2] =	sbarrier.arrive $0xFFFF  }
0x5f: {  	[sflag:s0] =	ssyncadd.tile.s32 @!p0 $0x1;
	_ =	shalt  }
.Lfunc_end2:
_tile_overlayer_lowered:
.L_overlay_start_2:
0x60: {  	(tag) =	ssettag $0x2  }
0x61: {  	s0 =	rddreg [dreg:$0x0];
	s2 =	stileid.u32  }
0x62: {  	s1 =	rddreg [dreg:$0x1];
	p0 =	sne.s32 s2, $0x0  }
0x63: {  	s3 =	rddreg [dreg:$0x2];
	[bflag:$0x3] =	sbarrier.arrive $0xFFFF;
	s2 =	simm.s32 @!p0 $0x1C05  }
0x64: {  	[timem:s3], [sflag:s2] =	dma.local @!p0 [hbm:s0], s1  }
0x65: {  	s0 =	simm.s32 @!p0 $0x5  }
0x66: {  	_ =	swait.ge @!p0 [sflag:s0], s1  }
0x67: {  	s1 =	ssub.s32 @!p0 $0x0, s1;
	[sflag:s0] =	ssyncset.done @!p0 $0x0  }
0x68: {  	[sflag:s0] =	ssyncadd.s32 @!p0 s1  }
0x69: {  	[bflag:$0x3] =	sbarrier.arrive $0xFFFF  }
0x6a: {  	_ =	shalt  }

// kernel: kernel.14.cloned.1.call-start
scs
__scs_entry_jumppad:
0x0: {  	(pc) =	sbr.rel $0x88, $3  }
0x1: {  	(tag) =	ssettag $0x0;
	lr =	simm.s32 $0x1  }
0x2: {  	[smem:$0x3F9B] =	sst lr;
	_ =	strace $0xD0000000  }
0x3: {  	_ = 	snop  }
0x4: {  	_ = 	snop  }
0x5: {  	_ = 	snop  }
0x6: {  	_ = 	snop  }
0x7: {  	_ = 	snop  }
__scs_overlays_trampoline_lowered:
0x8: {  	[smem:$0x3FAA] =	sst s0  }
0x9: {  	[smem:$0x3FAB] =	sst s1  }
0xa: {  	[smem:$0x3FAC] =	sst s2  }
0xb: {  	[smem:$0x3FAD] =	sst s3  }
0xc: {  	[smem:$0x3FAE] =	sst s4  }
0xd: {  	[smem:$0x3FAF] =	sst s5  }
0xe: {  	[smem:$0x3FB0] =	sst s6  }
0xf: {  	[smem:$0x3FB1] =	sst s7  }
0x10: {  	[smem:$0x3FB2] =	sst s8  }
0x11: {  	[smem:$0x3FB3] =	sst s9;
	s0 =	simm.s32 @!p0 $0x0  }
0x12: {  	s1 =	sld [smem:$0x3F99];
	s0 =	simm.s32 @p0 $0x1  }
0x13: {  	[smem:$0x3FB4] =	sst s0;
	s0 =	simm.s32 @!p1 $0x0  }
0x14: {  	s2 =	sld [smem:$0x3F98];
	s0 =	simm.s32 @p1 $0x1  }
0x15: {  	[smem:$0x3FB5] =	sst s0;
	s0 =	simm.s32 @!p2 $0x0  }
0x16: {  	s3 =	sld [smem:$0x3FDB];
	s0 =	simm.s32 @p2 $0x1  }
0x17: {  	s4 =	simm.s32 $0x1BF5;
	[smem:$0x3FB7] =	sst s0  }
0x18: {  	s0 =	sld [smem:$0x3F9A];
	_ =	swait.ge [sflag:s4], $0x0  }
0x19: {  	s7 =	sld [smem:$0x3F9B]  }
0x1a: {  	s8 =	sadd.s32 $0xFFFFE003, lr  }
0x1b: {  	s9 =	sadd.s32 $0xFFFFFEF7, lr;
	s5 =	simm.s32 $0xFFFFFFFF;
	p2 =	slt.u32 s8, $0xFFFFF086  }
0x1c: {  	p1 =	slt.u32 s9, $0xF7A;
	s5 =	simm.s32 @!p2 $0x0  }
0x1d: {  	s5 =	simm.s32 @p1 $0x1;
	p0 =	seq.s32 s7, s2  }
0x1e: {  	s7 =	smul.u32 @!p0 $0xF7A, s2;
	p2 =	seq.s32 @!p0 s5, $0x0  }
0x1f: {  	s9 =	smul.u32 $0xF7A, s1;
	s8 =	simm.s32 @!p0 $0x1BF5;
	p2 =	por !p2, p0  }
0x20: {  	[sflag:s8] =	ssyncset.s32 @!p0 $0xFFFFF086;
	s6 =	sadd.s32 @!p0 s3, s7;
	s7 =	simm.s32 @!p0 $0x108  }
0x21: {  	s3 =	sadd.s32 s3, s9;
	s6 =	sadd.s32 @!p0 $0x88, s6;
	s7 =	simm.s32 @p2 $0x1082  }
0x22: {  	[simem:s7], [sflag:s8] =	dma.local @!p0 [hbm:s6], $0xF7A  }
0x23: {  	s9 =	sor.u32 $0xD0000000, s2;
	s6 =	simm.s32 $0x108;
	_ =	swait.ge @!p0 [sflag:s8], $0x0  }
0x24: {  	s3 =	sadd.s32 $0x88, s3;
	s6 =	simm.s32 @!p1 $0x1082;
	[sflag:s4] =	ssyncset.s32 $0xFFFFF086  }
0x25: {  	[simem:s6], [sflag:s4] =	dma.local [hbm:s3], $0xF7A  }
0x26: {  	[smem:$0x3F9B] =	sst s1;
	(tag) =	ssettag s2;
	_ =	strace s9  }
0x27: {  	s1 =	sld [smem:$0x3FAB]  }
0x28: {  	s2 =	sld [smem:$0x3FAC]  }
0x29: {  	s4 =	sld [smem:$0x3FAE]  }
0x2a: {  	p0 =	seq.s32 s5, $0x0;
	s5 =	sld [smem:$0x3FAF]  }
0x2b: {  	s6 =	sld [smem:$0x3FB0]  }
0x2c: {  	s7 =	sld [smem:$0x3FB1]  }
0x2d: {  	s3 =	simm.s32 $0x108;
	s8 =	sld [smem:$0x3FB2]  }
0x2e: {  	s3 =	simm.s32 @!p0 $0x1082;
	s9 =	sld [smem:$0x3FB3]  }
0x2f: {  	lr =	sadd.s32 s0, s3;
	s0 =	sld [smem:$0x3FAA]  }
0x30: {  	s3 =	sld [smem:$0x3FAD]  }
0x31: {  	[smem:$0x3FB6] =	sst s10  }
0x32: {  	s10 =	sld [smem:$0x3FB4];
	_ =	sdelay $0x3  }
0x33: {  	p0 =	seq.s32 s10, $0x1;
	s10 =	sld [smem:$0x3FB6];
	_ =	sdelay $0x3  }
0x34: {  	[smem:$0x3FB6] =	sst s10  }
0x35: {  	s10 =	sld [smem:$0x3FB5];
	_ =	sdelay $0x3  }
0x36: {  	p1 =	seq.s32 s10, $0x1;
	s10 =	sld [smem:$0x3FB6];
	_ =	sdelay $0x3  }
0x37: {  	[smem:$0x3FB6] =	sst s10  }
0x38: {  	s10 =	sld [smem:$0x3FB7]  }
0x39: {  	_ = 	snop;
	(pc) =	sbr.ind lr, $3  }
0x3a: {  	_ = 	snop  }
0x3b: {  	_ = 	snop  }
0x3c: {  	p2 =	seq.s32 s10, $0x1;
	s10 =	sld [smem:$0x3FB6]  }
0x3d: {  	_ =	shalt  }
0x3e: {  	_ =	shalt  }
0x3f: {  	_ =	shalt  }
0x40: {  	_ =	shalt  }
0x41: {  	_ =	shalt  }
0x42: {  	_ =	shalt  }
0x43: {  	_ =	shalt  }
0x44: {  	_ =	shalt  }
0x45: {  	_ =	shalt  }
0x46: {  	_ =	shalt  }
0x47: {  	_ =	shalt  }
0x48: {  	_ =	shalt  }
0x49: {  	_ =	shalt  }
0x4a: {  	_ =	shalt  }
0x4b: {  	_ =	shalt  }
0x4c: {  	_ =	shalt  }
0x4d: {  	_ =	shalt  }
0x4e: {  	_ =	shalt  }
0x4f: {  	_ =	shalt  }
0x50: {  	_ =	shalt  }
0x51: {  	_ =	shalt  }
0x52: {  	_ =	shalt  }
0x53: {  	_ =	shalt  }
0x54: {  	_ =	shalt  }
0x55: {  	_ =	shalt  }
0x56: {  	_ =	shalt  }
0x57: {  	_ =	shalt  }
0x58: {  	_ =	shalt  }
0x59: {  	_ =	shalt  }
0x5a: {  	_ =	shalt  }
0x5b: {  	_ =	shalt  }
0x5c: {  	_ =	shalt  }
0x5d: {  	_ =	shalt  }
0x5e: {  	_ =	shalt  }
0x5f: {  	_ =	shalt  }
0x60: {  	_ =	shalt  }
0x61: {  	_ =	shalt  }
0x62: {  	_ =	shalt  }
0x63: {  	_ =	shalt  }
0x64: {  	_ =	shalt  }
0x65: {  	_ =	shalt  }
0x66: {  	_ =	shalt  }
0x67: {  	_ =	shalt  }
0x68: {  	_ =	shalt  }
0x69: {  	_ =	shalt  }
0x6a: {  	_ =	shalt  }
0x6b: {  	_ =	shalt  }
0x6c: {  	_ =	shalt  }
0x6d: {  	_ =	shalt  }
0x6e: {  	_ =	shalt  }
0x6f: {  	_ =	shalt  }
0x70: {  	_ =	shalt  }
0x71: {  	_ =	shalt  }
0x72: {  	_ =	shalt  }
0x73: {  	_ =	shalt  }
0x74: {  	_ =	shalt  }
0x75: {  	_ =	shalt  }
0x76: {  	_ =	shalt  }
0x77: {  	_ =	shalt  }
0x78: {  	_ =	shalt  }
0x79: {  	_ =	shalt  }
0x7a: {  	_ =	shalt  }
0x7b: {  	_ =	shalt  }
0x7c: {  	_ =	shalt  }
0x7d: {  	_ =	shalt  }
0x7e: {  	_ =	shalt  }
0x7f: {  	_ =	shalt  }
0x80: {  	_ =	shalt  }
0x81: {  	_ =	shalt  }
0x82: {  	_ =	shalt  }
0x83: {  	_ =	shalt  }
0x84: {  	_ =	shalt  }
0x85: {  	_ =	shalt  }
0x86: {  	_ =	shalt  }
0x87: {  	_ =	shalt  }
.Lfunc_end0:
.L_simem_size_0:
called_computation.2_lowered:
.L_overlay_start_0:
0x88: {  	s2 =	sld [smem:$0x3FD9]  }
0x89: {  	s3 =	sld [smem:$0x3FFE];
	_ =	sdelay $0x1  }
0x8a: {  	s1 =	srdreg.scid  }
0x8b: {  	s0 =	sand.u32 $0x1, s1  }
0x8c: {  	s17 =	sshll.u32 s0, $0xA;
	s2 =	sadd.s32 s3, s2  }
0x8d: {  	s2 =	sadd.s32 s2, s17  }
0x8e: {  	[smem:$0x3FC2] =	sst s2  }
0x8f: {  	_ = 	snop  }
0x90: {  	s2 =	sld [smem:$0x3FD0];
	(tm) =	ssettm $0x1  }
0x91: {  	s18 =	sld [smem:$0x3FFB];
	_ =	sdelay $0x3  }
0x92: {  	_ =	strace s18  }
0x93: {  	s3 =	sld [smem:$0x3FFC];
	_ =	sdelay $0x3  }
0x94: {  	_ =	strace s3  }
0x95: {  	s3 =	sld [smem:$0x3FFD];
	_ =	sdelay $0x3  }
0x96: {  	_ =	strace s3  }
0x97: {  	_ =	strace $0x8FFFFFFF  }
0x98: {  	s19 =	sld [smem:$0x3FDB];
	_ =	sdelay $0x1  }
0x99: {  	s4 =	simm.s32 $_scs_section_size  }
0x9a: {  	s5 =	simm.s32 $_size__tile_overlayer_lowered;
	s6 =	simm.s32 $_tile_overlayer_lowered  }
0x9b: {  	s22 =	simm.s32 $0x1BFF;
	s21 =	sshll.u32 s6, $0x1;
	s3 =	sadd.s32 s4, s19  }
0x9c: {  	s7 =	simm.s32 $0x0;
	s20 =	sshll.u32 s5, $0x1;
	s5 =	sadd.s32 s21, s3  }
0x9d: {  	[timem:s7], [sflag:s22] =	dma.local [hbm:s5], s20  }
0x9e: {  	_ =	swait.ge [sflag:s22], s20  }
0x9f: {  	s4 =	ssub.s32 $0x0, s20;
	[sflag:s22] =	ssyncset.done $0x0  }
0xa0: {  	[sflag:s22] =	ssyncadd.s32 s4;
	_ =	sdelay $0x1  }
0xa1: {  	s23 =	simm.s32 $0x1B8B  }
0xa2: {  	_ =	swait.ge [sflag:s23], $0x1  }
0xa3: {  	[sflag:s23] =	ssyncset.done $0x0  }
0xa4: {  	s25 =	simm.s32 $0x1B8E;
	s24 =	sld [smem:$0x3FFE];
	[sflag:s23] =	ssyncadd.s32 $0xFFFFFFFF  }
0xa5: {  	s26 =	simm.s32 $execute0_lowered;
	[smem:$0x3FD2] =	sst s25  }
0xa6: {  	s5 =	sshll.u32 s26, $0x1;
	_ =	strace $0x8000004C;
	[dreg:$0x1] =	wrdreg $0xFFFFFFFF  }
0xa7: {  	s28 =	simm.s32 $_size_execute0_lowered;
	s3 =	sadd.s32 s3, s5;
	[dreg:$0x0] =	wrdreg $0x0  }
0xa8: {  	s5 =	sshll.u32 s28, $0x1;
	[dreg:$0x2] =	wrdreg s3  }
0xa9: {  	[dreg:$0x3] =	wrdreg s5  }
0xaa: {  	[dreg:$0x4] =	wrdreg $0xC0  }
0xab: {  	_ =	task [dreg:s7], $0x5FFFF  }
0xac: {  	[dreg:$0x1] =	wrdreg $0xFFFFFFFF  }
0xad: {  	[dreg:$0x0] =	wrdreg $0x60  }
0xae: {  	[dreg:$0x2] =	wrdreg s2  }
0xaf: {  	[dreg:$0x3] =	wrdreg s24  }
0xb0: {  	[dreg:$0x4] =	wrdreg $0x90000  }
0xb1: {  	[dreg:$0x5] =	wrdreg $0xE0000  }
0xb2: {  	[dreg:$0x6] =	wrdreg $0x9  }
0xb3: {  	_ =	task.clear_ibuf [dreg:s7], $0x7FFFF;
	_ =	strace $0x9000004C  }
0xb4: {  	s29 =	simm.s32 $0x9;
	_ =	strace $0x8000004E  }
0xb5: {  	_ =	swait.ge [sflag:s29], $0x1  }
0xb6: {  	[sflag:s29] =	ssyncadd.s32 $0xFFFFFFFF  }
0xb7: {  	_ =	strace $0x9000004E  }
0xb8: {  	_ =	sfence  }
0xb9: {  	s30 =	sld [smem:$0x0];
	_ =	sdelay $0x2  }
0xba: {  	s31 =	sshll.u32 s1, $0xD;
	s1 =	sshrl.u32 s1, $0x2  }
0xbb: {  	s3 =	sand.u32 $0x4000, s31;
	s1 =	sadd.s32 s1, s30  }
0xbc: {  	s0 =	sor.u32 s3, s0;
	s1 =	sshll.u32 s1, $0x11  }
0xbd: {  	s0 =	sor.u32 s1, s0  }
0xbe: {  	s0 =	sadd.s32 $0x8F2B, s0  }
0xbf: {  	[sflag:s0] =	ssyncadd.remote.s32 $0x1  }
0xc0: {  	_ =	sfence.sel $0xFFFF  }
0xc1: {  	[dreg:$0x0] =	wrdreg $0xFFFFFFFF;
	(pc) =	sbr.abs _section_cstart, $3  }
0xc2: {  	[dreg:$0x1] =	wrdreg $0xFFFFFFFF  }
0xc3: {  	_ =	task.clear_ibuf [dreg:s7], $0x2FFFF;
	_ =	strace $0x9FFFFFFF  }
0xc4: {  	(tm) =	ssettm $0x7FFFFFFF  }
0xc5: {  	_ =	shalt  }
tec
execute0_lowered:
.L_overlay_start_1:
0x0: {  	(tag) =	ssettag $0x1  }
0x1: {  	s0 =	rddreg [dreg:$0x0]  }
0x2: {  	s1 =	rddreg [dreg:$0x1];
	s3 =	srdreg.scid  }
0x3: {  	s2 =	rddreg [dreg:$0x2];
	s13 =	stileid.u32  }
0x4: {  	s4 =	simm.s32 $0x0;
	s16 =	simm.s32 $0x80;
	s17 =	simm.s32 $0x5000  }
0x5: {  	s18 =	simm.s32 $0x6000;
	s20 =	simm.s32 $0x7000;
	s28 =	simm.s32 $0x5  }
0x6: {  	s29 =	simm.s32 $0x6;
	s30 =	simm.s32 $0x7;
	s31 =	simm.s32 $0x8  }
0x7: {  	s6 =	sand.u32 $0x1, s3;
	s3 =	rddreg [dreg:$0x3];
	s8 =	smul.u32 $0x2800, s13  }
0x8: {  	s19 =	simm.s32 $0x4F80;
	s9 =	smul.u32 $0xA000, s13;
	[smem:$0x7FF] =	sst s4  }
0x9: {  	s5 =	sadd.s32 $0x2200, s1;
	s26 =	sshll.u32 s13, $0x6;
	s7 =	smul.u32 $0x28000, s6  }
0xa: {  	s10 =	smul.u32 $0xA0000, s6;
	_ =	strace $0x8000004D;
	s6 =	ssub.s32 $0x2, s6  }
0xb: {  	s13 =	sor.u32 $0x1C09, s26;
	s26 =	simm.s32 $0x4;
	s22 =	sshrl.u32 s6, $0x1  }
0xc: {  	s11 =	sshrl.u32 s9, $0x1;
	s24 =	sshrl.u32 s9, $0x4;
	s7 =	sadd.s32 s8, s7  }
0xd: {  	s21 =	sadd.s32 s9, s10;
	s23 =	ssub.s32 s6, s22;
	s12 =	sadd.s32 s11, s2  }
0xe: {  	s25 =	sadd.s32 s11, s3;
	s11 =	simm.s32 $0x9;
	s22 =	simm.s32 $0x8000  }
0xf: {  	s7 =	sshrl.u32 s7, $0x3;
	s8 =	sshrl.u32 s21, $0x4;
	s10 =	smax.u32 s23, $0x1  }
0x10: {  	s14 =	sshrl.u32 s12, $0x3;
	s15 =	sshrl.u32 s25, $0x3;
	s23 =	simm.s32 $0x1  }
0x11: {  	s25 =	simm.s32 $0x3;
	s21 =	simm.s32 $0x0;
	s7 =	sadd.s32 s7, s1  }
0x12: {  	s1 =	sadd.s32 s8, s1;
	s8 =	sadd.s32 s0, s24;
	s24 =	simm.s32 $0x2  }
0x13: {  	s6 =	sadd.s32 $0x7C000, s7;
	s7 =	sadd.s32 $0x86000, s7;
	s9 =	sadd.s32 $0x2C00, s1  }
.LBB2_1:
0x14: {  	[tilespmem:s4], [sflag:$0x9] =	stream.linear.gather [hbm4b:s6+s4], $0x2800, $0x38;
	[tilespmem:$0x13000] =	vst v63  }
0x15: {  	_ =	swait.ge [sflag:s11], $0x2800  }
0x16: {  	[sflag:s11] =	ssyncset.done $0x0  }
0x17: {  	s0 =	simm.s32 $0x2800;
	[sflag:s11] =	ssyncadd.s32 $0xFFFFD800  }
0x18: {  	[tilespmem:s0], [sflag:$0x9] =	stream.linear.gather [hbm4b:s7+s4], $0x2800, $0x38;
	[tilespmem:$0x13000] =	vst v63  }
0x19: {  	_ =	swait.ge [sflag:s11], $0x2800  }
0x1a: {  	[sflag:s11] =	ssyncset.done $0x0  }
0x1b: {  	[sflag:s11] =	ssyncadd.s32 $0xFFFFD800  }
0x1c: {  	[spmem:s14], [sflag:s13] =	dma.local [hbm:s8], $0xA00  }
0x1d: {  	_ =	swait.ge [sflag:s11], $0xA00  }
0x1e: {  	[sflag:s11] =	ssyncset.done $0x0  }
0x1f: {  	[sflag:s11] =	ssyncadd.s32 $0xFFFFF600  }
0x20: {  	[spmem:s15], [sflag:s13] =	dma.local [hbm:s5], $0xA00  }
0x21: {  	_ =	swait.ge [sflag:s11], $0xA00  }
0x22: {  	[sflag:s11] =	ssyncset.done $0x0  }
0x23: {  	[sflag:s11] =	ssyncadd.s32 $0xFFFFF600  }
0x24: {  	[bflag:$0x0] =	sbarrier.arrive $0xFFFF  }
0x25: {  	[tilespmem:s17], [sflag:$0x1] =	stream.indirect.gather [spmem:s2], $0x20, s4, s16, $0xb8;
	[tilespmem:$0x13000] =	vst v63  }
0x26: {  	_ = 	snop  }
0x27: {  	[tilespmem:s18], [sflag:$0x2] =	stream.indirect.gather [spmem:s2], $0x20, s16, s16, $0xb8;
	[tilespmem:$0x13000] =	vst v63  }
0x28: {  	s12 =	simm.s32 $0x100  }
0x29: {  	[tilespmem:s20], [sflag:$0x3] =	stream.indirect.gather [spmem:s2], $0x20, s12, s16, $0xb8;
	[tilespmem:$0x13000] =	vst v63  }
0x2a: {  	s1 =	simm.s32 $0x180  }
0x2b: {  	[tilespmem:s22], [sflag:$0x4] =	stream.indirect.gather [spmem:s2], $0x20, s1, s16, $0xb8;
	[tilespmem:$0x13000] =	vst v63  }
0x2c: {  	_ =	swait.ge [sflag:s23], $0x1000  }
0x2d: {  	[sflag:s23] =	ssyncset.done $0x0  }
0x2e: {  	s12 =	simm.s32 $0x2800;
	[sflag:s23] =	ssyncadd.s32 $0xFFFFF000  }
0x2f: {  	[spmem:s3] =	stream.indirect.scatter.add.bf16 [tilespmem:s17], [sflag:$0x5], $0x20, s12, s16, $0xb8;
	[tilespmem:$0x13000] =	vst v63  }
0x30: {  	_ =	swait.ge [sflag:s24], $0x1000  }
0x31: {  	[sflag:s24] =	ssyncset.done $0x0  }
0x32: {  	s1 =	simm.s32 $0x2880;
	[sflag:s24] =	ssyncadd.s32 $0xFFFFF000  }
0x33: {  	[spmem:s3] =	stream.indirect.scatter.add.bf16 [tilespmem:s18], [sflag:$0x6], $0x20, s1, s16, $0xb8;
	[tilespmem:$0x13000] =	vst v63  }
0x34: {  	_ =	swait.ge [sflag:s25], $0x1000  }
0x35: {  	[sflag:s25] =	ssyncset.done $0x0  }
0x36: {  	s12 =	simm.s32 $0x2900;
	[sflag:s25] =	ssyncadd.s32 $0xFFFFF000  }
0x37: {  	[spmem:s3] =	stream.indirect.scatter.add.bf16 [tilespmem:s20], [sflag:$0x7], $0x20, s12, s16, $0xb8;
	[tilespmem:$0x13000] =	vst v63  }
0x38: {  	_ =	swait.ge [sflag:s26], $0x1000  }
0x39: {  	[sflag:s26] =	ssyncset.done $0x0  }
0x3a: {  	s1 =	simm.s32 $0x2980;
	[sflag:s26] =	ssyncadd.s32 $0xFFFFF000  }
0x3b: {  	[spmem:s3] =	stream.indirect.scatter.add.bf16 [tilespmem:s22], [sflag:$0x8], $0x20, s1, s16, $0xb8;
	[tilespmem:$0x13000] =	vst v63  }
0x3c: {  	_ =	swait.ge [sflag:s28], $0x1000  }
0x3d: {  	[sflag:s28] =	ssyncset.done $0x0  }
0x3e: {  	s12 =	simm.s32 $0x200;
	[sflag:s28] =	ssyncadd.s32 $0xFFFFF000  }
0x3f: {  	[tilespmem:s17], [sflag:$0x1] =	stream.indirect.gather [spmem:s2], $0x20, s12, s16, $0xb8;
	[tilespmem:$0x13000] =	vst v63  }
0x40: {  	_ =	swait.ge [sflag:s29], $0x1000  }
0x41: {  	[sflag:s29] =	ssyncset.done $0x0  }
0x42: {  	s1 =	simm.s32 $0x280;
	[sflag:s29] =	ssyncadd.s32 $0xFFFFF000  }
0x43: {  	[tilespmem:s18], [sflag:$0x2] =	stream.indirect.gather [spmem:s2], $0x20, s1, s16, $0xb8;
	[tilespmem:$0x13000] =	vst v63  }
0x44: {  	_ =	swait.ge [sflag:s30], $0x1000  }
0x45: {  	[sflag:s30] =	ssyncset.done $0x0  }
0x46: {  	s12 =	simm.s32 $0x300;
	[sflag:s30] =	ssyncadd.s32 $0xFFFFF000  }
0x47: {  	[tilespmem:s20], [sflag:$0x3] =	stream.indirect.gather [spmem:s2], $0x20, s12, s16, $0xb8;
	[tilespmem:$0x13000] =	vst v63  }
0x48: {  	_ =	swait.ge [sflag:s31], $0x1000  }
0x49: {  	[sflag:s31] =	ssyncset.done $0x0  }
0x4a: {  	s0 =	simm.s32 $0x380;
	s1 =	simm.s32 $0x800;
	[sflag:s31] =	ssyncadd.s32 $0xFFFFF000  }
.LBB2_2:
0x4b: {  	[tilespmem:s22], [sflag:$0x4] =	stream.indirect.gather [spmem:s2], $0x20, s0, s16, $0xb8;
	[tilespmem:$0x13000] =	vst v63  }
0x4c: {  	s0 =	smov.u32 s1  }
0x4d: {  	p0 =	sne.s32 s1, $0x9000;
	s1 =	sadd.s32 $0x800, s1;
	_ =	swait.ge [sflag:s23], $0x1000  }
0x4e: {  	s0 =	sshra.s32 s0, $0x2;
	[sflag:s23] =	ssyncset.done $0x0  }
0x4f: {  	s12 =	sadd.s32 $0x2800, s0;
	[sflag:s23] =	ssyncadd.s32 $0xFFFFF000  }
0x50: {  	[spmem:s3] =	stream.indirect.scatter.add.bf16 [tilespmem:s17], [sflag:$0x5], $0x20, s12, s16, $0xb8;
	[tilespmem:$0x13000] =	vst v63  }
0x51: {  	_ =	swait.ge [sflag:s24], $0x1000  }
0x52: {  	[sflag:s24] =	ssyncset.done $0x0  }
0x53: {  	s12 =	sadd.s32 $0x2880, s0;
	[sflag:s24] =	ssyncadd.s32 $0xFFFFF000  }
0x54: {  	[spmem:s3] =	stream.indirect.scatter.add.bf16 [tilespmem:s18], [sflag:$0x6], $0x20, s12, s16, $0xb8;
	[tilespmem:$0x13000] =	vst v63  }
0x55: {  	_ =	swait.ge [sflag:s25], $0x1000  }
0x56: {  	[sflag:s25] =	ssyncset.done $0x0  }
0x57: {  	s12 =	sadd.s32 $0x2900, s0;
	[sflag:s25] =	ssyncadd.s32 $0xFFFFF000  }
0x58: {  	[spmem:s3] =	stream.indirect.scatter.add.bf16 [tilespmem:s20], [sflag:$0x7], $0x20, s12, s16, $0xb8;
	[tilespmem:$0x13000] =	vst v63  }
0x59: {  	_ =	swait.ge [sflag:s26], $0x1000  }
0x5a: {  	[sflag:s26] =	ssyncset.done $0x0  }
0x5b: {  	s12 =	sadd.s32 $0x2980, s0;
	[sflag:s26] =	ssyncadd.s32 $0xFFFFF000  }
0x5c: {  	[spmem:s3] =	stream.indirect.scatter.add.bf16 [tilespmem:s22], [sflag:$0x8], $0x20, s12, s16, $0xb8;
	[tilespmem:$0x13000] =	vst v63  }
0x5d: {  	_ =	swait.ge [sflag:s28], $0x1000  }
0x5e: {  	[sflag:s28] =	ssyncset.done $0x0  }
0x5f: {  	s12 =	sadd.s32 $0x200, s0;
	[sflag:s28] =	ssyncadd.s32 $0xFFFFF000  }
0x60: {  	[tilespmem:s17], [sflag:$0x1] =	stream.indirect.gather [spmem:s2], $0x20, s12, s16, $0xb8;
	[tilespmem:$0x13000] =	vst v63  }
0x61: {  	_ =	swait.ge [sflag:s29], $0x1000  }
0x62: {  	[sflag:s29] =	ssyncset.done $0x0  }
0x63: {  	s12 =	sadd.s32 $0x280, s0;
	[sflag:s29] =	ssyncadd.s32 $0xFFFFF000  }
0x64: {  	[tilespmem:s18], [sflag:$0x2] =	stream.indirect.gather [spmem:s2], $0x20, s12, s16, $0xb8;
	[tilespmem:$0x13000] =	vst v63  }
0x65: {  	_ =	swait.ge [sflag:s30], $0x1000  }
0x66: {  	[sflag:s30] =	ssyncset.done $0x0  }
.Ltmp0:
0x67: {  	s12 =	sadd.s32 $0x300, s0;
	[sflag:s30] =	ssyncadd.s32 $0xFFFFF000;
	(pc) =	sbr.rel @p0 .LBB2_2-.Ltmp0, $4  }
0x68: {  	[tilespmem:s20], [sflag:$0x3] =	stream.indirect.gather [spmem:s2], $0x20, s12, s16, $0xb8;
	[tilespmem:$0x13000] =	vst v63  }
0x69: {  	_ =	swait.ge [sflag:s31], $0x1000  }
0x6a: {  	[sflag:s31] =	ssyncset.done $0x0  }
0x6b: {  	s0 =	sadd.s32 $0x380, s0;
	[sflag:s31] =	ssyncadd.s32 $0xFFFFF000  }
0x6c: {  	[tilespmem:s22], [sflag:$0x4] =	stream.indirect.gather [spmem:s2], $0x20, s0, s16, $0xb8;
	[tilespmem:$0x13000] =	vst v63  }
0x6d: {  	_ =	swait.ge [sflag:s23], $0x1000  }
0x6e: {  	[sflag:s23] =	ssyncset.done $0x0  }
0x6f: {  	s12 =	simm.s32 $0x4E00;
	[sflag:s23] =	ssyncadd.s32 $0xFFFFF000  }
0x70: {  	[spmem:s3] =	stream.indirect.scatter.add.bf16 [tilespmem:s17], [sflag:$0x5], $0x20, s12, s16, $0xb8;
	[tilespmem:$0x13000] =	vst v63  }
0x71: {  	_ =	swait.ge [sflag:s24], $0x1000  }
0x72: {  	[sflag:s24] =	ssyncset.done $0x0  }
0x73: {  	s1 =	simm.s32 $0x4E80;
	[sflag:s24] =	ssyncadd.s32 $0xFFFFF000  }
0x74: {  	[spmem:s3] =	stream.indirect.scatter.add.bf16 [tilespmem:s18], [sflag:$0x6], $0x20, s1, s16, $0xb8;
	[tilespmem:$0x13000] =	vst v63  }
0x75: {  	_ =	swait.ge [sflag:s25], $0x1000  }
0x76: {  	[sflag:s25] =	ssyncset.done $0x0  }
0x77: {  	s12 =	simm.s32 $0x4F00;
	[sflag:s25] =	ssyncadd.s32 $0xFFFFF000  }
0x78: {  	[spmem:s3] =	stream.indirect.scatter.add.bf16 [tilespmem:s20], [sflag:$0x7], $0x20, s12, s16, $0xb8;
	[tilespmem:$0x13000] =	vst v63  }
0x79: {  	_ =	swait.ge [sflag:s26], $0x1000  }
0x7a: {  	[sflag:s26] =	ssyncset.done $0x0  }
0x7b: {  	[sflag:s26] =	ssyncadd.s32 $0xFFFFF000  }
0x7c: {  	[spmem:s3] =	stream.indirect.scatter.add.bf16 [tilespmem:s22], [sflag:$0x8], $0x20, s19, s16, $0xb8;
	[tilespmem:$0x13000] =	vst v63  }
0x7d: {  	_ =	swait.ge [sflag:s28], $0x1000  }
0x7e: {  	[sflag:s28] =	ssyncset.done $0x0  }
0x7f: {  	[sflag:s28] =	ssyncadd.s32 $0xFFFFF000  }
0x80: {  	_ =	swait.ge [sflag:s29], $0x1000  }
0x81: {  	[sflag:s29] =	ssyncset.done $0x0  }
0x82: {  	[sflag:s29] =	ssyncadd.s32 $0xFFFFF000  }
0x83: {  	_ =	swait.ge [sflag:s30], $0x1000  }
0x84: {  	[sflag:s30] =	ssyncset.done $0x0  }
0x85: {  	[sflag:s30] =	ssyncadd.s32 $0xFFFFF000  }
0x86: {  	_ =	swait.ge [sflag:s31], $0x1000  }
0x87: {  	s21 =	sadd.s32 $0x1, s21;
	[sflag:s31] =	ssyncset.done $0x0  }
0x88: {  	p0 =	sne.s32 s21, s10;
	[sflag:s31] =	ssyncadd.s32 $0xFFFFF000  }
.Ltmp1:
0x89: {  	[bflag:$0x0] =	sbarrier.arrive $0xFFFF;
	(pc) =	sbr.rel @p0 .LBB2_1-.Ltmp1, $4  }
0x8a: {  	[hbm:s9], [sflag:s13] =	dma.local [spmem:s15], $0xA00  }
0x8b: {  	_ =	swait.ge [sflag:s11], $0xA00  }
0x8c: {  	[sflag:s11] =	ssyncset.done $0x0  }
0x8d: {  	[sflag:s11] =	ssyncadd.s32 $0xFFFFF600  }
0x8e: {  	_ =	sfence.sel $0x180000  }
0x8f: {  	[bflag:$0x0] =	sbarrier.arrive $0xFFFF  }
0x90: {  	_ =	strace $0x9000004D  }
0x91: {  	s0 =	stileid.u32;
	[bflag:$0x2] =	sbarrier.arrive $0xFFFF  }
0x92: {  	p0 =	sne.s32 s0, $0x0;
	s0 =	rddreg [dreg:$0x4]  }
0x93: {  	s0 =	sadd.s32 @!p0 $0x100000, s0  }
0x94: {  	[sflag:s0] =	ssyncadd.tile.s32 @!p0 $0x1;
	_ =	shalt  }
.Lfunc_end2:
_tile_overlayer_lowered:
.L_overlay_start_2:
0x95: {  	(tag) =	ssettag $0x2  }
0x96: {  	s0 =	rddreg [dreg:$0x0];
	s2 =	stileid.u32  }
0x97: {  	s1 =	rddreg [dreg:$0x1];
	p0 =	sne.s32 s2, $0x0  }
0x98: {  	s3 =	rddreg [dreg:$0x2];
	[bflag:$0x3] =	sbarrier.arrive $0xFFFF;
	s2 =	simm.s32 @!p0 $0x1C09  }
0x99: {  	[timem:s3], [sflag:s2] =	dma.local @!p0 [hbm:s0], s1  }
0x9a: {  	s0 =	simm.s32 @!p0 $0x9  }
0x9b: {  	_ =	swait.ge @!p0 [sflag:s0], s1  }
0x9c: {  	s1 =	ssub.s32 @!p0 $0x0, s1;
	[sflag:s0] =	ssyncset.done @!p0 $0x0  }
0x9d: {  	[sflag:s0] =	ssyncadd.s32 @!p0 s1  }
0x9e: {  	[bflag:$0x3] =	sbarrier.arrive $0xFFFF  }
0x9f: {  	_ =	shalt  }

// kernel: kernel.8.cloned.1.call-start
scs
__scs_entry_jumppad:
0x0: {  	(pc) =	sbr.rel $0x88, $3  }
0x1: {  	(tag) =	ssettag $0x0;
	lr =	simm.s32 $0x1  }
0x2: {  	[smem:$0x3F9B] =	sst lr;
	_ =	strace $0xD0000000  }
0x3: {  	_ = 	snop  }
0x4: {  	_ = 	snop  }
0x5: {  	_ = 	snop  }
0x6: {  	_ = 	snop  }
0x7: {  	_ = 	snop  }
__scs_overlays_trampoline_lowered:
0x8: {  	[smem:$0x3FAA] =	sst s0  }
0x9: {  	[smem:$0x3FAB] =	sst s1  }
0xa: {  	[smem:$0x3FAC] =	sst s2  }
0xb: {  	[smem:$0x3FAD] =	sst s3  }
0xc: {  	[smem:$0x3FAE] =	sst s4  }
0xd: {  	[smem:$0x3FAF] =	sst s5  }
0xe: {  	[smem:$0x3FB0] =	sst s6  }
0xf: {  	[smem:$0x3FB1] =	sst s7  }
0x10: {  	[smem:$0x3FB2] =	sst s8  }
0x11: {  	[smem:$0x3FB3] =	sst s9;
	s0 =	simm.s32 @!p0 $0x0  }
0x12: {  	s1 =	sld [smem:$0x3F99];
	s0 =	simm.s32 @p0 $0x1  }
0x13: {  	[smem:$0x3FB4] =	sst s0;
	s0 =	simm.s32 @!p1 $0x0  }
0x14: {  	s2 =	sld [smem:$0x3F98];
	s0 =	simm.s32 @p1 $0x1  }
0x15: {  	[smem:$0x3FB5] =	sst s0;
	s0 =	simm.s32 @!p2 $0x0  }
0x16: {  	s3 =	sld [smem:$0x3FDB];
	s0 =	simm.s32 @p2 $0x1  }
0x17: {  	s4 =	simm.s32 $0x1BF5;
	[smem:$0x3FB7] =	sst s0  }
0x18: {  	s0 =	sld [smem:$0x3F9A];
	_ =	swait.ge [sflag:s4], $0x0  }
0x19: {  	s7 =	sld [smem:$0x3F9B]  }
0x1a: {  	s8 =	sadd.s32 $0xFFFFE003, lr  }
0x1b: {  	s9 =	sadd.s32 $0xFFFFFEF7, lr;
	s5 =	simm.s32 $0xFFFFFFFF;
	p2 =	slt.u32 s8, $0xFFFFF086  }
0x1c: {  	p1 =	slt.u32 s9, $0xF7A;
	s5 =	simm.s32 @!p2 $0x0  }
0x1d: {  	s5 =	simm.s32 @p1 $0x1;
	p0 =	seq.s32 s7, s2  }
0x1e: {  	s7 =	smul.u32 @!p0 $0xF7A, s2;
	p2 =	seq.s32 @!p0 s5, $0x0  }
0x1f: {  	s9 =	smul.u32 $0xF7A, s1;
	s8 =	simm.s32 @!p0 $0x1BF5;
	p2 =	por !p2, p0  }
0x20: {  	[sflag:s8] =	ssyncset.s32 @!p0 $0xFFFFF086;
	s6 =	sadd.s32 @!p0 s3, s7;
	s7 =	simm.s32 @!p0 $0x108  }
0x21: {  	s3 =	sadd.s32 s3, s9;
	s6 =	sadd.s32 @!p0 $0x88, s6;
	s7 =	simm.s32 @p2 $0x1082  }
0x22: {  	[simem:s7], [sflag:s8] =	dma.local @!p0 [hbm:s6], $0xF7A  }
0x23: {  	s9 =	sor.u32 $0xD0000000, s2;
	s6 =	simm.s32 $0x108;
	_ =	swait.ge @!p0 [sflag:s8], $0x0  }
0x24: {  	s3 =	sadd.s32 $0x88, s3;
	s6 =	simm.s32 @!p1 $0x1082;
	[sflag:s4] =	ssyncset.s32 $0xFFFFF086  }
0x25: {  	[simem:s6], [sflag:s4] =	dma.local [hbm:s3], $0xF7A  }
0x26: {  	[smem:$0x3F9B] =	sst s1;
	(tag) =	ssettag s2;
	_ =	strace s9  }
0x27: {  	s1 =	sld [smem:$0x3FAB]  }
0x28: {  	s2 =	sld [smem:$0x3FAC]  }
0x29: {  	s4 =	sld [smem:$0x3FAE]  }
0x2a: {  	p0 =	seq.s32 s5, $0x0;
	s5 =	sld [smem:$0x3FAF]  }
0x2b: {  	s6 =	sld [smem:$0x3FB0]  }
0x2c: {  	s7 =	sld [smem:$0x3FB1]  }
0x2d: {  	s3 =	simm.s32 $0x108;
	s8 =	sld [smem:$0x3FB2]  }
0x2e: {  	s3 =	simm.s32 @!p0 $0x1082;
	s9 =	sld [smem:$0x3FB3]  }
0x2f: {  	lr =	sadd.s32 s0, s3;
	s0 =	sld [smem:$0x3FAA]  }
0x30: {  	s3 =	sld [smem:$0x3FAD]  }
0x31: {  	[smem:$0x3FB6] =	sst s10  }
0x32: {  	s10 =	sld [smem:$0x3FB4];
	_ =	sdelay $0x3  }
0x33: {  	p0 =	seq.s32 s10, $0x1;
	s10 =	sld [smem:$0x3FB6];
	_ =	sdelay $0x3  }
0x34: {  	[smem:$0x3FB6] =	sst s10  }
0x35: {  	s10 =	sld [smem:$0x3FB5];
	_ =	sdelay $0x3  }
0x36: {  	p1 =	seq.s32 s10, $0x1;
	s10 =	sld [smem:$0x3FB6];
	_ =	sdelay $0x3  }
0x37: {  	[smem:$0x3FB6] =	sst s10  }
0x38: {  	s10 =	sld [smem:$0x3FB7]  }
0x39: {  	_ = 	snop;
	(pc) =	sbr.ind lr, $3  }
0x3a: {  	_ = 	snop  }
0x3b: {  	_ = 	snop  }
0x3c: {  	p2 =	seq.s32 s10, $0x1;
	s10 =	sld [smem:$0x3FB6]  }
0x3d: {  	_ =	shalt  }
0x3e: {  	_ =	shalt  }
0x3f: {  	_ =	shalt  }
0x40: {  	_ =	shalt  }
0x41: {  	_ =	shalt  }
0x42: {  	_ =	shalt  }
0x43: {  	_ =	shalt  }
0x44: {  	_ =	shalt  }
0x45: {  	_ =	shalt  }
0x46: {  	_ =	shalt  }
0x47: {  	_ =	shalt  }
0x48: {  	_ =	shalt  }
0x49: {  	_ =	shalt  }
0x4a: {  	_ =	shalt  }
0x4b: {  	_ =	shalt  }
0x4c: {  	_ =	shalt  }
0x4d: {  	_ =	shalt  }
0x4e: {  	_ =	shalt  }
0x4f: {  	_ =	shalt  }
0x50: {  	_ =	shalt  }
0x51: {  	_ =	shalt  }
0x52: {  	_ =	shalt  }
0x53: {  	_ =	shalt  }
0x54: {  	_ =	shalt  }
0x55: {  	_ =	shalt  }
0x56: {  	_ =	shalt  }
0x57: {  	_ =	shalt  }
0x58: {  	_ =	shalt  }
0x59: {  	_ =	shalt  }
0x5a: {  	_ =	shalt  }
0x5b: {  	_ =	shalt  }
0x5c: {  	_ =	shalt  }
0x5d: {  	_ =	shalt  }
0x5e: {  	_ =	shalt  }
0x5f: {  	_ =	shalt  }
0x60: {  	_ =	shalt  }
0x61: {  	_ =	shalt  }
0x62: {  	_ =	shalt  }
0x63: {  	_ =	shalt  }
0x64: {  	_ =	shalt  }
0x65: {  	_ =	shalt  }
0x66: {  	_ =	shalt  }
0x67: {  	_ =	shalt  }
0x68: {  	_ =	shalt  }
0x69: {  	_ =	shalt  }
0x6a: {  	_ =	shalt  }
0x6b: {  	_ =	shalt  }
0x6c: {  	_ =	shalt  }
0x6d: {  	_ =	shalt  }
0x6e: {  	_ =	shalt  }
0x6f: {  	_ =	shalt  }
0x70: {  	_ =	shalt  }
0x71: {  	_ =	shalt  }
0x72: {  	_ =	shalt  }
0x73: {  	_ =	shalt  }
0x74: {  	_ =	shalt  }
0x75: {  	_ =	shalt  }
0x76: {  	_ =	shalt  }
0x77: {  	_ =	shalt  }
0x78: {  	_ =	shalt  }
0x79: {  	_ =	shalt  }
0x7a: {  	_ =	shalt  }
0x7b: {  	_ =	shalt  }
0x7c: {  	_ =	shalt  }
0x7d: {  	_ =	shalt  }
0x7e: {  	_ =	shalt  }
0x7f: {  	_ =	shalt  }
0x80: {  	_ =	shalt  }
0x81: {  	_ =	shalt  }
0x82: {  	_ =	shalt  }
0x83: {  	_ =	shalt  }
0x84: {  	_ =	shalt  }
0x85: {  	_ =	shalt  }
0x86: {  	_ =	shalt  }
0x87: {  	_ =	shalt  }
.Lfunc_end0:
.L_simem_size_0:
called_computation_lowered:
.L_overlay_start_0:
0x88: {  	s2 =	sld [smem:$0x3FD9]  }
0x89: {  	s3 =	sld [smem:$0x3FFE];
	_ =	sdelay $0x1  }
0x8a: {  	s1 =	srdreg.scid  }
0x8b: {  	s0 =	sand.u32 $0x1, s1  }
0x8c: {  	s17 =	sshll.u32 s0, $0xA;
	s2 =	sadd.s32 s3, s2  }
0x8d: {  	s2 =	sadd.s32 s2, s17  }
0x8e: {  	[smem:$0x3FC2] =	sst s2  }
0x8f: {  	_ = 	snop  }
0x90: {  	s2 =	sld [smem:$0x3FD0];
	(tm) =	ssettm $0x1  }
0x91: {  	s18 =	sld [smem:$0x3FFB];
	_ =	sdelay $0x3  }
0x92: {  	_ =	strace s18  }
0x93: {  	s3 =	sld [smem:$0x3FFC];
	_ =	sdelay $0x3  }
0x94: {  	_ =	strace s3  }
0x95: {  	s3 =	sld [smem:$0x3FFD];
	_ =	sdelay $0x3  }
0x96: {  	_ =	strace s3  }
0x97: {  	_ =	strace $0x8FFFFFFF  }
0x98: {  	s19 =	sld [smem:$0x3FDB];
	_ =	sdelay $0x1  }
0x99: {  	s4 =	simm.s32 $_scs_section_size  }
0x9a: {  	s5 =	simm.s32 $_size__tile_overlayer_lowered;
	s6 =	simm.s32 $_tile_overlayer_lowered  }
0x9b: {  	s22 =	simm.s32 $0x1BFF;
	s21 =	sshll.u32 s6, $0x1;
	s3 =	sadd.s32 s4, s19  }
0x9c: {  	s7 =	simm.s32 $0x0;
	s20 =	sshll.u32 s5, $0x1;
	s5 =	sadd.s32 s21, s3  }
0x9d: {  	[timem:s7], [sflag:s22] =	dma.local [hbm:s5], s20  }
0x9e: {  	_ =	swait.ge [sflag:s22], s20  }
0x9f: {  	s4 =	ssub.s32 $0x0, s20;
	[sflag:s22] =	ssyncset.done $0x0  }
0xa0: {  	[sflag:s22] =	ssyncadd.s32 s4;
	_ =	sdelay $0x1  }
0xa1: {  	s23 =	simm.s32 $0x1B8B  }
0xa2: {  	_ =	swait.ge [sflag:s23], $0x1  }
0xa3: {  	[sflag:s23] =	ssyncset.done $0x0  }
0xa4: {  	s25 =	simm.s32 $0x1B8E;
	s24 =	sld [smem:$0x3FFE];
	[sflag:s23] =	ssyncadd.s32 $0xFFFFFFFF  }
0xa5: {  	s26 =	simm.s32 $execute0_lowered;
	[smem:$0x3FD2] =	sst s25  }
0xa6: {  	s5 =	sshll.u32 s26, $0x1;
	_ =	strace $0x80000046;
	[dreg:$0x1] =	wrdreg $0xFFFFFFFF  }
0xa7: {  	s28 =	simm.s32 $_size_execute0_lowered;
	s3 =	sadd.s32 s3, s5;
	[dreg:$0x0] =	wrdreg $0x0  }
0xa8: {  	s5 =	sshll.u32 s28, $0x1;
	[dreg:$0x2] =	wrdreg s3  }
0xa9: {  	[dreg:$0x3] =	wrdreg s5  }
0xaa: {  	[dreg:$0x4] =	wrdreg $0xC0  }
0xab: {  	_ =	task [dreg:s7], $0x5FFFF  }
0xac: {  	[dreg:$0x1] =	wrdreg $0xFFFFFFFF  }
0xad: {  	[dreg:$0x0] =	wrdreg $0x60  }
0xae: {  	[dreg:$0x2] =	wrdreg s2  }
0xaf: {  	[dreg:$0x3] =	wrdreg s24  }
0xb0: {  	[dreg:$0x4] =	wrdreg $0x55000  }
0xb1: {  	[dreg:$0x5] =	wrdreg $0x9  }
0xb2: {  	_ =	task.clear_ibuf [dreg:s7], $0x6FFFF;
	_ =	strace $0x90000046  }
0xb3: {  	s29 =	simm.s32 $0x9;
	_ =	strace $0x80000048  }
0xb4: {  	_ =	swait.ge [sflag:s29], $0x1  }
0xb5: {  	[sflag:s29] =	ssyncadd.s32 $0xFFFFFFFF  }
0xb6: {  	_ =	strace $0x90000048  }
0xb7: {  	_ =	sfence  }
0xb8: {  	s30 =	sld [smem:$0x0];
	_ =	sdelay $0x2  }
0xb9: {  	s31 =	sshll.u32 s1, $0xD;
	s1 =	sshrl.u32 s1, $0x2  }
0xba: {  	s3 =	sand.u32 $0x4000, s31;
	s1 =	sadd.s32 s1, s30  }
0xbb: {  	s0 =	sor.u32 s3, s0;
	s1 =	sshll.u32 s1, $0x11  }
0xbc: {  	s0 =	sor.u32 s1, s0  }
0xbd: {  	s0 =	sadd.s32 $0x8F2B, s0  }
0xbe: {  	[sflag:s0] =	ssyncadd.remote.s32 $0x1  }
0xbf: {  	_ =	sfence.sel $0xFFFF  }
0xc0: {  	[dreg:$0x0] =	wrdreg $0xFFFFFFFF;
	(pc) =	sbr.abs _section_cstart, $3  }
0xc1: {  	[dreg:$0x1] =	wrdreg $0xFFFFFFFF  }
0xc2: {  	_ =	task.clear_ibuf [dreg:s7], $0x2FFFF;
	_ =	strace $0x9FFFFFFF  }
0xc3: {  	(tm) =	ssettm $0x7FFFFFFF  }
tec
execute0_lowered:
.L_overlay_start_1:
0x0: {  	(tag) =	ssettag $0x1  }
0x1: {  	s4 =	rddreg [dreg:$0x0]  }
0x2: {  	s1 =	srdreg.scid;
	s3 =	rddreg [dreg:$0x1]  }
0x3: {  	s0 =	stileid.u32;
	s7 =	rddreg [dreg:$0x2];
	s2 =	simm.s32 $0x0  }
0x4: {  	s23 =	simm.s32 $0x1;
	s24 =	simm.s32 $0x2800;
	s25 =	simm.s32 $0x5000  }
0x5: {  	s26 =	simm.s32 $0x5280;
	s28 =	simm.s32 $0x0;
	s6 =	smul.u32 $0x280, s0  }
0x6: {  	s5 =	sand.u32 $0x1, s1;
	s1 =	rddreg [dreg:$0x3];
	s29 =	smul.u32 $0xA000, s0  }
0x7: {  	[smem:$0x7FF] =	sst s2;
	s9 =	sshll.u32 s0, $0x1;
	s8 =	smul.u32 $0x2800, s5  }
0x8: {  	_ =	strace $0x80000047;
	s10 =	ssub.s32 $0x2, s5;
	s5 =	sor.u32 s5, s9  }
0x9: {  	s30 =	sshrl.u32 s10, $0x1;
	s5 =	smul.u32 $0x500, s5;
	s8 =	sadd.s32 s6, s8  }
0xa: {  	s31 =	sshrl.u32 s29, $0x2;
	s22 =	ssub.s32 s10, s30;
	s8 =	sshrl.u32 s8, $0x3  }
0xb: {  	s4 =	sadd.s32 s4, s5;
	s21 =	sadd.s32 s8, s3;
	s3 =	sadd.s32 s6, s7  }
0xc: {  	s5 =	sadd.s32 s31, s7;
	s22 =	smax.u32 s22, $0x1;
	s6 =	sadd.s32 $0x2800, s3  }
0xd: {  	s7 =	sadd.s32 $0x5000, s3;
	s8 =	sadd.s32 $0x7800, s3;
	s9 =	sadd.s32 $0xA000, s3  }
0xe: {  	s10 =	sadd.s32 $0xC800, s3;
	s11 =	sadd.s32 $0xF000, s3;
	s12 =	sadd.s32 $0x11800, s3  }
0xf: {  	s13 =	sadd.s32 $0x14000, s3;
	s14 =	sadd.s32 $0x16800, s3;
	s15 =	sadd.s32 $0x19000, s3  }
0x10: {  	s16 =	sadd.s32 $0x1B800, s3;
	s17 =	sadd.s32 $0x1E000, s3;
	s18 =	sadd.s32 $0x20800, s3  }
0x11: {  	v0 =	vimm.f32 $0.0e+00;
	v1 =	vimm.f32 $1.000000000e+00;
	s19 =	sadd.s32 $0x23000, s3;
	s20 =	sadd.s32 $0x25800, s3;
	s21 =	sadd.s32 $0x2200, s21  }
.LBB2_1:
0x12: {  	s29 =	simm.s32 $0x40;
	s30 =	simm.s32 $0x0  }
.LBB2_2:
0x13: {  	p0 =	sne.s32 s29, $0x9FC0;
	[tilespmem:s30+$0x2800] =	vst v0;
	s30 =	smov.u32 s29;
	s29 =	sadd.s32 $0x40, s29  }
.Ltmp0:
0x14: {  	(pc) =	sbr.rel @p0 .LBB2_2-.Ltmp0, $2  }
0x15: {  	_ =	sdelay $0x2  }
0x16: {  	s30 =	sshra.s32 s30, $0x2  }
0x17: {  	[tilespmem:s30+$0x2800] =	vst v0;
	s29 =	simm.s32 $0x0  }
0x18: {  	[tilespmem:s29], [sflag:$0x1] =	stream.linear.gather [hbm4b:s4+s29], $0x2800, $0x38;
	[tilespmem:$0x7D00] =	vst v63  }
0x19: {  	_ =	swait.ge [sflag:s23], $0x2800  }
0x1a: {  	[sflag:s23] =	ssyncset.done $0x0  }
0x1b: {  	s30 =	simm.s32 $0x0;
	s29 =	simm.s32 $0x40;
	[sflag:s23] =	ssyncadd.s32 $0xFFFFD800  }
.LBB2_4:
0x1c: {  	p0 =	sne.s32 s29, $0x9FC0;
	v2 =	vld [tilespmem:s30+$0x0];
	_ =	sdelay $0x3  }
.Ltmp1:
0x1d: {  	(pc) =	sbr.rel @p0 .LBB2_4-.Ltmp1, $2  }
0x1e: {  	_ =	sdelay $0x2  }
0x1f: {  	s30 =	sshra.s32 s29, $0x2;
	s29 =	sadd.s32 $0x40, s29;
	[tilespmem:v2+s24+$0x0] =	vst.idx.add.f32.msk $0xffff, v1  }
0x20: {  	v2 =	vld [tilespmem:s30+$0x0];
	_ =	sdelay $0x7  }
0x21: {  	[tilespmem:v2+s24+$0x0] =	vst.idx.add.f32.msk $0xffff, v1  }
0x22: {  	[spmem:s5] =	stream.linear.scatter [tilespmem:s24], [sflag:$0x1], $0x2800, $0x38;
	[tilespmem:$0x7D00] =	vst v63  }
0x23: {  	_ =	swait.ge [sflag:s23], $0x2800  }
0x24: {  	[sflag:s23] =	ssyncset.done $0x0  }
0x25: {  	[sflag:s23] =	ssyncadd.s32 $0xFFFFD800  }
0x26: {  	[bflag:$0x0] =	sbarrier.arrive $0xFFFF  }
0x27: {  	[tilespmem:$0x5280] =	vst v0  }
0x28: {  	[tilespmem:$0x5290] =	vst v0  }
0x29: {  	[tilespmem:$0x52A0] =	vst v0  }
0x2a: {  	[tilespmem:$0x52B0] =	vst v0  }
0x2b: {  	[tilespmem:$0x52C0] =	vst v0  }
0x2c: {  	[tilespmem:$0x52D0] =	vst v0  }
0x2d: {  	[tilespmem:$0x52E0] =	vst v0  }
0x2e: {  	[tilespmem:$0x52F0] =	vst v0  }
0x2f: {  	[tilespmem:$0x5300] =	vst v0  }
0x30: {  	[tilespmem:$0x5310] =	vst v0  }
0x31: {  	[tilespmem:$0x5320] =	vst v0  }
0x32: {  	[tilespmem:$0x5330] =	vst v0  }
0x33: {  	[tilespmem:$0x5340] =	vst v0  }
0x34: {  	[tilespmem:$0x5350] =	vst v0  }
0x35: {  	[tilespmem:$0x5360] =	vst v0  }
0x36: {  	[tilespmem:$0x5370] =	vst v0  }
0x37: {  	[tilespmem:$0x5380] =	vst v0  }
0x38: {  	[tilespmem:$0x5390] =	vst v0  }
0x39: {  	[tilespmem:$0x53A0] =	vst v0  }
0x3a: {  	[tilespmem:$0x53B0] =	vst v0  }
0x3b: {  	[tilespmem:$0x53C0] =	vst v0  }
0x3c: {  	[tilespmem:$0x53D0] =	vst v0  }
0x3d: {  	[tilespmem:$0x53E0] =	vst v0  }
0x3e: {  	[tilespmem:$0x53F0] =	vst v0  }
0x3f: {  	[tilespmem:$0x5400] =	vst v0  }
0x40: {  	[tilespmem:$0x5410] =	vst v0  }
0x41: {  	[tilespmem:$0x5420] =	vst v0  }
0x42: {  	[tilespmem:$0x5430] =	vst v0  }
0x43: {  	[tilespmem:$0x5440] =	vst v0  }
0x44: {  	[tilespmem:$0x5450] =	vst v0  }
0x45: {  	[tilespmem:$0x5460] =	vst v0  }
0x46: {  	[tilespmem:$0x5470] =	vst v0  }
0x47: {  	[tilespmem:$0x5480] =	vst v0  }
0x48: {  	[tilespmem:$0x5490] =	vst v0  }
0x49: {  	[tilespmem:$0x54A0] =	vst v0  }
0x4a: {  	[tilespmem:$0x54B0] =	vst v0  }
0x4b: {  	[tilespmem:$0x54C0] =	vst v0  }
0x4c: {  	[tilespmem:$0x54D0] =	vst v0  }
0x4d: {  	[tilespmem:$0x54E0] =	vst v0  }
0x4e: {  	[tilespmem:$0x54F0] =	vst v0  }
0x4f: {  	[tilespmem:s25], [sflag:$0x1] =	stream.linear.gather [spmem:s3], $0x280, $0x38;
	[tilespmem:$0x7D00] =	vst v63  }
0x50: {  	_ =	swait.ge [sflag:s23], $0x280  }
0x51: {  	[sflag:s23] =	ssyncset.done $0x0  }
0x52: {  	s29 =	simm.s32 $0x0;
	[sflag:s23] =	ssyncadd.s32 $0xFFFFFD80  }
0x53: {  	s30 =	simm.s32 $0x40;
	v2 =	vld [tilespmem:s29+$0x5000]  }
.LBB2_6:
0x54: {  	p0 =	sne.s32 s30, $0x9C0;
	v3 =	vld [tilespmem:s29+$0x5280];
	_ =	sdelay $0x2  }
.Ltmp2:
0x55: {  	(pc) =	sbr.rel @p0 .LBB2_6-.Ltmp2, $4  }
0x56: {  	_ = 	snop  }
0x57: {  	v3 =	vadd.f32 v2, v3  }
0x58: {  	s31 =	sshra.s32 s30, $0x2  }
0x59: {  	s30 =	sadd.s32 $0x40, s30;
	v2 =	vld [tilespmem:s31+$0x5000];
	[tilespmem:s29+$0x5280] =	vst v3;
	s29 =	smov.u32 s31  }
0x5a: {  	v3 =	vld [tilespmem:s29+$0x5280];
	_ =	sdelay $0x4  }
0x5b: {  	v2 =	vadd.f32 v2, v3;
	_ =	sdelay $0x1  }
0x5c: {  	[tilespmem:s29+$0x5280] =	vst v2  }
0x5d: {  	[tilespmem:s25], [sflag:$0x1] =	stream.linear.gather [spmem:s6], $0x280, $0x38;
	[tilespmem:$0x7D00] =	vst v63  }
0x5e: {  	_ =	swait.ge [sflag:s23], $0x280  }
0x5f: {  	[sflag:s23] =	ssyncset.done $0x0  }
0x60: {  	s29 =	simm.s32 $0x0;
	[sflag:s23] =	ssyncadd.s32 $0xFFFFFD80  }
0x61: {  	s30 =	simm.s32 $0x40;
	v2 =	vld [tilespmem:s29+$0x5000]  }
.LBB2_8:
0x62: {  	p0 =	sne.s32 s30, $0x9C0;
	v3 =	vld [tilespmem:s29+$0x5280];
	_ =	sdelay $0x2  }
.Ltmp3:
0x63: {  	(pc) =	sbr.rel @p0 .LBB2_8-.Ltmp3, $4  }
0x64: {  	_ = 	snop  }
0x65: {  	v3 =	vadd.f32 v2, v3  }
0x66: {  	s31 =	sshra.s32 s30, $0x2  }
0x67: {  	s30 =	sadd.s32 $0x40, s30;
	v2 =	vld [tilespmem:s31+$0x5000];
	[tilespmem:s29+$0x5280] =	vst v3;
	s29 =	smov.u32 s31  }
0x68: {  	v3 =	vld [tilespmem:s29+$0x5280];
	_ =	sdelay $0x4  }
0x69: {  	v2 =	vadd.f32 v2, v3;
	_ =	sdelay $0x1  }
0x6a: {  	[tilespmem:s29+$0x5280] =	vst v2  }
0x6b: {  	[tilespmem:s25], [sflag:$0x1] =	stream.linear.gather [spmem:s7], $0x280, $0x38;
	[tilespmem:$0x7D00] =	vst v63  }
0x6c: {  	_ =	swait.ge [sflag:s23], $0x280  }
0x6d: {  	[sflag:s23] =	ssyncset.done $0x0  }
0x6e: {  	s29 =	simm.s32 $0x0;
	[sflag:s23] =	ssyncadd.s32 $0xFFFFFD80  }
0x6f: {  	s30 =	simm.s32 $0x40;
	v2 =	vld [tilespmem:s29+$0x5000]  }
.LBB2_10:
0x70: {  	p0 =	sne.s32 s30, $0x9C0;
	v3 =	vld [tilespmem:s29+$0x5280];
	_ =	sdelay $0x2  }
.Ltmp4:
0x71: {  	(pc) =	sbr.rel @p0 .LBB2_10-.Ltmp4, $4  }
0x72: {  	_ = 	snop  }
0x73: {  	v3 =	vadd.f32 v2, v3  }
0x74: {  	s31 =	sshra.s32 s30, $0x2  }
0x75: {  	s30 =	sadd.s32 $0x40, s30;
	v2 =	vld [tilespmem:s31+$0x5000];
	[tilespmem:s29+$0x5280] =	vst v3;
	s29 =	smov.u32 s31  }
0x76: {  	v3 =	vld [tilespmem:s29+$0x5280];
	_ =	sdelay $0x4  }
0x77: {  	v2 =	vadd.f32 v2, v3;
	_ =	sdelay $0x1  }
0x78: {  	[tilespmem:s29+$0x5280] =	vst v2  }
0x79: {  	[tilespmem:s25], [sflag:$0x1] =	stream.linear.gather [spmem:s8], $0x280, $0x38;
	[tilespmem:$0x7D00] =	vst v63  }
0x7a: {  	_ =	swait.ge [sflag:s23], $0x280  }
0x7b: {  	[sflag:s23] =	ssyncset.done $0x0  }
0x7c: {  	s29 =	simm.s32 $0x0;
	[sflag:s23] =	ssyncadd.s32 $0xFFFFFD80  }
0x7d: {  	s30 =	simm.s32 $0x40;
	v2 =	vld [tilespmem:s29+$0x5000]  }
.LBB2_12:
0x7e: {  	p0 =	sne.s32 s30, $0x9C0;
	v3 =	vld [tilespmem:s29+$0x5280];
	_ =	sdelay $0x2  }
.Ltmp5:
0x7f: {  	(pc) =	sbr.rel @p0 .LBB2_12-.Ltmp5, $4  }
0x80: {  	_ = 	snop  }
0x81: {  	v3 =	vadd.f32 v2, v3  }
0x82: {  	s31 =	sshra.s32 s30, $0x2  }
0x83: {  	s30 =	sadd.s32 $0x40, s30;
	v2 =	vld [tilespmem:s31+$0x5000];
	[tilespmem:s29+$0x5280] =	vst v3;
	s29 =	smov.u32 s31  }
0x84: {  	v3 =	vld [tilespmem:s29+$0x5280];
	_ =	sdelay $0x4  }
0x85: {  	v2 =	vadd.f32 v2, v3;
	_ =	sdelay $0x1  }
0x86: {  	[tilespmem:s29+$0x5280] =	vst v2  }
0x87: {  	[tilespmem:s25], [sflag:$0x1] =	stream.linear.gather [spmem:s9], $0x280, $0x38;
	[tilespmem:$0x7D00] =	vst v63  }
0x88: {  	_ =	swait.ge [sflag:s23], $0x280  }
0x89: {  	[sflag:s23] =	ssyncset.done $0x0  }
0x8a: {  	s29 =	simm.s32 $0x0;
	[sflag:s23] =	ssyncadd.s32 $0xFFFFFD80  }
0x8b: {  	s30 =	simm.s32 $0x40;
	v2 =	vld [tilespmem:s29+$0x5000]  }
.LBB2_14:
0x8c: {  	p0 =	sne.s32 s30, $0x9C0;
	v3 =	vld [tilespmem:s29+$0x5280];
	_ =	sdelay $0x2  }
.Ltmp6:
0x8d: {  	(pc) =	sbr.rel @p0 .LBB2_14-.Ltmp6, $4  }
0x8e: {  	_ = 	snop  }
0x8f: {  	v3 =	vadd.f32 v2, v3  }
0x90: {  	s31 =	sshra.s32 s30, $0x2  }
0x91: {  	s30 =	sadd.s32 $0x40, s30;
	v2 =	vld [tilespmem:s31+$0x5000];
	[tilespmem:s29+$0x5280] =	vst v3;
	s29 =	smov.u32 s31  }
0x92: {  	v3 =	vld [tilespmem:s29+$0x5280];
	_ =	sdelay $0x4  }
0x93: {  	v2 =	vadd.f32 v2, v3;
	_ =	sdelay $0x1  }
0x94: {  	[tilespmem:s29+$0x5280] =	vst v2  }
0x95: {  	[tilespmem:s25], [sflag:$0x1] =	stream.linear.gather [spmem:s10], $0x280, $0x38;
	[tilespmem:$0x7D00] =	vst v63  }
0x96: {  	_ =	swait.ge [sflag:s23], $0x280  }
0x97: {  	[sflag:s23] =	ssyncset.done $0x0  }
0x98: {  	s29 =	simm.s32 $0x0;
	[sflag:s23] =	ssyncadd.s32 $0xFFFFFD80  }
0x99: {  	s30 =	simm.s32 $0x40;
	v2 =	vld [tilespmem:s29+$0x5000]  }
.LBB2_16:
0x9a: {  	p0 =	sne.s32 s30, $0x9C0;
	v3 =	vld [tilespmem:s29+$0x5280];
	_ =	sdelay $0x2  }
.Ltmp7:
0x9b: {  	(pc) =	sbr.rel @p0 .LBB2_16-.Ltmp7, $4  }
0x9c: {  	_ = 	snop  }
0x9d: {  	v3 =	vadd.f32 v2, v3  }
0x9e: {  	s31 =	sshra.s32 s30, $0x2  }
0x9f: {  	s30 =	sadd.s32 $0x40, s30;
	v2 =	vld [tilespmem:s31+$0x5000];
	[tilespmem:s29+$0x5280] =	vst v3;
	s29 =	smov.u32 s31  }
0xa0: {  	v3 =	vld [tilespmem:s29+$0x5280];
	_ =	sdelay $0x4  }
0xa1: {  	v2 =	vadd.f32 v2, v3;
	_ =	sdelay $0x1  }
0xa2: {  	[tilespmem:s29+$0x5280] =	vst v2  }
0xa3: {  	[tilespmem:s25], [sflag:$0x1] =	stream.linear.gather [spmem:s11], $0x280, $0x38;
	[tilespmem:$0x7D00] =	vst v63  }
0xa4: {  	_ =	swait.ge [sflag:s23], $0x280  }
0xa5: {  	[sflag:s23] =	ssyncset.done $0x0  }
0xa6: {  	s29 =	simm.s32 $0x0;
	[sflag:s23] =	ssyncadd.s32 $0xFFFFFD80  }
0xa7: {  	s30 =	simm.s32 $0x40;
	v2 =	vld [tilespmem:s29+$0x5000]  }
.LBB2_18:
0xa8: {  	p0 =	sne.s32 s30, $0x9C0;
	v3 =	vld [tilespmem:s29+$0x5280];
	_ =	sdelay $0x2  }
.Ltmp8:
0xa9: {  	(pc) =	sbr.rel @p0 .LBB2_18-.Ltmp8, $4  }
0xaa: {  	_ = 	snop  }
0xab: {  	v3 =	vadd.f32 v2, v3  }
0xac: {  	s31 =	sshra.s32 s30, $0x2  }
0xad: {  	s30 =	sadd.s32 $0x40, s30;
	v2 =	vld [tilespmem:s31+$0x5000];
	[tilespmem:s29+$0x5280] =	vst v3;
	s29 =	smov.u32 s31  }
0xae: {  	v3 =	vld [tilespmem:s29+$0x5280];
	_ =	sdelay $0x4  }
0xaf: {  	v2 =	vadd.f32 v2, v3;
	_ =	sdelay $0x1  }
0xb0: {  	[tilespmem:s29+$0x5280] =	vst v2  }
0xb1: {  	[tilespmem:s25], [sflag:$0x1] =	stream.linear.gather [spmem:s12], $0x280, $0x38;
	[tilespmem:$0x7D00] =	vst v63  }
0xb2: {  	_ =	swait.ge [sflag:s23], $0x280  }
0xb3: {  	[sflag:s23] =	ssyncset.done $0x0  }
0xb4: {  	s29 =	simm.s32 $0x0;
	[sflag:s23] =	ssyncadd.s32 $0xFFFFFD80  }
0xb5: {  	s30 =	simm.s32 $0x40;
	v2 =	vld [tilespmem:s29+$0x5000]  }
.LBB2_20:
0xb6: {  	p0 =	sne.s32 s30, $0x9C0;
	v3 =	vld [tilespmem:s29+$0x5280];
	_ =	sdelay $0x2  }
.Ltmp9:
0xb7: {  	(pc) =	sbr.rel @p0 .LBB2_20-.Ltmp9, $4  }
0xb8: {  	_ = 	snop  }
0xb9: {  	v3 =	vadd.f32 v2, v3  }
0xba: {  	s31 =	sshra.s32 s30, $0x2  }
0xbb: {  	s30 =	sadd.s32 $0x40, s30;
	v2 =	vld [tilespmem:s31+$0x5000];
	[tilespmem:s29+$0x5280] =	vst v3;
	s29 =	smov.u32 s31  }
0xbc: {  	v3 =	vld [tilespmem:s29+$0x5280];
	_ =	sdelay $0x4  }
0xbd: {  	v2 =	vadd.f32 v2, v3;
	_ =	sdelay $0x1  }
0xbe: {  	[tilespmem:s29+$0x5280] =	vst v2  }
0xbf: {  	[tilespmem:s25], [sflag:$0x1] =	stream.linear.gather [spmem:s13], $0x280, $0x38;
	[tilespmem:$0x7D00] =	vst v63  }
0xc0: {  	_ =	swait.ge [sflag:s23], $0x280  }
0xc1: {  	[sflag:s23] =	ssyncset.done $0x0  }
0xc2: {  	s29 =	simm.s32 $0x0;
	[sflag:s23] =	ssyncadd.s32 $0xFFFFFD80  }
0xc3: {  	s30 =	simm.s32 $0x40;
	v2 =	vld [tilespmem:s29+$0x5000]  }
.LBB2_22:
0xc4: {  	p0 =	sne.s32 s30, $0x9C0;
	v3 =	vld [tilespmem:s29+$0x5280];
	_ =	sdelay $0x2  }
.Ltmp10:
0xc5: {  	(pc) =	sbr.rel @p0 .LBB2_22-.Ltmp10, $4  }
0xc6: {  	_ = 	snop  }
0xc7: {  	v3 =	vadd.f32 v2, v3  }
0xc8: {  	s31 =	sshra.s32 s30, $0x2  }
0xc9: {  	s30 =	sadd.s32 $0x40, s30;
	v2 =	vld [tilespmem:s31+$0x5000];
	[tilespmem:s29+$0x5280] =	vst v3;
	s29 =	smov.u32 s31  }
0xca: {  	v3 =	vld [tilespmem:s29+$0x5280];
	_ =	sdelay $0x4  }
0xcb: {  	v2 =	vadd.f32 v2, v3;
	_ =	sdelay $0x1  }
0xcc: {  	[tilespmem:s29+$0x5280] =	vst v2  }
0xcd: {  	[tilespmem:s25], [sflag:$0x1] =	stream.linear.gather [spmem:s14], $0x280, $0x38;
	[tilespmem:$0x7D00] =	vst v63  }
0xce: {  	_ =	swait.ge [sflag:s23], $0x280  }
0xcf: {  	[sflag:s23] =	ssyncset.done $0x0  }
0xd0: {  	s29 =	simm.s32 $0x0;
	[sflag:s23] =	ssyncadd.s32 $0xFFFFFD80  }
0xd1: {  	s30 =	simm.s32 $0x40;
	v2 =	vld [tilespmem:s29+$0x5000]  }
.LBB2_24:
0xd2: {  	p0 =	sne.s32 s30, $0x9C0;
	v3 =	vld [tilespmem:s29+$0x5280];
	_ =	sdelay $0x2  }
.Ltmp11:
0xd3: {  	(pc) =	sbr.rel @p0 .LBB2_24-.Ltmp11, $4  }
0xd4: {  	_ = 	snop  }
0xd5: {  	v3 =	vadd.f32 v2, v3  }
0xd6: {  	s31 =	sshra.s32 s30, $0x2  }
0xd7: {  	s30 =	sadd.s32 $0x40, s30;
	v2 =	vld [tilespmem:s31+$0x5000];
	[tilespmem:s29+$0x5280] =	vst v3;
	s29 =	smov.u32 s31  }
0xd8: {  	v3 =	vld [tilespmem:s29+$0x5280];
	_ =	sdelay $0x4  }
0xd9: {  	v2 =	vadd.f32 v2, v3;
	_ =	sdelay $0x1  }
0xda: {  	[tilespmem:s29+$0x5280] =	vst v2  }
0xdb: {  	[tilespmem:s25], [sflag:$0x1] =	stream.linear.gather [spmem:s15], $0x280, $0x38;
	[tilespmem:$0x7D00] =	vst v63  }
0xdc: {  	_ =	swait.ge [sflag:s23], $0x280  }
0xdd: {  	[sflag:s23] =	ssyncset.done $0x0  }
0xde: {  	s29 =	simm.s32 $0x0;
	[sflag:s23] =	ssyncadd.s32 $0xFFFFFD80  }
0xdf: {  	s30 =	simm.s32 $0x40;
	v2 =	vld [tilespmem:s29+$0x5000]  }
.LBB2_26:
0xe0: {  	p0 =	sne.s32 s30, $0x9C0;
	v3 =	vld [tilespmem:s29+$0x5280];
	_ =	sdelay $0x2  }
.Ltmp12:
0xe1: {  	(pc) =	sbr.rel @p0 .LBB2_26-.Ltmp12, $4  }
0xe2: {  	_ = 	snop  }
0xe3: {  	v3 =	vadd.f32 v2, v3  }
0xe4: {  	s31 =	sshra.s32 s30, $0x2  }
0xe5: {  	s30 =	sadd.s32 $0x40, s30;
	v2 =	vld [tilespmem:s31+$0x5000];
	[tilespmem:s29+$0x5280] =	vst v3;
	s29 =	smov.u32 s31  }
0xe6: {  	v3 =	vld [tilespmem:s29+$0x5280];
	_ =	sdelay $0x4  }
0xe7: {  	v2 =	vadd.f32 v2, v3;
	_ =	sdelay $0x1  }
0xe8: {  	[tilespmem:s29+$0x5280] =	vst v2  }
0xe9: {  	[tilespmem:s25], [sflag:$0x1] =	stream.linear.gather [spmem:s16], $0x280, $0x38;
	[tilespmem:$0x7D00] =	vst v63  }
0xea: {  	_ =	swait.ge [sflag:s23], $0x280  }
0xeb: {  	[sflag:s23] =	ssyncset.done $0x0  }
0xec: {  	s29 =	simm.s32 $0x0;
	[sflag:s23] =	ssyncadd.s32 $0xFFFFFD80  }
0xed: {  	s30 =	simm.s32 $0x40;
	v2 =	vld [tilespmem:s29+$0x5000]  }
.LBB2_28:
0xee: {  	p0 =	sne.s32 s30, $0x9C0;
	v3 =	vld [tilespmem:s29+$0x5280];
	_ =	sdelay $0x2  }
.Ltmp13:
0xef: {  	(pc) =	sbr.rel @p0 .LBB2_28-.Ltmp13, $4  }
0xf0: {  	_ = 	snop  }
0xf1: {  	v3 =	vadd.f32 v2, v3  }
0xf2: {  	s31 =	sshra.s32 s30, $0x2  }
0xf3: {  	s30 =	sadd.s32 $0x40, s30;
	v2 =	vld [tilespmem:s31+$0x5000];
	[tilespmem:s29+$0x5280] =	vst v3;
	s29 =	smov.u32 s31  }
0xf4: {  	v3 =	vld [tilespmem:s29+$0x5280];
	_ =	sdelay $0x4  }
0xf5: {  	v2 =	vadd.f32 v2, v3;
	_ =	sdelay $0x1  }
0xf6: {  	[tilespmem:s29+$0x5280] =	vst v2  }
0xf7: {  	[tilespmem:s25], [sflag:$0x1] =	stream.linear.gather [spmem:s17], $0x280, $0x38;
	[tilespmem:$0x7D00] =	vst v63  }
0xf8: {  	_ =	swait.ge [sflag:s23], $0x280  }
0xf9: {  	[sflag:s23] =	ssyncset.done $0x0  }
0xfa: {  	s29 =	simm.s32 $0x0;
	[sflag:s23] =	ssyncadd.s32 $0xFFFFFD80  }
0xfb: {  	s30 =	simm.s32 $0x40;
	v2 =	vld [tilespmem:s29+$0x5000]  }
.LBB2_30:
0xfc: {  	p0 =	sne.s32 s30, $0x9C0;
	v3 =	vld [tilespmem:s29+$0x5280];
	_ =	sdelay $0x2  }
.Ltmp14:
0xfd: {  	(pc) =	sbr.rel @p0 .LBB2_30-.Ltmp14, $4  }
0xfe: {  	_ = 	snop  }
0xff: {  	v3 =	vadd.f32 v2, v3  }
0x100: {  	s31 =	sshra.s32 s30, $0x2  }
0x101: {  	s30 =	sadd.s32 $0x40, s30;
	v2 =	vld [tilespmem:s31+$0x5000];
	[tilespmem:s29+$0x5280] =	vst v3;
	s29 =	smov.u32 s31  }
0x102: {  	v3 =	vld [tilespmem:s29+$0x5280];
	_ =	sdelay $0x4  }
0x103: {  	v2 =	vadd.f32 v2, v3;
	_ =	sdelay $0x1  }
0x104: {  	[tilespmem:s29+$0x5280] =	vst v2  }
0x105: {  	[tilespmem:s25], [sflag:$0x1] =	stream.linear.gather [spmem:s18], $0x280, $0x38;
	[tilespmem:$0x7D00] =	vst v63  }
0x106: {  	_ =	swait.ge [sflag:s23], $0x280  }
0x107: {  	[sflag:s23] =	ssyncset.done $0x0  }
0x108: {  	s29 =	simm.s32 $0x0;
	[sflag:s23] =	ssyncadd.s32 $0xFFFFFD80  }
0x109: {  	s30 =	simm.s32 $0x40;
	v2 =	vld [tilespmem:s29+$0x5000]  }
.LBB2_32:
0x10a: {  	p0 =	sne.s32 s30, $0x9C0;
	v3 =	vld [tilespmem:s29+$0x5280];
	_ =	sdelay $0x2  }
.Ltmp15:
0x10b: {  	(pc) =	sbr.rel @p0 .LBB2_32-.Ltmp15, $4  }
0x10c: {  	_ = 	snop  }
0x10d: {  	v3 =	vadd.f32 v2, v3  }
0x10e: {  	s31 =	sshra.s32 s30, $0x2  }
0x10f: {  	s30 =	sadd.s32 $0x40, s30;
	v2 =	vld [tilespmem:s31+$0x5000];
	[tilespmem:s29+$0x5280] =	vst v3;
	s29 =	smov.u32 s31  }
0x110: {  	v3 =	vld [tilespmem:s29+$0x5280];
	_ =	sdelay $0x4  }
0x111: {  	v2 =	vadd.f32 v2, v3;
	_ =	sdelay $0x1  }
0x112: {  	[tilespmem:s29+$0x5280] =	vst v2  }
0x113: {  	[tilespmem:s25], [sflag:$0x1] =	stream.linear.gather [spmem:s19], $0x280, $0x38;
	[tilespmem:$0x7D00] =	vst v63  }
0x114: {  	_ =	swait.ge [sflag:s23], $0x280  }
0x115: {  	[sflag:s23] =	ssyncset.done $0x0  }
0x116: {  	s29 =	simm.s32 $0x0;
	[sflag:s23] =	ssyncadd.s32 $0xFFFFFD80  }
0x117: {  	s30 =	simm.s32 $0x40;
	v2 =	vld [tilespmem:s29+$0x5000]  }
.LBB2_34:
0x118: {  	p0 =	sne.s32 s30, $0x9C0;
	v3 =	vld [tilespmem:s29+$0x5280];
	_ =	sdelay $0x2  }
.Ltmp16:
0x119: {  	(pc) =	sbr.rel @p0 .LBB2_34-.Ltmp16, $4  }
0x11a: {  	_ = 	snop  }
0x11b: {  	v3 =	vadd.f32 v2, v3  }
0x11c: {  	s31 =	sshra.s32 s30, $0x2  }
0x11d: {  	s30 =	sadd.s32 $0x40, s30;
	v2 =	vld [tilespmem:s31+$0x5000];
	[tilespmem:s29+$0x5280] =	vst v3;
	s29 =	smov.u32 s31  }
0x11e: {  	v3 =	vld [tilespmem:s29+$0x5280];
	_ =	sdelay $0x4  }
0x11f: {  	v2 =	vadd.f32 v2, v3;
	_ =	sdelay $0x1  }
0x120: {  	[tilespmem:s29+$0x5280] =	vst v2  }
0x121: {  	[tilespmem:s25], [sflag:$0x1] =	stream.linear.gather [spmem:s20], $0x280, $0x38;
	[tilespmem:$0x7D00] =	vst v63  }
0x122: {  	_ =	swait.ge [sflag:s23], $0x280  }
0x123: {  	[sflag:s23] =	ssyncset.done $0x0  }
0x124: {  	s29 =	simm.s32 $0x0;
	[sflag:s23] =	ssyncadd.s32 $0xFFFFFD80  }
0x125: {  	s30 =	simm.s32 $0x40;
	v2 =	vld [tilespmem:s29+$0x5000]  }
.LBB2_36:
0x126: {  	p0 =	sne.s32 s30, $0x9C0;
	v3 =	vld [tilespmem:s29+$0x5280];
	_ =	sdelay $0x2  }
.Ltmp17:
0x127: {  	(pc) =	sbr.rel @p0 .LBB2_36-.Ltmp17, $4  }
0x128: {  	_ = 	snop  }
0x129: {  	v3 =	vadd.f32 v2, v3  }
0x12a: {  	s31 =	sshra.s32 s30, $0x2  }
0x12b: {  	s30 =	sadd.s32 $0x40, s30;
	v2 =	vld [tilespmem:s31+$0x5000];
	[tilespmem:s29+$0x5280] =	vst v3;
	s29 =	smov.u32 s31  }
0x12c: {  	v3 =	vld [tilespmem:s29+$0x5280];
	_ =	sdelay $0x4  }
0x12d: {  	s28 =	sadd.s32 $0x1, s28;
	v2 =	vadd.f32 v2, v3  }
0x12e: {  	p0 =	sne.s32 s28, s22  }
.Ltmp18:
0x12f: {  	[tilespmem:s29+$0x5280] =	vst v2;
	(pc) =	sbr.rel @p0 .LBB2_1-.Ltmp18, $4  }
0x130: {  	[hbm4b:s21+s2] =	stream.linear.scatter [tilespmem:s26], [sflag:$0x1], $0x280, $0x38;
	[tilespmem:$0x7D00] =	vst v63  }
0x131: {  	_ =	swait.ge [sflag:s23], $0x280  }
0x132: {  	[sflag:s23] =	ssyncset.done $0x0  }
0x133: {  	[sflag:s23] =	ssyncadd.s32 $0xFFFFFD80  }
0x134: {  	_ =	sfence.sel $0x180000  }
0x135: {  	[bflag:$0x0] =	sbarrier.arrive $0xFFFF  }
0x136: {  	p0 =	sne.s32 s0, $0x0;
	_ =	strace $0x90000047  }
0x137: {  	s0 =	sadd.s32 @!p0 $0x100000, s1;
	[bflag:$0x2] =	sbarrier.arrive $0xFFFF  }
0x138: {  	[sflag:s0] =	ssyncadd.tile.s32 @!p0 $0x1;
	_ =	shalt  }
.Lfunc_end2:
_tile_overlayer_lowered:
.L_overlay_start_2:
0x139: {  	(tag) =	ssettag $0x2  }
0x13a: {  	s0 =	rddreg [dreg:$0x0];
	s2 =	stileid.u32  }
0x13b: {  	s1 =	rddreg [dreg:$0x1];
	p0 =	sne.s32 s2, $0x0  }
0x13c: {  	s3 =	rddreg [dreg:$0x2];
	[bflag:$0x3] =	sbarrier.arrive $0xFFFF;
	s2 =	simm.s32 @!p0 $0x1C01  }
0x13d: {  	[timem:s3], [sflag:s2] =	dma.local @!p0 [hbm:s0], s1  }
0x13e: {  	s0 =	simm.s32 @!p0 $0x1  }
0x13f: {  	_ =	swait.ge @!p0 [sflag:s0], s1  }
0x140: {  	s1 =	ssub.s32 @!p0 $0x0, s1;
	[sflag:s0] =	ssyncset.done @!p0 $0x0  }
0x141: {  	[sflag:s0] =	ssyncadd.s32 @!p0 s1  }
0x142: {  	[bflag:$0x3] =	sbarrier.arrive $0xFFFF  }
0x143: {  	_ =	shalt  }

</sc_bundles>
